<compile_context>
chip_gen: v7x
topology: tpu7x:2x2x1
jax: 0.10.2.dev20260603
libtpu: 0.0.44.dev20260713+nightly
codegen_flags: <defaults>
</compile_context>

<pallas_src>
import functools

import jax
import jax.numpy as jnp
from jax import lax
from jax.experimental import pallas as pl
from jax.experimental.pallas import tpu as pltpu
from jax.experimental.pallas import tpu_sc as plsc

F32 = jnp.float32

NC = 2
NS = 16
LANES = 16
GK = 4
GROUP = GK * 128
DGROUP = 1024


def _sc_deg_call(dstp, nslab, epad, mesh):
    nw = NC * NS
    epw = epad // nw

    def body(dst_ref, out_ref, didx, hist):
        c = lax.axis_index("c")
        s = lax.axis_index("s")
        w = s * NC + c
        z16 = jnp.zeros((LANES,), F32)

        def zb(i, _):
            hist[pl.ds(i * LANES, LANES)] = z16
            return 0

        lax.fori_loop(0, nslab // LANES, zb, 0)
        ones16 = jnp.ones((LANES,), F32)

        def gb(g, _):
            e0 = w * epw + g * DGROUP
            pltpu.sync_copy(dst_ref.at[pl.ds(e0, DGROUP)], didx)

            def ib(i, _):
                v = didx[pl.ds(i * LANES, LANES)]
                plsc.addupdate_scatter(hist, [v], ones16)
                return 0

            lax.fori_loop(0, DGROUP // LANES, ib, 0)
            return 0

        lax.fori_loop(0, epw // DGROUP, gb, 0)
        pltpu.sync_copy(hist, out_ref.at[w])

    f = pl.kernel(
        body,
        out_type=jax.ShapeDtypeStruct((nw, nslab), F32),
        mesh=mesh,
        scratch_types=[
            pltpu.VMEM((DGROUP,), jnp.int32),
            pltpu.VMEM((nslab,), F32),
        ],
        compiler_params=pltpu.CompilerParams(needs_layout_passes=False),
    )
    return f(dstp)


def _sc_layer_call(h2, gir, dstr, zeros, nslab, ept, mesh):
    rpt = ept // 128
    zpt = nslab // NS
    ngroups = ept // GROUP

    def body(h2_ref, gi_ref, dst_ref, z_ref, out_ref,
             gidx, didx, rows, slab, gsem, ssem, isem):
        c = lax.axis_index("c")
        s = lax.axis_index("s")
        pltpu.sync_copy(z_ref.at[pl.ds(s * zpt, zpt)],
                        slab.at[pl.ds(s * zpt, zpt)])
        plsc.subcore_barrier()

        def prefetch_idx(g, p):
            e0 = s * ept + g * GROUP
            pltpu.async_copy(gi_ref.at[c, pl.ds(e0, GROUP)], gidx.at[p], isem)
            pltpu.async_copy(dst_ref.at[pl.ds(e0, GROUP)], didx.at[p], isem)

        def wait_idx(g, p):
            e0 = s * ept + g * GROUP
            pltpu.make_async_copy(gi_ref.at[c, pl.ds(e0, GROUP)],
                                  gidx.at[p], isem).wait()
            pltpu.make_async_copy(dst_ref.at[pl.ds(e0, GROUP)],
                                  didx.at[p], isem).wait()

        def fire_gather(p):
            pltpu.async_copy(h2_ref.at[gidx.at[p]], rows.at[p], gsem)

        def wait_gather(p):
            pltpu.make_async_copy(h2_ref.at[gidx.at[p]], rows.at[p],
                                  gsem).wait()

        def fire_scatter(p):
            pltpu.async_copy(rows.at[p], slab.at[didx.at[p]], ssem, add=True)

        def drain_scatter(p):
            pltpu.make_async_copy(rows.at[p], slab.at[didx.at[p]],
                                  ssem).wait()

        prefetch_idx(0, 0)
        prefetch_idx(1, 1)
        wait_idx(0, 0)
        fire_gather(0)

        def gb(g, _):
            r = lax.rem(g, 3)
            r1 = lax.rem(g + 1, 3)
            r2 = lax.rem(g + 2, 3)

            @pl.when(g < ngroups - 1)
            def _():
                wait_idx(g + 1, r1)
                fire_gather(r1)

            @pl.when(g >= 1)
            def _():
                drain_scatter(r2)

            @pl.when(g < ngroups - 2)
            def _():
                prefetch_idx(g + 2, r2)

            wait_gather(r)
            fire_scatter(r)
            return 0

        lax.fori_loop(0, ngroups, gb, 0)
        drain_scatter(lax.rem(ngroups - 1, 3))
        plsc.subcore_barrier()
        pltpu.sync_copy(slab.at[pl.ds(s * zpt, zpt)],
                        out_ref.at[c, pl.ds(s * zpt, zpt)])

    f = pl.kernel(
        body,
        out_type=jax.ShapeDtypeStruct((NC, nslab, LANES), F32),
        mesh=mesh,
        scratch_types=[
            pltpu.VMEM((3, GROUP), jnp.int32),
            pltpu.VMEM((3, GROUP), jnp.int32),
            pltpu.VMEM((3, GROUP, LANES), F32),
            pltpu.VMEM_SHARED((nslab, LANES), F32),
            pltpu.SemaphoreType.DMA,
            pltpu.SemaphoreType.DMA,
            pltpu.SemaphoreType.DMA,
        ],
        compiler_params=pltpu.CompilerParams(use_tc_tiling_on_sc=False),
    )
    return f(h2, gir, dstr, zeros)


def _tc_proj(xt, w1t, b1t, w2t, b2t, lanes_blk):
    f_in, nsl = xt.shape
    d = w2t.shape[0]
    hid = w1t.shape[0]

    def body(x_ref, w1_ref, b1_ref, w2_ref, b2_ref, h_ref):
        z = jnp.dot(w1_ref[...], x_ref[...], preferred_element_type=F32)
        z = jnp.maximum(z + b1_ref[...], 0.0)
        h_ref[...] = jnp.dot(w2_ref[...], z,
                             preferred_element_type=F32) + b2_ref[...]

    return pl.pallas_call(
        body,
        grid=(nsl // lanes_blk,),
        in_specs=[
            pl.BlockSpec((f_in, lanes_blk), lambda i: (0, i)),
            pl.BlockSpec((hid, f_in), lambda i: (0, 0)),
            pl.BlockSpec((hid, 1), lambda i: (0, 0)),
            pl.BlockSpec((d, hid), lambda i: (0, 0)),
            pl.BlockSpec((d, 1), lambda i: (0, 0)),
        ],
        out_specs=pl.BlockSpec((d, lanes_blk), lambda i: (0, i)),
        out_shape=jax.ShapeDtypeStruct((d, nsl), F32),
    )(xt, w1t, b1t, w2t, b2t)


def _tc_block(ht, a0t, a1t, degp, w1ht, w1at, w1bt, b1t, w2t, b2t,
              gam, bet, lanes_blk):
    d, nsl = ht.shape
    hid = w2t.shape[1]
    nw = degp.shape[0]

    def body(h_ref, a0_ref, a1_ref, degp_ref, w1h_ref, w1a_ref, w1b_ref,
             b1_ref, w2_ref, b2_ref, gam_ref, bet_ref, o_ref):
        h_ = h_ref[...]
        deg = jnp.sum(degp_ref[...], axis=0, keepdims=True)
        di = 1.0 / jnp.maximum(deg, 1.0)
        z = (jnp.dot(w1h_ref[...], h_, preferred_element_type=F32)
             + jnp.dot(w1a_ref[...], a0_ref[...] * di,
                       preferred_element_type=F32)
             + jnp.dot(w1b_ref[...], a1_ref[...] * di,
                       preferred_element_type=F32)
             + b1_ref[...])
        z = jnp.maximum(z, 0.0)
        hn = jnp.dot(w2_ref[...], z, preferred_element_type=F32) + b2_ref[...]
        r = h_ + hn
        mu = jnp.mean(r, axis=0, keepdims=True)
        var = jnp.mean((r - mu) ** 2, axis=0, keepdims=True)
        o_ref[...] = ((r - mu) / jnp.sqrt(var + 1e-5) * gam_ref[...]
                      + bet_ref[...])

    return pl.pallas_call(
        body,
        grid=(nsl // lanes_blk,),
        in_specs=[
            pl.BlockSpec((d, lanes_blk), lambda i: (0, i)),
            pl.BlockSpec((LANES, lanes_blk), lambda i: (0, i)),
            pl.BlockSpec((LANES, lanes_blk), lambda i: (0, i)),
            pl.BlockSpec((nw, lanes_blk), lambda i: (0, i)),
            pl.BlockSpec((hid, d), lambda i: (0, 0)),
            pl.BlockSpec((hid, LANES), lambda i: (0, 0)),
            pl.BlockSpec((hid, LANES), lambda i: (0, 0)),
            pl.BlockSpec((hid, 1), lambda i: (0, 0)),
            pl.BlockSpec((d, hid), lambda i: (0, 0)),
            pl.BlockSpec((d, 1), lambda i: (0, 0)),
            pl.BlockSpec((d, 1), lambda i: (0, 0)),
            pl.BlockSpec((d, 1), lambda i: (0, 0)),
        ],
        out_specs=pl.BlockSpec((d, lanes_blk), lambda i: (0, i)),
        out_shape=jax.ShapeDtypeStruct((d, nsl), F32),
    )(ht, a0t, a1t, degp, w1ht, w1at, w1bt, b1t, w2t, b2t, gam, bet)


def _tc_out(ht, w1t, b1t, w2t, b2t, lanes_blk):
    d, nsl = ht.shape
    hid = w1t.shape[0]

    def body(h_ref, w1_ref, b1_ref, w2_ref, b2_ref, o_ref):
        z = jnp.dot(w1_ref[...], h_ref[...], preferred_element_type=F32)
        z = jnp.maximum(z + b1_ref[...], 0.0)
        o_ref[...] = jnp.dot(w2_ref[...], z,
                             preferred_element_type=F32) + b2_ref[...]

    return pl.pallas_call(
        body,
        grid=(nsl // lanes_blk,),
        in_specs=[
            pl.BlockSpec((d, lanes_blk), lambda i: (0, i)),
            pl.BlockSpec((hid, d), lambda i: (0, 0)),
            pl.BlockSpec((hid, 1), lambda i: (0, 0)),
            pl.BlockSpec((1, hid), lambda i: (0, 0)),
            pl.BlockSpec((1, 1), lambda i: (0, 0)),
        ],
        out_specs=pl.BlockSpec((1, lanes_blk), lambda i: (0, i)),
        out_shape=jax.ShapeDtypeStruct((1, nsl), F32),
    )(ht, w1t, b1t, w2t, b2t)


def kernel(edge_features, params, lg_edge_index):
    n, f_in = edge_features.shape
    e = lg_edge_index.shape[1]
    d = params['proj_W2'].shape[1]

    src = lg_edge_index[0]
    dst = lg_edge_index[1]

    ept = -(-e // (NS * GROUP)) * GROUP
    epad = ept * NS
    pad = epad - e
    nslab = (n // 512 + 1) * 512

    src2 = src * 2
    gi = jnp.stack([src2, src2 + 1])
    gir = jnp.pad(gi, ((0, 0), (0, pad)))
    dstp = jnp.pad(dst, (0, pad), constant_values=n)
    dstr = dstp
    zeros = jnp.zeros((nslab, LANES), F32)

    mesh = plsc.VectorSubcoreMesh(core_axis_name="c", subcore_axis_name="s",
                                  num_cores=NC, num_subcores=NS)

    degp = _sc_deg_call(dstp, nslab, epad, mesh)

    lanes_blk = 2048
    xt = jnp.pad(edge_features.T, ((0, 0), (0, nslab - n)))
    p = params
    ht = _tc_proj(xt, p['proj_W1'].T, p['proj_b1'][:, None],
                  p['proj_W2'].T, p['proj_b2'][:, None], lanes_blk)

    for blk in p['blocks']:
        h2 = ht.T.reshape(nslab * 2, LANES)
        aggs = _sc_layer_call(h2, gir, dstr, zeros, nslab, ept, mesh)
        w1 = blk['W1']
        ht = _tc_block(ht, aggs[0].T, aggs[1].T, degp,
                       w1[:d].T, w1[d:d + LANES].T, w1[d + LANES:].T,
                       blk['b1'][:, None], blk['W2'].T, blk['b2'][:, None],
                       blk['gamma'][:, None], blk['beta'][:, None],
                       lanes_blk)

    ot = _tc_out(ht, p['out_W1'].T, p['out_b1'][:, None],
                 p['out_W2'].T, p['out_b2'][:, None], lanes_blk)
    return ot[0, :n, None]

# --- scband reference (transcript-rebuilt; emitter-appended) ---
"""Pipeline reference for scband-mukara-59030030516893 (READ-ONLY COPY).

The authoritative reference and input builder live on the scoring server;
editing this copy changes nothing except your own understanding.
"""

import jax, jax.numpy as jnp
import numpy as np

N = 100000   # line-graph nodes (= edges of original graph)
E = 1600000  # line-graph edges
F_IN = 16
D = 32       # embedding_dim
L = 3        # gnn_layers


def _mlp(x, W1, b1, W2, b2):
    h = jnp.dot(x, W1) + b1
    h = jax.nn.relu(h)
    return jnp.dot(h, W2) + b2


def _layer_norm(x, gamma, beta, eps=1e-5):
    mu = jnp.mean(x, axis=-1, keepdims=True)
    var = jnp.var(x, axis=-1, keepdims=True)
    return (x - mu) / jnp.sqrt(var + eps) * gamma + beta


def setup_inputs(seed: int = 0) -> dict:
    key = jax.random.key(seed)
    ks = jax.random.split(key, 8 + 8 * L)
    edge_features = jax.random.normal(ks[0], (N, F_IN), dtype=jnp.float32)
    lg_edge_index = jax.random.randint(ks[1], (2, E), 0, N, dtype=jnp.int32)

    def w(k, shape):
        return (jax.random.normal(k, shape, dtype=jnp.float32) * 0.05).astype(jnp.float32)

    params = {
        'proj_W1': w(ks[2], (F_IN, 128)), 'proj_b1': jnp.zeros((128,), jnp.float32),
        'proj_W2': w(ks[3], (128, D)),   'proj_b2': jnp.zeros((D,), jnp.float32),
        'out_W1': w(ks[4], (D, 128)),    'out_b1': jnp.zeros((128,), jnp.float32),
        'out_W2': w(ks[5], (128, 1)),    'out_b2': jnp.zeros((1,), jnp.float32),
        'blocks': [],
    }
    for i in range(L):
        k0 = ks[6 + 2 * i]
        k1 = ks[7 + 2 * i]
        params['blocks'].append({
            'W1': w(k0, (2 * D, 128)), 'b1': jnp.zeros((128,), jnp.float32),
            'W2': w(k1, (128, D)),     'b2': jnp.zeros((D,), jnp.float32),
            'gamma': jnp.ones((D,), jnp.float32), 'beta': jnp.zeros((D,), jnp.float32),
        })
    return {'edge_features': edge_features, 'params': params, 'lg_edge_index': lg_edge_index}


def reference(edge_features, params, lg_edge_index):
    src = lg_edge_index[0]
    dst = lg_edge_index[1]
    # edge_proj
    h = _mlp(edge_features, params['proj_W1'], params['proj_b1'], params['proj_W2'], params['proj_b2'])
    # in-degree for mean reduce (DGL mean gives 0 for isolated nodes)
    deg = jax.ops.segment_sum(jnp.ones((E,), jnp.float32), dst, num_segments=N)
    deg = jnp.maximum(deg, 1.0)
    for blk in params['blocks']:
        msg = jnp.take(h, src, axis=0)                      # copy_u
        agg = jax.ops.segment_sum(msg, dst, num_segments=N) # scatter-add
        agg = agg / deg[:, None]                            # mean
        h_new = _mlp(jnp.concatenate([h, agg], axis=-1), blk['W1'], blk['b1'], blk['W2'], blk['b2'])
        h = _layer_norm(h + h_new, blk['gamma'], blk['beta'])
    out = _mlp(h, params['out_W1'], params['out_b1'], params['out_W2'], params['out_b2'])
    return out

if __name__ == "__main__":
    import jax
    _d = setup_inputs()
    print(jax.jit(kernel)(*tuple(_d.values())))

</pallas_src>

<mosaic_0001>
#map = affine_map<(d0, d1) -> (0, 0)>
#map1 = affine_map<(d0, d1) -> (0)>
#map2 = affine_map<(d0, d1) -> (0, 0, 0)>
module attributes {stable_mosaic.version = 14 : i64} {
  func.func @body(%arg0: i32, %arg1: i32, %arg2: memref<200704x16xf32, #tpu.memory_space<hbm>>, %arg3: memref<2x1605632xi32, #tpu.memory_space<hbm>>, %arg4: memref<1605632xi32, #tpu.memory_space<hbm>>, %arg5: memref<100352x16xf32, #tpu.memory_space<hbm>>, %arg6: memref<2x100352x16xf32, #tpu.memory_space<hbm>>, %arg7: memref<3x512xi32, #tpu.memory_space<vmem>>, %arg8: memref<3x512xi32, #tpu.memory_space<vmem>>, %arg9: memref<3x512x16xf32, #tpu.memory_space<vmem>>, %arg10: memref<100352x16xf32, #tpu.memory_space<vmem_shared>>, %arg11: memref<!tpu.dma_semaphore, #tpu.memory_space<semaphore_mem>>, %arg12: memref<!tpu.dma_semaphore, #tpu.memory_space<semaphore_mem>>, %arg13: memref<!tpu.dma_semaphore, #tpu.memory_space<semaphore_mem>>) attributes {dimension_semantics = [#tpu.dimension_semantics<core_parallel>, #tpu.dimension_semantics<subcore_parallel>], iteration_bounds = array<i64: 2, 16>, scalar_prefetch = 0 : i64, scratch_operands = 7 : i64, tpu.core_type = #tpu.core_type<sc_vector_subcore>, window_params = [{transform_indices = #map}, {transform_indices = #map}, {transform_indices = #map1}, {transform_indices = #map}, {transform_indices = #map2}]} {
    %mul3A = arith.constant 6272 : i32
    %mul3A_0 = arith.muli %arg1, %mul3A : i32
    %mul3A_1 = arith.constant 6272 : i32
    %mul3A_2 = arith.muli %arg1, %mul3A_1 : i32
    "tpu.region"() ({
      %run_scoped3A = tpu.sem_alloc : memref<!tpu.dma_semaphore, #tpu.memory_space<semaphore_mem>>
      %dma_start3A_107 = arith.constant 0 : i32
      %dma_start3A_108 = tpu.memref_slice %arg10[%mul3A_2, %dma_start3A_107] : memref<100352x16xf32, #tpu.memory_space<vmem_shared>> -> memref<6272x16xf32, #tpu.memory_space<vmem_shared>>
      %dma_start3A_109 = arith.constant 0 : i32
      %dma_start3A_110 = tpu.memref_slice %arg5[%mul3A_0, %dma_start3A_109] : memref<100352x16xf32, #tpu.memory_space<hbm>> -> memref<6272x16xf32, #tpu.memory_space<hbm>>
      tpu.enqueue_dma source(%dma_start3A_110 : memref<6272x16xf32, #tpu.memory_space<hbm>>) target(%dma_start3A_108 : memref<6272x16xf32, #tpu.memory_space<vmem_shared>>) target_semaphore(%run_scoped3A : memref<!tpu.dma_semaphore, #tpu.memory_space<semaphore_mem>>)
      %dma_wait3A_111 = arith.constant 0 : i32
      %dma_wait3A_112 = tpu.memref_slice %arg10[%mul3A_2, %dma_wait3A_111] : memref<100352x16xf32, #tpu.memory_space<vmem_shared>> -> memref<6272x16xf32, #tpu.memory_space<vmem_shared>>
      %dma_wait3A_113 = arith.constant 0 : i32
      %dma_wait3A_114 = tpu.memref_slice %arg5[%mul3A_0, %dma_wait3A_113] : memref<100352x16xf32, #tpu.memory_space<hbm>> -> memref<6272x16xf32, #tpu.memory_space<hbm>>
      tpu.wait_dma2 semaphore(%run_scoped3A : memref<!tpu.dma_semaphore, #tpu.memory_space<semaphore_mem>>) src(%dma_wait3A_114 : memref<6272x16xf32, #tpu.memory_space<hbm>>) dst(%dma_wait3A_112 : memref<6272x16xf32, #tpu.memory_space<vmem_shared>>)
      tpu.yield
    }) : () -> ()
    %barrier3A = arith.constant 0 : index
    tpu.barrier barrier_id(%barrier3A)
    %mul3A_3 = arith.constant 100352 : i32
    %mul3A_4 = arith.muli %arg1, %mul3A_3 : i32
    %add3A = arith.constant 0 : i32
    %add3A_5 = arith.addi %mul3A_4, %add3A : i32
    %dma_start3A = arith.constant 0 : i32
    %dma_start3A_6 = arith.constant 0 : i32
    %dma_start3A_7 = tpu.memref_slice %arg7[%dma_start3A, %dma_start3A_6] : memref<3x512xi32, #tpu.memory_space<vmem>> -> memref<1x512xi32, #tpu.memory_space<vmem>>
    %dma_start3A_8 = tpu.memref_squeeze %dma_start3A_7 : memref<1x512xi32, #tpu.memory_space<vmem>> -> memref<512xi32, #tpu.memory_space<vmem>>
    %dma_start3A_9 = tpu.memref_slice %arg3[%arg0, %add3A_5] : memref<2x1605632xi32, #tpu.memory_space<hbm>> -> memref<1x512xi32, #tpu.memory_space<hbm>>
    %dma_start3A_10 = tpu.memref_squeeze %dma_start3A_9 : memref<1x512xi32, #tpu.memory_space<hbm>> -> memref<512xi32, #tpu.memory_space<hbm>>
    %dma_start3A_11 = arith.constant 0 : i32
    %dma_start3A_12 = tpu.memref_slice %arg7[%dma_start3A, %dma_start3A_11] : memref<3x512xi32, #tpu.memory_space<vmem>> -> memref<1x512xi32, #tpu.memory_space<vmem>>
    %dma_start3A_13 = tpu.memref_squeeze %dma_start3A_12 : memref<1x512xi32, #tpu.memory_space<vmem>> -> memref<512xi32, #tpu.memory_space<vmem>>
    %dma_start3A_14 = tpu.memref_slice %arg3[%arg0, %add3A_5] : memref<2x1605632xi32, #tpu.memory_space<hbm>> -> memref<1x512xi32, #tpu.memory_space<hbm>>
    %dma_start3A_15 = tpu.memref_squeeze %dma_start3A_14 : memref<1x512xi32, #tpu.memory_space<hbm>> -> memref<512xi32, #tpu.memory_space<hbm>>
    tpu.enqueue_dma source(%dma_start3A_15 : memref<512xi32, #tpu.memory_space<hbm>>) target(%dma_start3A_13 : memref<512xi32, #tpu.memory_space<vmem>>) target_semaphore(%arg13 : memref<!tpu.dma_semaphore, #tpu.memory_space<semaphore_mem>>)
    %dma_start3A_16 = arith.constant 0 : i32
    %dma_start3A_17 = arith.constant 0 : i32
    %dma_start3A_18 = tpu.memref_slice %arg8[%dma_start3A_16, %dma_start3A_17] : memref<3x512xi32, #tpu.memory_space<vmem>> -> memref<1x512xi32, #tpu.memory_space<vmem>>
    %dma_start3A_19 = tpu.memref_squeeze %dma_start3A_18 : memref<1x512xi32, #tpu.memory_space<vmem>> -> memref<512xi32, #tpu.memory_space<vmem>>
    %dma_start3A_20 = tpu.memref_slice %arg4[%add3A_5] : memref<1605632xi32, #tpu.memory_space<hbm>> -> memref<512xi32, #tpu.memory_space<hbm>>
    %dma_start3A_21 = arith.constant 0 : i32
    %dma_start3A_22 = tpu.memref_slice %arg8[%dma_start3A_16, %dma_start3A_21] : memref<3x512xi32, #tpu.memory_space<vmem>> -> memref<1x512xi32, #tpu.memory_space<vmem>>
    %dma_start3A_23 = tpu.memref_squeeze %dma_start3A_22 : memref<1x512xi32, #tpu.memory_space<vmem>> -> memref<512xi32, #tpu.memory_space<vmem>>
    %dma_start3A_24 = tpu.memref_slice %arg4[%add3A_5] : memref<1605632xi32, #tpu.memory_space<hbm>> -> memref<512xi32, #tpu.memory_space<hbm>>
    tpu.enqueue_dma source(%dma_start3A_24 : memref<512xi32, #tpu.memory_space<hbm>>) target(%dma_start3A_23 : memref<512xi32, #tpu.memory_space<vmem>>) target_semaphore(%arg13 : memref<!tpu.dma_semaphore, #tpu.memory_space<semaphore_mem>>)
    %mul3A_25 = arith.constant 100352 : i32
    %mul3A_26 = arith.muli %arg1, %mul3A_25 : i32
    %add3A_27 = arith.constant 512 : i32
    %add3A_28 = arith.addi %mul3A_26, %add3A_27 : i32
    %dma_start3A_29 = arith.constant 1 : i32
    %dma_start3A_30 = arith.constant 0 : i32
    %dma_start3A_31 = tpu.memref_slice %arg7[%dma_start3A_29, %dma_start3A_30] : memref<3x512xi32, #tpu.memory_space<vmem>> -> memref<1x512xi32, #tpu.memory_space<vmem>>
    %dma_start3A_32 = tpu.memref_squeeze %dma_start3A_31 : memref<1x512xi32, #tpu.memory_space<vmem>> -> memref<512xi32, #tpu.memory_space<vmem>>
    %dma_start3A_33 = tpu.memref_slice %arg3[%arg0, %add3A_28] : memref<2x1605632xi32, #tpu.memory_space<hbm>> -> memref<1x512xi32, #tpu.memory_space<hbm>>
    %dma_start3A_34 = tpu.memref_squeeze %dma_start3A_33 : memref<1x512xi32, #tpu.memory_space<hbm>> -> memref<512xi32, #tpu.memory_space<hbm>>
    %dma_start3A_35 = arith.constant 0 : i32
    %dma_start3A_36 = tpu.memref_slice %arg7[%dma_start3A_29, %dma_start3A_35] : memref<3x512xi32, #tpu.memory_space<vmem>> -> memref<1x512xi32, #tpu.memory_space<vmem>>
    %dma_start3A_37 = tpu.memref_squeeze %dma_start3A_36 : memref<1x512xi32, #tpu.memory_space<vmem>> -> memref<512xi32, #tpu.memory_space<vmem>>
    %dma_start3A_38 = tpu.memref_slice %arg3[%arg0, %add3A_28] : memref<2x1605632xi32, #tpu.memory_space<hbm>> -> memref<1x512xi32, #tpu.memory_space<hbm>>
    %dma_start3A_39 = tpu.memref_squeeze %dma_start3A_38 : memref<1x512xi32, #tpu.memory_space<hbm>> -> memref<512xi32, #tpu.memory_space<hbm>>
    tpu.enqueue_dma source(%dma_start3A_39 : memref<512xi32, #tpu.memory_space<hbm>>) target(%dma_start3A_37 : memref<512xi32, #tpu.memory_space<vmem>>) target_semaphore(%arg13 : memref<!tpu.dma_semaphore, #tpu.memory_space<semaphore_mem>>)
    %dma_start3A_40 = arith.constant 1 : i32
    %dma_start3A_41 = arith.constant 0 : i32
    %dma_start3A_42 = tpu.memref_slice %arg8[%dma_start3A_40, %dma_start3A_41] : memref<3x512xi32, #tpu.memory_space<vmem>> -> memref<1x512xi32, #tpu.memory_space<vmem>>
    %dma_start3A_43 = tpu.memref_squeeze %dma_start3A_42 : memref<1x512xi32, #tpu.memory_space<vmem>> -> memref<512xi32, #tpu.memory_space<vmem>>
    %dma_start3A_44 = tpu.memref_slice %arg4[%add3A_28] : memref<1605632xi32, #tpu.memory_space<hbm>> -> memref<512xi32, #tpu.memory_space<hbm>>
    %dma_start3A_45 = arith.constant 0 : i32
    %dma_start3A_46 = tpu.memref_slice %arg8[%dma_start3A_40, %dma_start3A_45] : memref<3x512xi32, #tpu.memory_space<vmem>> -> memref<1x512xi32, #tpu.memory_space<vmem>>
    %dma_start3A_47 = tpu.memref_squeeze %dma_start3A_46 : memref<1x512xi32, #tpu.memory_space<vmem>> -> memref<512xi32, #tpu.memory_space<vmem>>
    %dma_start3A_48 = tpu.memref_slice %arg4[%add3A_28] : memref<1605632xi32, #tpu.memory_space<hbm>> -> memref<512xi32, #tpu.memory_space<hbm>>
    tpu.enqueue_dma source(%dma_start3A_48 : memref<512xi32, #tpu.memory_space<hbm>>) target(%dma_start3A_47 : memref<512xi32, #tpu.memory_space<vmem>>) target_semaphore(%arg13 : memref<!tpu.dma_semaphore, #tpu.memory_space<semaphore_mem>>)
    %mul3A_49 = arith.constant 100352 : i32
    %mul3A_50 = arith.muli %arg1, %mul3A_49 : i32
    %add3A_51 = arith.constant 0 : i32
    %add3A_52 = arith.addi %mul3A_50, %add3A_51 : i32
    %dma_wait3A = arith.constant 0 : i32
    %dma_wait3A_53 = arith.constant 0 : i32
    %dma_wait3A_54 = tpu.memref_slice %arg7[%dma_wait3A, %dma_wait3A_53] : memref<3x512xi32, #tpu.memory_space<vmem>> -> memref<1x512xi32, #tpu.memory_space<vmem>>
    %dma_wait3A_55 = tpu.memref_squeeze %dma_wait3A_54 : memref<1x512xi32, #tpu.memory_space<vmem>> -> memref<512xi32, #tpu.memory_space<vmem>>
    %dma_wait3A_56 = tpu.memref_slice %arg3[%arg0, %add3A_52] : memref<2x1605632xi32, #tpu.memory_space<hbm>> -> memref<1x512xi32, #tpu.memory_space<hbm>>
    %dma_wait3A_57 = tpu.memref_squeeze %dma_wait3A_56 : memref<1x512xi32, #tpu.memory_space<hbm>> -> memref<512xi32, #tpu.memory_space<hbm>>
    %dma_wait3A_58 = arith.constant 0 : i32
    %dma_wait3A_59 = tpu.memref_slice %arg7[%dma_wait3A, %dma_wait3A_58] : memref<3x512xi32, #tpu.memory_space<vmem>> -> memref<1x512xi32, #tpu.memory_space<vmem>>
    %dma_wait3A_60 = tpu.memref_squeeze %dma_wait3A_59 : memref<1x512xi32, #tpu.memory_space<vmem>> -> memref<512xi32, #tpu.memory_space<vmem>>
    %dma_wait3A_61 = tpu.memref_slice %arg3[%arg0, %add3A_52] : memref<2x1605632xi32, #tpu.memory_space<hbm>> -> memref<1x512xi32, #tpu.memory_space<hbm>>
    %dma_wait3A_62 = tpu.memref_squeeze %dma_wait3A_61 : memref<1x512xi32, #tpu.memory_space<hbm>> -> memref<512xi32, #tpu.memory_space<hbm>>
    tpu.wait_dma2 semaphore(%arg13 : memref<!tpu.dma_semaphore, #tpu.memory_space<semaphore_mem>>) src(%dma_wait3A_62 : memref<512xi32, #tpu.memory_space<hbm>>) dst(%dma_wait3A_60 : memref<512xi32, #tpu.memory_space<vmem>>)
    %dma_wait3A_63 = arith.constant 0 : i32
    %dma_wait3A_64 = arith.constant 0 : i32
    %dma_wait3A_65 = tpu.memref_slice %arg8[%dma_wait3A_63, %dma_wait3A_64] : memref<3x512xi32, #tpu.memory_space<vmem>> -> memref<1x512xi32, #tpu.memory_space<vmem>>
    %dma_wait3A_66 = tpu.memref_squeeze %dma_wait3A_65 : memref<1x512xi32, #tpu.memory_space<vmem>> -> memref<512xi32, #tpu.memory_space<vmem>>
    %dma_wait3A_67 = tpu.memref_slice %arg4[%add3A_52] : memref<1605632xi32, #tpu.memory_space<hbm>> -> memref<512xi32, #tpu.memory_space<hbm>>
    %dma_wait3A_68 = arith.constant 0 : i32
    %dma_wait3A_69 = tpu.memref_slice %arg8[%dma_wait3A_63, %dma_wait3A_68] : memref<3x512xi32, #tpu.memory_space<vmem>> -> memref<1x512xi32, #tpu.memory_space<vmem>>
    %dma_wait3A_70 = tpu.memref_squeeze %dma_wait3A_69 : memref<1x512xi32, #tpu.memory_space<vmem>> -> memref<512xi32, #tpu.memory_space<vmem>>
    %dma_wait3A_71 = tpu.memref_slice %arg4[%add3A_52] : memref<1605632xi32, #tpu.memory_space<hbm>> -> memref<512xi32, #tpu.memory_space<hbm>>
    tpu.wait_dma2 semaphore(%arg13 : memref<!tpu.dma_semaphore, #tpu.memory_space<semaphore_mem>>) src(%dma_wait3A_71 : memref<512xi32, #tpu.memory_space<hbm>>) dst(%dma_wait3A_70 : memref<512xi32, #tpu.memory_space<vmem>>)
    %dma_start3A_72 = arith.constant 0 : i32
    %dma_start3A_73 = arith.constant 0 : i32
    %dma_start3A_74 = arith.constant 0 : i32
    %dma_start3A_75 = arith.constant 0 : i32
    %dma_start3A_76 = tpu.memref_slice %arg9[%dma_start3A_73, %dma_start3A_74, %dma_start3A_75] : memref<3x512x16xf32, #tpu.memory_space<vmem>> -> memref<1x512x16xf32, #tpu.memory_space<vmem>>
    %dma_start3A_77 = tpu.memref_squeeze %dma_start3A_76 : memref<1x512x16xf32, #tpu.memory_space<vmem>> -> memref<512x16xf32, #tpu.memory_space<vmem>>
    %dma_start3A_78 = arith.constant 0 : i32
    %dma_start3A_79 = tpu.memref_slice %arg7[%dma_start3A_72, %dma_start3A_78] : memref<3x512xi32, #tpu.memory_space<vmem>> -> memref<1x512xi32, #tpu.memory_space<vmem>>
    %dma_start3A_80 = tpu.memref_squeeze %dma_start3A_79 : memref<1x512xi32, #tpu.memory_space<vmem>> -> memref<512xi32, #tpu.memory_space<vmem>>
    %dma_start3A_81 = arith.constant 0 : i32
    %dma_start3A_82 = arith.constant 0 : i32
    %dma_start3A_83 = tpu.memref_slice %arg2[%dma_start3A_81, %dma_start3A_82] : memref<200704x16xf32, #tpu.memory_space<hbm>> -> memref<200704x16xf32, #tpu.memory_space<hbm>>
    tpu.enqueue_indirect_dma source(%dma_start3A_83 : memref<200704x16xf32, #tpu.memory_space<hbm>>) target(%dma_start3A_77 : memref<512x16xf32, #tpu.memory_space<vmem>>) offsets(%dma_start3A_80 : memref<512xi32, #tpu.memory_space<vmem>>) semaphore(%arg11 : memref<!tpu.dma_semaphore, #tpu.memory_space<semaphore_mem>>)
    %scan3A = arith.constant 0 : i32
    %scan3A_84 = arith.constant 0 : i32
    %scan3A_85 = arith.constant 196 : i32
    %scan3A_86 = arith.addi %scan3A_84, %scan3A_85 : i32
    %scan3A_87 = arith.constant 1 : i32
    %scan3A_88 = scf.for %scan3A_107 = %scan3A_84 to %scan3A_86 step %scan3A_87 iter_args(%scan3A_108 = %scan3A) -> (i32)  : i32 {
      %rem3A_109 = arith.constant 3 : i32
      %rem3A_110 = arith.remsi %scan3A_107, %rem3A_109 : i32
      %add3A_111 = arith.constant 1 : i32
      %add3A_112 = arith.addi %scan3A_107, %add3A_111 : i32
      %rem3A_113 = arith.constant 3 : i32
      %rem3A_114 = arith.remsi %add3A_112, %rem3A_113 : i32
      %add3A_115 = arith.constant 2 : i32
      %add3A_116 = arith.addi %scan3A_107, %add3A_115 : i32
      %rem3A_117 = arith.constant 3 : i32
      %rem3A_118 = arith.remsi %add3A_116, %rem3A_117 : i32
      %lt3A = arith.constant 195 : i32
      %lt3A_119 = arith.cmpi slt, %scan3A_107, %lt3A : i32
      %convert_element_type3A = arith.extui %lt3A_119 : i1 to i32
      %cond3A = arith.constant 0 : i32
      %cond3A_120 = arith.cmpi ne, %convert_element_type3A, %cond3A : i32
      scf.if %cond3A_120 {
        %add3A_151 = arith.constant 1 : i32
        %add3A_152 = arith.addi %scan3A_107, %add3A_151 : i32
        %mul3A_153 = arith.constant 100352 : i32
        %mul3A_154 = arith.muli %arg1, %mul3A_153 : i32
        %mul3A_155 = arith.constant 512 : i32
        %mul3A_156 = arith.muli %add3A_152, %mul3A_155 : i32
        %add3A_157 = arith.addi %mul3A_154, %mul3A_156 : i32
        %dma_wait3A_158 = arith.constant 0 : i32
        %dma_wait3A_159 = tpu.memref_slice %arg7[%rem3A_114, %dma_wait3A_158] : memref<3x512xi32, #tpu.memory_space<vmem>> -> memref<1x512xi32, #tpu.memory_space<vmem>>
        %dma_wait3A_160 = tpu.memref_squeeze %dma_wait3A_159 : memref<1x512xi32, #tpu.memory_space<vmem>> -> memref<512xi32, #tpu.memory_space<vmem>>
        %dma_wait3A_161 = tpu.memref_slice %arg3[%arg0, %add3A_157] : memref<2x1605632xi32, #tpu.memory_space<hbm>> -> memref<1x512xi32, #tpu.memory_space<hbm>>
        %dma_wait3A_162 = tpu.memref_squeeze %dma_wait3A_161 : memref<1x512xi32, #tpu.memory_space<hbm>> -> memref<512xi32, #tpu.memory_space<hbm>>
        %dma_wait3A_163 = arith.constant 0 : i32
        %dma_wait3A_164 = tpu.memref_slice %arg7[%rem3A_114, %dma_wait3A_163] : memref<3x512xi32, #tpu.memory_space<vmem>> -> memref<1x512xi32, #tpu.memory_space<vmem>>
        %dma_wait3A_165 = tpu.memref_squeeze %dma_wait3A_164 : memref<1x512xi32, #tpu.memory_space<vmem>> -> memref<512xi32, #tpu.memory_space<vmem>>
        %dma_wait3A_166 = tpu.memref_slice %arg3[%arg0, %add3A_157] : memref<2x1605632xi32, #tpu.memory_space<hbm>> -> memref<1x512xi32, #tpu.memory_space<hbm>>
        %dma_wait3A_167 = tpu.memref_squeeze %dma_wait3A_166 : memref<1x512xi32, #tpu.memory_space<hbm>> -> memref<512xi32, #tpu.memory_space<hbm>>
        tpu.wait_dma2 semaphore(%arg13 : memref<!tpu.dma_semaphore, #tpu.memory_space<semaphore_mem>>) src(%dma_wait3A_167 : memref<512xi32, #tpu.memory_space<hbm>>) dst(%dma_wait3A_165 : memref<512xi32, #tpu.memory_space<vmem>>)
        %dma_wait3A_168 = arith.constant 0 : i32
        %dma_wait3A_169 = tpu.memref_slice %arg8[%rem3A_114, %dma_wait3A_168] : memref<3x512xi32, #tpu.memory_space<vmem>> -> memref<1x512xi32, #tpu.memory_space<vmem>>
        %dma_wait3A_170 = tpu.memref_squeeze %dma_wait3A_169 : memref<1x512xi32, #tpu.memory_space<vmem>> -> memref<512xi32, #tpu.memory_space<vmem>>
        %dma_wait3A_171 = tpu.memref_slice %arg4[%add3A_157] : memref<1605632xi32, #tpu.memory_space<hbm>> -> memref<512xi32, #tpu.memory_space<hbm>>
        %dma_wait3A_172 = arith.constant 0 : i32
        %dma_wait3A_173 = tpu.memref_slice %arg8[%rem3A_114, %dma_wait3A_172] : memref<3x512xi32, #tpu.memory_space<vmem>> -> memref<1x512xi32, #tpu.memory_space<vmem>>
        %dma_wait3A_174 = tpu.memref_squeeze %dma_wait3A_173 : memref<1x512xi32, #tpu.memory_space<vmem>> -> memref<512xi32, #tpu.memory_space<vmem>>
        %dma_wait3A_175 = tpu.memref_slice %arg4[%add3A_157] : memref<1605632xi32, #tpu.memory_space<hbm>> -> memref<512xi32, #tpu.memory_space<hbm>>
        tpu.wait_dma2 semaphore(%arg13 : memref<!tpu.dma_semaphore, #tpu.memory_space<semaphore_mem>>) src(%dma_wait3A_175 : memref<512xi32, #tpu.memory_space<hbm>>) dst(%dma_wait3A_174 : memref<512xi32, #tpu.memory_space<vmem>>)
        %dma_start3A_176 = arith.constant 0 : i32
        %dma_start3A_177 = arith.constant 0 : i32
        %dma_start3A_178 = tpu.memref_slice %arg9[%rem3A_114, %dma_start3A_176, %dma_start3A_177] : memref<3x512x16xf32, #tpu.memory_space<vmem>> -> memref<1x512x16xf32, #tpu.memory_space<vmem>>
        %dma_start3A_179 = tpu.memref_squeeze %dma_start3A_178 : memref<1x512x16xf32, #tpu.memory_space<vmem>> -> memref<512x16xf32, #tpu.memory_space<vmem>>
        %dma_start3A_180 = arith.constant 0 : i32
        %dma_start3A_181 = tpu.memref_slice %arg7[%rem3A_114, %dma_start3A_180] : memref<3x512xi32, #tpu.memory_space<vmem>> -> memref<1x512xi32, #tpu.memory_space<vmem>>
        %dma_start3A_182 = tpu.memref_squeeze %dma_start3A_181 : memref<1x512xi32, #tpu.memory_space<vmem>> -> memref<512xi32, #tpu.memory_space<vmem>>
        %dma_start3A_183 = arith.constant 0 : i32
        %dma_start3A_184 = arith.constant 0 : i32
        %dma_start3A_185 = tpu.memref_slice %arg2[%dma_start3A_183, %dma_start3A_184] : memref<200704x16xf32, #tpu.memory_space<hbm>> -> memref<200704x16xf32, #tpu.memory_space<hbm>>
        tpu.enqueue_indirect_dma source(%dma_start3A_185 : memref<200704x16xf32, #tpu.memory_space<hbm>>) target(%dma_start3A_179 : memref<512x16xf32, #tpu.memory_space<vmem>>) offsets(%dma_start3A_182 : memref<512xi32, #tpu.memory_space<vmem>>) semaphore(%arg11 : memref<!tpu.dma_semaphore, #tpu.memory_space<semaphore_mem>>)
      } else {
      }
      %ge3A = arith.constant 1 : i32
      %ge3A_121 = arith.cmpi sge, %scan3A_107, %ge3A : i32
      %convert_element_type3A_122 = arith.extui %ge3A_121 : i1 to i32
      %cond3A_123 = arith.constant 0 : i32
      %cond3A_124 = arith.cmpi ne, %convert_element_type3A_122, %cond3A_123 : i32
      scf.if %cond3A_124 {
        %dma_wait3A_151 = arith.constant 0 : i32
        %dma_wait3A_152 = arith.constant 0 : i32
        %dma_wait3A_153 = tpu.memref_slice %arg9[%rem3A_118, %dma_wait3A_151, %dma_wait3A_152] : memref<3x512x16xf32, #tpu.memory_space<vmem>> -> memref<1x512x16xf32, #tpu.memory_space<vmem>>
        %dma_wait3A_154 = tpu.memref_squeeze %dma_wait3A_153 : memref<1x512x16xf32, #tpu.memory_space<vmem>> -> memref<512x16xf32, #tpu.memory_space<vmem>>
        %dma_wait3A_155 = arith.constant 0 : i32
        %dma_wait3A_156 = tpu.memref_slice %arg8[%rem3A_118, %dma_wait3A_155] : memref<3x512xi32, #tpu.memory_space<vmem>> -> memref<1x512xi32, #tpu.memory_space<vmem>>
        %dma_wait3A_157 = tpu.memref_squeeze %dma_wait3A_156 : memref<1x512xi32, #tpu.memory_space<vmem>> -> memref<512xi32, #tpu.memory_space<vmem>>
        %dma_wait3A_158 = arith.constant 0 : i32
        %dma_wait3A_159 = arith.constant 0 : i32
        %dma_wait3A_160 = tpu.memref_slice %arg10[%dma_wait3A_158, %dma_wait3A_159] : memref<100352x16xf32, #tpu.memory_space<vmem_shared>> -> memref<100352x16xf32, #tpu.memory_space<vmem_shared>>
        tpu.wait_indirect_dma semaphore(%arg12 : memref<!tpu.dma_semaphore, #tpu.memory_space<semaphore_mem>>) src(%dma_wait3A_154 : memref<512x16xf32, #tpu.memory_space<vmem>>) dst(%dma_wait3A_160 : memref<100352x16xf32, #tpu.memory_space<vmem_shared>>)
      } else {
      }
      %lt3A_125 = arith.constant 194 : i32
      %lt3A_126 = arith.cmpi slt, %scan3A_107, %lt3A_125 : i32
      %convert_element_type3A_127 = arith.extui %lt3A_126 : i1 to i32
      %cond3A_128 = arith.constant 0 : i32
      %cond3A_129 = arith.cmpi ne, %convert_element_type3A_127, %cond3A_128 : i32
      scf.if %cond3A_129 {
        %add3A_151 = arith.constant 2 : i32
        %add3A_152 = arith.addi %scan3A_107, %add3A_151 : i32
        %mul3A_153 = arith.constant 100352 : i32
        %mul3A_154 = arith.muli %arg1, %mul3A_153 : i32
        %mul3A_155 = arith.constant 512 : i32
        %mul3A_156 = arith.muli %add3A_152, %mul3A_155 : i32
        %add3A_157 = arith.addi %mul3A_154, %mul3A_156 : i32
        %dma_start3A_158 = arith.constant 0 : i32
        %dma_start3A_159 = tpu.memref_slice %arg7[%rem3A_118, %dma_start3A_158] : memref<3x512xi32, #tpu.memory_space<vmem>> -> memref<1x512xi32, #tpu.memory_space<vmem>>
        %dma_start3A_160 = tpu.memref_squeeze %dma_start3A_159 : memref<1x512xi32, #tpu.memory_space<vmem>> -> memref<512xi32, #tpu.memory_space<vmem>>
        %dma_start3A_161 = tpu.memref_slice %arg3[%arg0, %add3A_157] : memref<2x1605632xi32, #tpu.memory_space<hbm>> -> memref<1x512xi32, #tpu.memory_space<hbm>>
        %dma_start3A_162 = tpu.memref_squeeze %dma_start3A_161 : memref<1x512xi32, #tpu.memory_space<hbm>> -> memref<512xi32, #tpu.memory_space<hbm>>
        %dma_start3A_163 = arith.constant 0 : i32
        %dma_start3A_164 = tpu.memref_slice %arg7[%rem3A_118, %dma_start3A_163] : memref<3x512xi32, #tpu.memory_space<vmem>> -> memref<1x512xi32, #tpu.memory_space<vmem>>
        %dma_start3A_165 = tpu.memref_squeeze %dma_start3A_164 : memref<1x512xi32, #tpu.memory_space<vmem>> -> memref<512xi32, #tpu.memory_space<vmem>>
        %dma_start3A_166 = tpu.memref_slice %arg3[%arg0, %add3A_157] : memref<2x1605632xi32, #tpu.memory_space<hbm>> -> memref<1x512xi32, #tpu.memory_space<hbm>>
        %dma_start3A_167 = tpu.memref_squeeze %dma_start3A_166 : memref<1x512xi32, #tpu.memory_space<hbm>> -> memref<512xi32, #tpu.memory_space<hbm>>
        tpu.enqueue_dma source(%dma_start3A_167 : memref<512xi32, #tpu.memory_space<hbm>>) target(%dma_start3A_165 : memref<512xi32, #tpu.memory_space<vmem>>) target_semaphore(%arg13 : memref<!tpu.dma_semaphore, #tpu.memory_space<semaphore_mem>>)
        %dma_start3A_168 = arith.constant 0 : i32
        %dma_start3A_169 = tpu.memref_slice %arg8[%rem3A_118, %dma_start3A_168] : memref<3x512xi32, #tpu.memory_space<vmem>> -> memref<1x512xi32, #tpu.memory_space<vmem>>
        %dma_start3A_170 = tpu.memref_squeeze %dma_start3A_169 : memref<1x512xi32, #tpu.memory_space<vmem>> -> memref<512xi32, #tpu.memory_space<vmem>>
        %dma_start3A_171 = tpu.memref_slice %arg4[%add3A_157] : memref<1605632xi32, #tpu.memory_space<hbm>> -> memref<512xi32, #tpu.memory_space<hbm>>
        %dma_start3A_172 = arith.constant 0 : i32
        %dma_start3A_173 = tpu.memref_slice %arg8[%rem3A_118, %dma_start3A_172] : memref<3x512xi32, #tpu.memory_space<vmem>> -> memref<1x512xi32, #tpu.memory_space<vmem>>
        %dma_start3A_174 = tpu.memref_squeeze %dma_start3A_173 : memref<1x512xi32, #tpu.memory_space<vmem>> -> memref<512xi32, #tpu.memory_space<vmem>>
        %dma_start3A_175 = tpu.memref_slice %arg4[%add3A_157] : memref<1605632xi32, #tpu.memory_space<hbm>> -> memref<512xi32, #tpu.memory_space<hbm>>
        tpu.enqueue_dma source(%dma_start3A_175 : memref<512xi32, #tpu.memory_space<hbm>>) target(%dma_start3A_174 : memref<512xi32, #tpu.memory_space<vmem>>) target_semaphore(%arg13 : memref<!tpu.dma_semaphore, #tpu.memory_space<semaphore_mem>>)
      } else {
      }
      %dma_wait3A_130 = arith.constant 0 : i32
      %dma_wait3A_131 = arith.constant 0 : i32
      %dma_wait3A_132 = tpu.memref_slice %arg9[%rem3A_110, %dma_wait3A_130, %dma_wait3A_131] : memref<3x512x16xf32, #tpu.memory_space<vmem>> -> memref<1x512x16xf32, #tpu.memory_space<vmem>>
      %dma_wait3A_133 = tpu.memref_squeeze %dma_wait3A_132 : memref<1x512x16xf32, #tpu.memory_space<vmem>> -> memref<512x16xf32, #tpu.memory_space<vmem>>
      %dma_wait3A_134 = arith.constant 0 : i32
      %dma_wait3A_135 = tpu.memref_slice %arg7[%rem3A_110, %dma_wait3A_134] : memref<3x512xi32, #tpu.memory_space<vmem>> -> memref<1x512xi32, #tpu.memory_space<vmem>>
      %dma_wait3A_136 = tpu.memref_squeeze %dma_wait3A_135 : memref<1x512xi32, #tpu.memory_space<vmem>> -> memref<512xi32, #tpu.memory_space<vmem>>
      %dma_wait3A_137 = arith.constant 0 : i32
      %dma_wait3A_138 = arith.constant 0 : i32
      %dma_wait3A_139 = tpu.memref_slice %arg2[%dma_wait3A_137, %dma_wait3A_138] : memref<200704x16xf32, #tpu.memory_space<hbm>> -> memref<200704x16xf32, #tpu.memory_space<hbm>>
      tpu.wait_indirect_dma semaphore(%arg11 : memref<!tpu.dma_semaphore, #tpu.memory_space<semaphore_mem>>) src(%dma_wait3A_139 : memref<200704x16xf32, #tpu.memory_space<hbm>>) dst(%dma_wait3A_133 : memref<512x16xf32, #tpu.memory_space<vmem>>)
      %dma_start3A_140 = arith.constant 0 : i32
      %dma_start3A_141 = arith.constant 0 : i32
      %dma_start3A_142 = tpu.memref_slice %arg9[%rem3A_110, %dma_start3A_140, %dma_start3A_141] : memref<3x512x16xf32, #tpu.memory_space<vmem>> -> memref<1x512x16xf32, #tpu.memory_space<vmem>>
      %dma_start3A_143 = tpu.memref_squeeze %dma_start3A_142 : memref<1x512x16xf32, #tpu.memory_space<vmem>> -> memref<512x16xf32, #tpu.memory_space<vmem>>
      %dma_start3A_144 = arith.constant 0 : i32
      %dma_start3A_145 = tpu.memref_slice %arg8[%rem3A_110, %dma_start3A_144] : memref<3x512xi32, #tpu.memory_space<vmem>> -> memref<1x512xi32, #tpu.memory_space<vmem>>
      %dma_start3A_146 = tpu.memref_squeeze %dma_start3A_145 : memref<1x512xi32, #tpu.memory_space<vmem>> -> memref<512xi32, #tpu.memory_space<vmem>>
      %dma_start3A_147 = arith.constant 0 : i32
      %dma_start3A_148 = arith.constant 0 : i32
      %dma_start3A_149 = tpu.memref_slice %arg10[%dma_start3A_147, %dma_start3A_148] : memref<100352x16xf32, #tpu.memory_space<vmem_shared>> -> memref<100352x16xf32, #tpu.memory_space<vmem_shared>>
      tpu.enqueue_indirect_dma source(%dma_start3A_143 : memref<512x16xf32, #tpu.memory_space<vmem>>) target(%dma_start3A_149 : memref<100352x16xf32, #tpu.memory_space<vmem_shared>>) offsets(%dma_start3A_146 : memref<512xi32, #tpu.memory_space<vmem>>) semaphore(%arg12 : memref<!tpu.dma_semaphore, #tpu.memory_space<semaphore_mem>>) {add = true}
      %scan3A_150 = arith.constant 0 : i32
      scf.yield %scan3A_150 : i32
    }
    %scan3A_89 = arith.constant 196 : i32
    %rem3A = arith.constant 195 : i32
    %rem3A_90 = arith.constant 3 : i32
    %rem3A_91 = arith.remsi %rem3A, %rem3A_90 : i32
    %dma_wait3A_92 = arith.constant 0 : i32
    %dma_wait3A_93 = arith.constant 0 : i32
    %dma_wait3A_94 = tpu.memref_slice %arg9[%rem3A_91, %dma_wait3A_92, %dma_wait3A_93] : memref<3x512x16xf32, #tpu.memory_space<vmem>> -> memref<1x512x16xf32, #tpu.memory_space<vmem>>
    %dma_wait3A_95 = tpu.memref_squeeze %dma_wait3A_94 : memref<1x512x16xf32, #tpu.memory_space<vmem>> -> memref<512x16xf32, #tpu.memory_space<vmem>>
    %dma_wait3A_96 = arith.constant 0 : i32
    %dma_wait3A_97 = tpu.memref_slice %arg8[%rem3A_91, %dma_wait3A_96] : memref<3x512xi32, #tpu.memory_space<vmem>> -> memref<1x512xi32, #tpu.memory_space<vmem>>
    %dma_wait3A_98 = tpu.memref_squeeze %dma_wait3A_97 : memref<1x512xi32, #tpu.memory_space<vmem>> -> memref<512xi32, #tpu.memory_space<vmem>>
    %dma_wait3A_99 = arith.constant 0 : i32
    %dma_wait3A_100 = arith.constant 0 : i32
    %dma_wait3A_101 = tpu.memref_slice %arg10[%dma_wait3A_99, %dma_wait3A_100] : memref<100352x16xf32, #tpu.memory_space<vmem_shared>> -> memref<100352x16xf32, #tpu.memory_space<vmem_shared>>
    tpu.wait_indirect_dma semaphore(%arg12 : memref<!tpu.dma_semaphore, #tpu.memory_space<semaphore_mem>>) src(%dma_wait3A_95 : memref<512x16xf32, #tpu.memory_space<vmem>>) dst(%dma_wait3A_101 : memref<100352x16xf32, #tpu.memory_space<vmem_shared>>)
    %barrier3A_102 = arith.constant 0 : index
    tpu.barrier barrier_id(%barrier3A_102)
    %mul3A_103 = arith.constant 6272 : i32
    %mul3A_104 = arith.muli %arg1, %mul3A_103 : i32
    %mul3A_105 = arith.constant 6272 : i32
    %mul3A_106 = arith.muli %arg1, %mul3A_105 : i32
    "tpu.region"() ({
      %run_scoped3A = tpu.sem_alloc : memref<!tpu.dma_semaphore, #tpu.memory_space<semaphore_mem>>
      %dma_start3A_107 = arith.constant 0 : i32
      %dma_start3A_108 = tpu.memref_slice %arg6[%arg0, %mul3A_106, %dma_start3A_107] : memref<2x100352x16xf32, #tpu.memory_space<hbm>> -> memref<1x6272x16xf32, #tpu.memory_space<hbm>>
      %dma_start3A_109 = tpu.memref_squeeze %dma_start3A_108 : memref<1x6272x16xf32, #tpu.memory_space<hbm>> -> memref<6272x16xf32, #tpu.memory_space<hbm>>
      %dma_start3A_110 = arith.constant 0 : i32
      %dma_start3A_111 = tpu.memref_slice %arg10[%mul3A_104, %dma_start3A_110] : memref<100352x16xf32, #tpu.memory_space<vmem_shared>> -> memref<6272x16xf32, #tpu.memory_space<vmem_shared>>
      tpu.enqueue_dma source(%dma_start3A_111 : memref<6272x16xf32, #tpu.memory_space<vmem_shared>>) target(%dma_start3A_109 : memref<6272x16xf32, #tpu.memory_space<hbm>>) target_semaphore(%run_scoped3A : memref<!tpu.dma_semaphore, #tpu.memory_space<semaphore_mem>>)
      %dma_wait3A_112 = arith.constant 0 : i32
      %dma_wait3A_113 = tpu.memref_slice %arg6[%arg0, %mul3A_106, %dma_wait3A_112] : memref<2x100352x16xf32, #tpu.memory_space<hbm>> -> memref<1x6272x16xf32, #tpu.memory_space<hbm>>
      %dma_wait3A_114 = tpu.memref_squeeze %dma_wait3A_113 : memref<1x6272x16xf32, #tpu.memory_space<hbm>> -> memref<6272x16xf32, #tpu.memory_space<hbm>>
      %dma_wait3A_115 = arith.constant 0 : i32
      %dma_wait3A_116 = tpu.memref_slice %arg10[%mul3A_104, %dma_wait3A_115] : memref<100352x16xf32, #tpu.memory_space<vmem_shared>> -> memref<6272x16xf32, #tpu.memory_space<vmem_shared>>
      tpu.wait_dma2 semaphore(%run_scoped3A : memref<!tpu.dma_semaphore, #tpu.memory_space<semaphore_mem>>) src(%dma_wait3A_116 : memref<6272x16xf32, #tpu.memory_space<vmem_shared>>) dst(%dma_wait3A_114 : memref<6272x16xf32, #tpu.memory_space<hbm>>)
      tpu.yield
    }) : () -> ()
    return
  }
}

#map = affine_map<(d0, d1) -> (0, 0)>
#map1 = affine_map<(d0, d1) -> (0)>
#map2 = affine_map<(d0, d1) -> (0, 0, 0)>
module attributes {stable_mosaic.version = 14 : i64} {
  func.func @body(%arg0: i32, %arg1: i32, %arg2: memref<200704x16xf32, #tpu.memory_space<hbm>>, %arg3: memref<2x1605632xi32, #tpu.memory_space<hbm>>, %arg4: memref<1605632xi32, #tpu.memory_space<hbm>>, %arg5: memref<100352x16xf32, #tpu.memory_space<hbm>>, %arg6: memref<2x100352x16xf32, #tpu.memory_space<hbm>>, %arg7: memref<3x512xi32, #tpu.memory_space<vmem>>, %arg8: memref<3x512xi32, #tpu.memory_space<vmem>>, %arg9: memref<3x512x16xf32, #tpu.memory_space<vmem>>, %arg10: memref<100352x16xf32, #tpu.memory_space<vmem_shared>>, %arg11: memref<!tpu.dma_semaphore, #tpu.memory_space<semaphore_mem>>, %arg12: memref<!tpu.dma_semaphore, #tpu.memory_space<semaphore_mem>>, %arg13: memref<!tpu.dma_semaphore, #tpu.memory_space<semaphore_mem>>) attributes {dimension_semantics = [#tpu.dimension_semantics<core_parallel>, #tpu.dimension_semantics<subcore_parallel>], iteration_bounds = array<i64: 2, 16>, scalar_prefetch = 0 : i64, scratch_operands = 7 : i64, tpu.core_type = #tpu.core_type<sc_vector_subcore>, window_params = [{transform_indices = #map}, {transform_indices = #map}, {transform_indices = #map1}, {transform_indices = #map}, {transform_indices = #map2}]} {
    %mul3A = arith.constant 6272 : i32
    %mul3A_0 = arith.muli %arg1, %mul3A : i32
    %mul3A_1 = arith.constant 6272 : i32
    %mul3A_2 = arith.muli %arg1, %mul3A_1 : i32
    "tpu.region"() ({
      %run_scoped3A = tpu.sem_alloc : memref<!tpu.dma_semaphore, #tpu.memory_space<semaphore_mem>>
      %dma_start3A_107 = arith.constant 0 : i32
      %dma_start3A_108 = tpu.memref_slice %arg10[%mul3A_2, %dma_start3A_107] : memref<100352x16xf32, #tpu.memory_space<vmem_shared>> -> memref<6272x16xf32, #tpu.memory_space<vmem_shared>>
      %dma_start3A_109 = arith.constant 0 : i32
      %dma_start3A_110 = tpu.memref_slice %arg5[%mul3A_0, %dma_start3A_109] : memref<100352x16xf32, #tpu.memory_space<hbm>> -> memref<6272x16xf32, #tpu.memory_space<hbm>>
      tpu.enqueue_dma source(%dma_start3A_110 : memref<6272x16xf32, #tpu.memory_space<hbm>>) target(%dma_start3A_108 : memref<6272x16xf32, #tpu.memory_space<vmem_shared>>) target_semaphore(%run_scoped3A : memref<!tpu.dma_semaphore, #tpu.memory_space<semaphore_mem>>)
      %dma_wait3A_111 = arith.constant 0 : i32
      %dma_wait3A_112 = tpu.memref_slice %arg10[%mul3A_2, %dma_wait3A_111] : memref<100352x16xf32, #tpu.memory_space<vmem_shared>> -> memref<6272x16xf32, #tpu.memory_space<vmem_shared>>
      %dma_wait3A_113 = arith.constant 0 : i32
      %dma_wait3A_114 = tpu.memref_slice %arg5[%mul3A_0, %dma_wait3A_113] : memref<100352x16xf32, #tpu.memory_space<hbm>> -> memref<6272x16xf32, #tpu.memory_space<hbm>>
      tpu.wait_dma2 semaphore(%run_scoped3A : memref<!tpu.dma_semaphore, #tpu.memory_space<semaphore_mem>>) src(%dma_wait3A_114 : memref<6272x16xf32, #tpu.memory_space<hbm>>) dst(%dma_wait3A_112 : memref<6272x16xf32, #tpu.memory_space<vmem_shared>>)
      tpu.yield
    }) : () -> ()
    %barrier3A = arith.constant 0 : index
    tpu.barrier barrier_id(%barrier3A)
    %mul3A_3 = arith.constant 100352 : i32
    %mul3A_4 = arith.muli %arg1, %mul3A_3 : i32
    %add3A = arith.constant 0 : i32
    %add3A_5 = arith.addi %mul3A_4, %add3A : i32
    %dma_start3A = arith.constant 0 : i32
    %dma_start3A_6 = arith.constant 0 : i32
    %dma_start3A_7 = tpu.memref_slice %arg7[%dma_start3A, %dma_start3A_6] : memref<3x512xi32, #tpu.memory_space<vmem>> -> memref<1x512xi32, #tpu.memory_space<vmem>>
    %dma_start3A_8 = tpu.memref_squeeze %dma_start3A_7 : memref<1x512xi32, #tpu.memory_space<vmem>> -> memref<512xi32, #tpu.memory_space<vmem>>
    %dma_start3A_9 = tpu.memref_slice %arg3[%arg0, %add3A_5] : memref<2x1605632xi32, #tpu.memory_space<hbm>> -> memref<1x512xi32, #tpu.memory_space<hbm>>
    %dma_start3A_10 = tpu.memref_squeeze %dma_start3A_9 : memref<1x512xi32, #tpu.memory_space<hbm>> -> memref<512xi32, #tpu.memory_space<hbm>>
    %dma_start3A_11 = arith.constant 0 : i32
    %dma_start3A_12 = tpu.memref_slice %arg7[%dma_start3A, %dma_start3A_11] : memref<3x512xi32, #tpu.memory_space<vmem>> -> memref<1x512xi32, #tpu.memory_space<vmem>>
    %dma_start3A_13 = tpu.memref_squeeze %dma_start3A_12 : memref<1x512xi32, #tpu.memory_space<vmem>> -> memref<512xi32, #tpu.memory_space<vmem>>
    %dma_start3A_14 = tpu.memref_slice %arg3[%arg0, %add3A_5] : memref<2x1605632xi32, #tpu.memory_space<hbm>> -> memref<1x512xi32, #tpu.memory_space<hbm>>
    %dma_start3A_15 = tpu.memref_squeeze %dma_start3A_14 : memref<1x512xi32, #tpu.memory_space<hbm>> -> memref<512xi32, #tpu.memory_space<hbm>>
    tpu.enqueue_dma source(%dma_start3A_15 : memref<512xi32, #tpu.memory_space<hbm>>) target(%dma_start3A_13 : memref<512xi32, #tpu.memory_space<vmem>>) target_semaphore(%arg13 : memref<!tpu.dma_semaphore, #tpu.memory_space<semaphore_mem>>)
    %dma_start3A_16 = arith.constant 0 : i32
    %dma_start3A_17 = arith.constant 0 : i32
    %dma_start3A_18 = tpu.memref_slice %arg8[%dma_start3A_16, %dma_start3A_17] : memref<3x512xi32, #tpu.memory_space<vmem>> -> memref<1x512xi32, #tpu.memory_space<vmem>>
    %dma_start3A_19 = tpu.memref_squeeze %dma_start3A_18 : memref<1x512xi32, #tpu.memory_space<vmem>> -> memref<512xi32, #tpu.memory_space<vmem>>
    %dma_start3A_20 = tpu.memref_slice %arg4[%add3A_5] : memref<1605632xi32, #tpu.memory_space<hbm>> -> memref<512xi32, #tpu.memory_space<hbm>>
    %dma_start3A_21 = arith.constant 0 : i32
    %dma_start3A_22 = tpu.memref_slice %arg8[%dma_start3A_16, %dma_start3A_21] : memref<3x512xi32, #tpu.memory_space<vmem>> -> memref<1x512xi32, #tpu.memory_space<vmem>>
    %dma_start3A_23 = tpu.memref_squeeze %dma_start3A_22 : memref<1x512xi32, #tpu.memory_space<vmem>> -> memref<512xi32, #tpu.memory_space<vmem>>
    %dma_start3A_24 = tpu.memref_slice %arg4[%add3A_5] : memref<1605632xi32, #tpu.memory_space<hbm>> -> memref<512xi32, #tpu.memory_space<hbm>>
    tpu.enqueue_dma source(%dma_start3A_24 : memref<512xi32, #tpu.memory_space<hbm>>) target(%dma_start3A_23 : memref<512xi32, #tpu.memory_space<vmem>>) target_semaphore(%arg13 : memref<!tpu.dma_semaphore, #tpu.memory_space<semaphore_mem>>)
    %mul3A_25 = arith.constant 100352 : i32
    %mul3A_26 = arith.muli %arg1, %mul3A_25 : i32
    %add3A_27 = arith.constant 512 : i32
    %add3A_28 = arith.addi %mul3A_26, %add3A_27 : i32
    %dma_start3A_29 = arith.constant 1 : i32
    %dma_start3A_30 = arith.constant 0 : i32
    %dma_start3A_31 = tpu.memref_slice %arg7[%dma_start3A_29, %dma_start3A_30] : memref<3x512xi32, #tpu.memory_space<vmem>> -> memref<1x512xi32, #tpu.memory_space<vmem>>
    %dma_start3A_32 = tpu.memref_squeeze %dma_start3A_31 : memref<1x512xi32, #tpu.memory_space<vmem>> -> memref<512xi32, #tpu.memory_space<vmem>>
    %dma_start3A_33 = tpu.memref_slice %arg3[%arg0, %add3A_28] : memref<2x1605632xi32, #tpu.memory_space<hbm>> -> memref<1x512xi32, #tpu.memory_space<hbm>>
    %dma_start3A_34 = tpu.memref_squeeze %dma_start3A_33 : memref<1x512xi32, #tpu.memory_space<hbm>> -> memref<512xi32, #tpu.memory_space<hbm>>
    %dma_start3A_35 = arith.constant 0 : i32
    %dma_start3A_36 = tpu.memref_slice %arg7[%dma_start3A_29, %dma_start3A_35] : memref<3x512xi32, #tpu.memory_space<vmem>> -> memref<1x512xi32, #tpu.memory_space<vmem>>
    %dma_start3A_37 = tpu.memref_squeeze %dma_start3A_36 : memref<1x512xi32, #tpu.memory_space<vmem>> -> memref<512xi32, #tpu.memory_space<vmem>>
    %dma_start3A_38 = tpu.memref_slice %arg3[%arg0, %add3A_28] : memref<2x1605632xi32, #tpu.memory_space<hbm>> -> memref<1x512xi32, #tpu.memory_space<hbm>>
    %dma_start3A_39 = tpu.memref_squeeze %dma_start3A_38 : memref<1x512xi32, #tpu.memory_space<hbm>> -> memref<512xi32, #tpu.memory_space<hbm>>
    tpu.enqueue_dma source(%dma_start3A_39 : memref<512xi32, #tpu.memory_space<hbm>>) target(%dma_start3A_37 : memref<512xi32, #tpu.memory_space<vmem>>) target_semaphore(%arg13 : memref<!tpu.dma_semaphore, #tpu.memory_space<semaphore_mem>>)
    %dma_start3A_40 = arith.constant 1 : i32
    %dma_start3A_41 = arith.constant 0 : i32
    %dma_start3A_42 = tpu.memref_slice %arg8[%dma_start3A_40, %dma_start3A_41] : memref<3x512xi32, #tpu.memory_space<vmem>> -> memref<1x512xi32, #tpu.memory_space<vmem>>
    %dma_start3A_43 = tpu.memref_squeeze %dma_start3A_42 : memref<1x512xi32, #tpu.memory_space<vmem>> -> memref<512xi32, #tpu.memory_space<vmem>>
    %dma_start3A_44 = tpu.memref_slice %arg4[%add3A_28] : memref<1605632xi32, #tpu.memory_space<hbm>> -> memref<512xi32, #tpu.memory_space<hbm>>
    %dma_start3A_45 = arith.constant 0 : i32
    %dma_start3A_46 = tpu.memref_slice %arg8[%dma_start3A_40, %dma_start3A_45] : memref<3x512xi32, #tpu.memory_space<vmem>> -> memref<1x512xi32, #tpu.memory_space<vmem>>
    %dma_start3A_47 = tpu.memref_squeeze %dma_start3A_46 : memref<1x512xi32, #tpu.memory_space<vmem>> -> memref<512xi32, #tpu.memory_space<vmem>>
    %dma_start3A_48 = tpu.memref_slice %arg4[%add3A_28] : memref<1605632xi32, #tpu.memory_space<hbm>> -> memref<512xi32, #tpu.memory_space<hbm>>
    tpu.enqueue_dma source(%dma_start3A_48 : memref<512xi32, #tpu.memory_space<hbm>>) target(%dma_start3A_47 : memref<512xi32, #tpu.memory_space<vmem>>) target_semaphore(%arg13 : memref<!tpu.dma_semaphore, #tpu.memory_space<semaphore_mem>>)
    %mul3A_49 = arith.constant 100352 : i32
    %mul3A_50 = arith.muli %arg1, %mul3A_49 : i32
    %add3A_51 = arith.constant 0 : i32
    %add3A_52 = arith.addi %mul3A_50, %add3A_51 : i32
    %dma_wait3A = arith.constant 0 : i32
    %dma_wait3A_53 = arith.constant 0 : i32
    %dma_wait3A_54 = tpu.memref_slice %arg7[%dma_wait3A, %dma_wait3A_53] : memref<3x512xi32, #tpu.memory_space<vmem>> -> memref<1x512xi32, #tpu.memory_space<vmem>>
    %dma_wait3A_55 = tpu.memref_squeeze %dma_wait3A_54 : memref<1x512xi32, #tpu.memory_space<vmem>> -> memref<512xi32, #tpu.memory_space<vmem>>
    %dma_wait3A_56 = tpu.memref_slice %arg3[%arg0, %add3A_52] : memref<2x1605632xi32, #tpu.memory_space<hbm>> -> memref<1x512xi32, #tpu.memory_space<hbm>>
    %dma_wait3A_57 = tpu.memref_squeeze %dma_wait3A_56 : memref<1x512xi32, #tpu.memory_space<hbm>> -> memref<512xi32, #tpu.memory_space<hbm>>
    %dma_wait3A_58 = arith.constant 0 : i32
    %dma_wait3A_59 = tpu.memref_slice %arg7[%dma_wait3A, %dma_wait3A_58] : memref<3x512xi32, #tpu.memory_space<vmem>> -> memref<1x512xi32, #tpu.memory_space<vmem>>
    %dma_wait3A_60 = tpu.memref_squeeze %dma_wait3A_59 : memref<1x512xi32, #tpu.memory_space<vmem>> -> memref<512xi32, #tpu.memory_space<vmem>>
    %dma_wait3A_61 = tpu.memref_slice %arg3[%arg0, %add3A_52] : memref<2x1605632xi32, #tpu.memory_space<hbm>> -> memref<1x512xi32, #tpu.memory_space<hbm>>
    %dma_wait3A_62 = tpu.memref_squeeze %dma_wait3A_61 : memref<1x512xi32, #tpu.memory_space<hbm>> -> memref<512xi32, #tpu.memory_space<hbm>>
    tpu.wait_dma2 semaphore(%arg13 : memref<!tpu.dma_semaphore, #tpu.memory_space<semaphore_mem>>) src(%dma_wait3A_62 : memref<512xi32, #tpu.memory_space<hbm>>) dst(%dma_wait3A_60 : memref<512xi32, #tpu.memory_space<vmem>>)
    %dma_wait3A_63 = arith.constant 0 : i32
    %dma_wait3A_64 = arith.constant 0 : i32
    %dma_wait3A_65 = tpu.memref_slice %arg8[%dma_wait3A_63, %dma_wait3A_64] : memref<3x512xi32, #tpu.memory_space<vmem>> -> memref<1x512xi32, #tpu.memory_space<vmem>>
    %dma_wait3A_66 = tpu.memref_squeeze %dma_wait3A_65 : memref<1x512xi32, #tpu.memory_space<vmem>> -> memref<512xi32, #tpu.memory_space<vmem>>
    %dma_wait3A_67 = tpu.memref_slice %arg4[%add3A_52] : memref<1605632xi32, #tpu.memory_space<hbm>> -> memref<512xi32, #tpu.memory_space<hbm>>
    %dma_wait3A_68 = arith.constant 0 : i32
    %dma_wait3A_69 = tpu.memref_slice %arg8[%dma_wait3A_63, %dma_wait3A_68] : memref<3x512xi32, #tpu.memory_space<vmem>> -> memref<1x512xi32, #tpu.memory_space<vmem>>
    %dma_wait3A_70 = tpu.memref_squeeze %dma_wait3A_69 : memref<1x512xi32, #tpu.memory_space<vmem>> -> memref<512xi32, #tpu.memory_space<vmem>>
    %dma_wait3A_71 = tpu.memref_slice %arg4[%add3A_52] : memref<1605632xi32, #tpu.memory_space<hbm>> -> memref<512xi32, #tpu.memory_space<hbm>>
    tpu.wait_dma2 semaphore(%arg13 : memref<!tpu.dma_semaphore, #tpu.memory_space<semaphore_mem>>) src(%dma_wait3A_71 : memref<512xi32, #tpu.memory_space<hbm>>) dst(%dma_wait3A_70 : memref<512xi32, #tpu.memory_space<vmem>>)
    %dma_start3A_72 = arith.constant 0 : i32
    %dma_start3A_73 = arith.constant 0 : i32
    %dma_start3A_74 = arith.constant 0 : i32
    %dma_start3A_75 = arith.constant 0 : i32
    %dma_start3A_76 = tpu.memref_slice %arg9[%dma_start3A_73, %dma_start3A_74, %dma_start3A_75] : memref<3x512x16xf32, #tpu.memory_space<vmem>> -> memref<1x512x16xf32, #tpu.memory_space<vmem>>
    %dma_start3A_77 = tpu.memref_squeeze %dma_start3A_76 : memref<1x512x16xf32, #tpu.memory_space<vmem>> -> memref<512x16xf32, #tpu.memory_space<vmem>>
    %dma_start3A_78 = arith.constant 0 : i32
    %dma_start3A_79 = tpu.memref_slice %arg7[%dma_start3A_72, %dma_start3A_78] : memref<3x512xi32, #tpu.memory_space<vmem>> -> memref<1x512xi32, #tpu.memory_space<vmem>>
    %dma_start3A_80 = tpu.memref_squeeze %dma_start3A_79 : memref<1x512xi32, #tpu.memory_space<vmem>> -> memref<512xi32, #tpu.memory_space<vmem>>
    %dma_start3A_81 = arith.constant 0 : i32
    %dma_start3A_82 = arith.constant 0 : i32
    %dma_start3A_83 = tpu.memref_slice %arg2[%dma_start3A_81, %dma_start3A_82] : memref<200704x16xf32, #tpu.memory_space<hbm>> -> memref<200704x16xf32, #tpu.memory_space<hbm>>
    tpu.enqueue_indirect_dma source(%dma_start3A_83 : memref<200704x16xf32, #tpu.memory_space<hbm>>) target(%dma_start3A_77 : memref<512x16xf32, #tpu.memory_space<vmem>>) offsets(%dma_start3A_80 : memref<512xi32, #tpu.memory_space<vmem>>) semaphore(%arg11 : memref<!tpu.dma_semaphore, #tpu.memory_space<semaphore_mem>>)
    %scan3A = arith.constant 0 : i32
    %scan3A_84 = arith.constant 0 : i32
    %scan3A_85 = arith.constant 196 : i32
    %scan3A_86 = arith.addi %scan3A_84, %scan3A_85 : i32
    %scan3A_87 = arith.constant 1 : i32
    %scan3A_88 = scf.for %scan3A_107 = %scan3A_84 to %scan3A_86 step %scan3A_87 iter_args(%scan3A_108 = %scan3A) -> (i32)  : i32 {
      %rem3A_109 = arith.constant 3 : i32
      %rem3A_110 = arith.remsi %scan3A_107, %rem3A_109 : i32
      %add3A_111 = arith.constant 1 : i32
      %add3A_112 = arith.addi %scan3A_107, %add3A_111 : i32
      %rem3A_113 = arith.constant 3 : i32
      %rem3A_114 = arith.remsi %add3A_112, %rem3A_113 : i32
      %add3A_115 = arith.constant 2 : i32
      %add3A_116 = arith.addi %scan3A_107, %add3A_115 : i32
      %rem3A_117 = arith.constant 3 : i32
      %rem3A_118 = arith.remsi %add3A_116, %rem3A_117 : i32
      %lt3A = arith.constant 195 : i32
      %lt3A_119 = arith.cmpi slt, %scan3A_107, %lt3A : i32
      %convert_element_type3A = arith.extui %lt3A_119 : i1 to i32
      %cond3A = arith.constant 0 : i32
      %cond3A_120 = arith.cmpi ne, %convert_element_type3A, %cond3A : i32
      scf.if %cond3A_120 {
        %add3A_151 = arith.constant 1 : i32
        %add3A_152 = arith.addi %scan3A_107, %add3A_151 : i32
        %mul3A_153 = arith.constant 100352 : i32
        %mul3A_154 = arith.muli %arg1, %mul3A_153 : i32
        %mul3A_155 = arith.constant 512 : i32
        %mul3A_156 = arith.muli %add3A_152, %mul3A_155 : i32
        %add3A_157 = arith.addi %mul3A_154, %mul3A_156 : i32
        %dma_wait3A_158 = arith.constant 0 : i32
        %dma_wait3A_159 = tpu.memref_slice %arg7[%rem3A_114, %dma_wait3A_158] : memref<3x512xi32, #tpu.memory_space<vmem>> -> memref<1x512xi32, #tpu.memory_space<vmem>>
        %dma_wait3A_160 = tpu.memref_squeeze %dma_wait3A_159 : memref<1x512xi32, #tpu.memory_space<vmem>> -> memref<512xi32, #tpu.memory_space<vmem>>
        %dma_wait3A_161 = tpu.memref_slice %arg3[%arg0, %add3A_157] : memref<2x1605632xi32, #tpu.memory_space<hbm>> -> memref<1x512xi32, #tpu.memory_space<hbm>>
        %dma_wait3A_162 = tpu.memref_squeeze %dma_wait3A_161 : memref<1x512xi32, #tpu.memory_space<hbm>> -> memref<512xi32, #tpu.memory_space<hbm>>
        %dma_wait3A_163 = arith.constant 0 : i32
        %dma_wait3A_164 = tpu.memref_slice %arg7[%rem3A_114, %dma_wait3A_163] : memref<3x512xi32, #tpu.memory_space<vmem>> -> memref<1x512xi32, #tpu.memory_space<vmem>>
        %dma_wait3A_165 = tpu.memref_squeeze %dma_wait3A_164 : memref<1x512xi32, #tpu.memory_space<vmem>> -> memref<512xi32, #tpu.memory_space<vmem>>
        %dma_wait3A_166 = tpu.memref_slice %arg3[%arg0, %add3A_157] : memref<2x1605632xi32, #tpu.memory_space<hbm>> -> memref<1x512xi32, #tpu.memory_space<hbm>>
        %dma_wait3A_167 = tpu.memref_squeeze %dma_wait3A_166 : memref<1x512xi32, #tpu.memory_space<hbm>> -> memref<512xi32, #tpu.memory_space<hbm>>
        tpu.wait_dma2 semaphore(%arg13 : memref<!tpu.dma_semaphore, #tpu.memory_space<semaphore_mem>>) src(%dma_wait3A_167 : memref<512xi32, #tpu.memory_space<hbm>>) dst(%dma_wait3A_165 : memref<512xi32, #tpu.memory_space<vmem>>)
        %dma_wait3A_168 = arith.constant 0 : i32
        %dma_wait3A_169 = tpu.memref_slice %arg8[%rem3A_114, %dma_wait3A_168] : memref<3x512xi32, #tpu.memory_space<vmem>> -> memref<1x512xi32, #tpu.memory_space<vmem>>
        %dma_wait3A_170 = tpu.memref_squeeze %dma_wait3A_169 : memref<1x512xi32, #tpu.memory_space<vmem>> -> memref<512xi32, #tpu.memory_space<vmem>>
        %dma_wait3A_171 = tpu.memref_slice %arg4[%add3A_157] : memref<1605632xi32, #tpu.memory_space<hbm>> -> memref<512xi32, #tpu.memory_space<hbm>>
        %dma_wait3A_172 = arith.constant 0 : i32
        %dma_wait3A_173 = tpu.memref_slice %arg8[%rem3A_114, %dma_wait3A_172] : memref<3x512xi32, #tpu.memory_space<vmem>> -> memref<1x512xi32, #tpu.memory_space<vmem>>
        %dma_wait3A_174 = tpu.memref_squeeze %dma_wait3A_173 : memref<1x512xi32, #tpu.memory_space<vmem>> -> memref<512xi32, #tpu.memory_space<vmem>>
        %dma_wait3A_175 = tpu.memref_slice %arg4[%add3A_157] : memref<1605632xi32, #tpu.memory_space<hbm>> -> memref<512xi32, #tpu.memory_space<hbm>>
        tpu.wait_dma2 semaphore(%arg13 : memref<!tpu.dma_semaphore, #tpu.memory_space<semaphore_mem>>) src(%dma_wait3A_175 : memref<512xi32, #tpu.memory_space<hbm>>) dst(%dma_wait3A_174 : memref<512xi32, #tpu.memory_space<vmem>>)
        %dma_start3A_176 = arith.constant 0 : i32
        %dma_start3A_177 = arith.constant 0 : i32
        %dma_start3A_178 = tpu.memref_slice %arg9[%rem3A_114, %dma_start3A_176, %dma_start3A_177] : memref<3x512x16xf32, #tpu.memory_space<vmem>> -> memref<1x512x16xf32, #tpu.memory_space<vmem>>
        %dma_start3A_179 = tpu.memref_squeeze %dma_start3A_178 : memref<1x512x16xf32, #tpu.memory_space<vmem>> -> memref<512x16xf32, #tpu.memory_space<vmem>>
        %dma_start3A_180 = arith.constant 0 : i32
        %dma_start3A_181 = tpu.memref_slice %arg7[%rem3A_114, %dma_start3A_180] : memref<3x512xi32, #tpu.memory_space<vmem>> -> memref<1x512xi32, #tpu.memory_space<vmem>>
        %dma_start3A_182 = tpu.memref_squeeze %dma_start3A_181 : memref<1x512xi32, #tpu.memory_space<vmem>> -> memref<512xi32, #tpu.memory_space<vmem>>
        %dma_start3A_183 = arith.constant 0 : i32
        %dma_start3A_184 = arith.constant 0 : i32
        %dma_start3A_185 = tpu.memref_slice %arg2[%dma_start3A_183, %dma_start3A_184] : memref<200704x16xf32, #tpu.memory_space<hbm>> -> memref<200704x16xf32, #tpu.memory_space<hbm>>
        tpu.enqueue_indirect_dma source(%dma_start3A_185 : memref<200704x16xf32, #tpu.memory_space<hbm>>) target(%dma_start3A_179 : memref<512x16xf32, #tpu.memory_space<vmem>>) offsets(%dma_start3A_182 : memref<512xi32, #tpu.memory_space<vmem>>) semaphore(%arg11 : memref<!tpu.dma_semaphore, #tpu.memory_space<semaphore_mem>>)
      } else {
      }
      %ge3A = arith.constant 1 : i32
      %ge3A_121 = arith.cmpi sge, %scan3A_107, %ge3A : i32
      %convert_element_type3A_122 = arith.extui %ge3A_121 : i1 to i32
      %cond3A_123 = arith.constant 0 : i32
      %cond3A_124 = arith.cmpi ne, %convert_element_type3A_122, %cond3A_123 : i32
      scf.if %cond3A_124 {
        %dma_wait3A_151 = arith.constant 0 : i32
        %dma_wait3A_152 = arith.constant 0 : i32
        %dma_wait3A_153 = tpu.memref_slice %arg9[%rem3A_118, %dma_wait3A_151, %dma_wait3A_152] : memref<3x512x16xf32, #tpu.memory_space<vmem>> -> memref<1x512x16xf32, #tpu.memory_space<vmem>>
        %dma_wait3A_154 = tpu.memref_squeeze %dma_wait3A_153 : memref<1x512x16xf32, #tpu.memory_space<vmem>> -> memref<512x16xf32, #tpu.memory_space<vmem>>
        %dma_wait3A_155 = arith.constant 0 : i32
        %dma_wait3A_156 = tpu.memref_slice %arg8[%rem3A_118, %dma_wait3A_155] : memref<3x512xi32, #tpu.memory_space<vmem>> -> memref<1x512xi32, #tpu.memory_space<vmem>>
        %dma_wait3A_157 = tpu.memref_squeeze %dma_wait3A_156 : memref<1x512xi32, #tpu.memory_space<vmem>> -> memref<512xi32, #tpu.memory_space<vmem>>
        %dma_wait3A_158 = arith.constant 0 : i32
        %dma_wait3A_159 = arith.constant 0 : i32
        %dma_wait3A_160 = tpu.memref_slice %arg10[%dma_wait3A_158, %dma_wait3A_159] : memref<100352x16xf32, #tpu.memory_space<vmem_shared>> -> memref<100352x16xf32, #tpu.memory_space<vmem_shared>>
        tpu.wait_indirect_dma semaphore(%arg12 : memref<!tpu.dma_semaphore, #tpu.memory_space<semaphore_mem>>) src(%dma_wait3A_154 : memref<512x16xf32, #tpu.memory_space<vmem>>) dst(%dma_wait3A_160 : memref<100352x16xf32, #tpu.memory_space<vmem_shared>>)
      } else {
      }
      %lt3A_125 = arith.constant 194 : i32
      %lt3A_126 = arith.cmpi slt, %scan3A_107, %lt3A_125 : i32
      %convert_element_type3A_127 = arith.extui %lt3A_126 : i1 to i32
      %cond3A_128 = arith.constant 0 : i32
      %cond3A_129 = arith.cmpi ne, %convert_element_type3A_127, %cond3A_128 : i32
      scf.if %cond3A_129 {
        %add3A_151 = arith.constant 2 : i32
        %add3A_152 = arith.addi %scan3A_107, %add3A_151 : i32
        %mul3A_153 = arith.constant 100352 : i32
        %mul3A_154 = arith.muli %arg1, %mul3A_153 : i32
        %mul3A_155 = arith.constant 512 : i32
        %mul3A_156 = arith.muli %add3A_152, %mul3A_155 : i32
        %add3A_157 = arith.addi %mul3A_154, %mul3A_156 : i32
        %dma_start3A_158 = arith.constant 0 : i32
        %dma_start3A_159 = tpu.memref_slice %arg7[%rem3A_118, %dma_start3A_158] : memref<3x512xi32, #tpu.memory_space<vmem>> -> memref<1x512xi32, #tpu.memory_space<vmem>>
        %dma_start3A_160 = tpu.memref_squeeze %dma_start3A_159 : memref<1x512xi32, #tpu.memory_space<vmem>> -> memref<512xi32, #tpu.memory_space<vmem>>
        %dma_start3A_161 = tpu.memref_slice %arg3[%arg0, %add3A_157] : memref<2x1605632xi32, #tpu.memory_space<hbm>> -> memref<1x512xi32, #tpu.memory_space<hbm>>
        %dma_start3A_162 = tpu.memref_squeeze %dma_start3A_161 : memref<1x512xi32, #tpu.memory_space<hbm>> -> memref<512xi32, #tpu.memory_space<hbm>>
        %dma_start3A_163 = arith.constant 0 : i32
        %dma_start3A_164 = tpu.memref_slice %arg7[%rem3A_118, %dma_start3A_163] : memref<3x512xi32, #tpu.memory_space<vmem>> -> memref<1x512xi32, #tpu.memory_space<vmem>>
        %dma_start3A_165 = tpu.memref_squeeze %dma_start3A_164 : memref<1x512xi32, #tpu.memory_space<vmem>> -> memref<512xi32, #tpu.memory_space<vmem>>
        %dma_start3A_166 = tpu.memref_slice %arg3[%arg0, %add3A_157] : memref<2x1605632xi32, #tpu.memory_space<hbm>> -> memref<1x512xi32, #tpu.memory_space<hbm>>
        %dma_start3A_167 = tpu.memref_squeeze %dma_start3A_166 : memref<1x512xi32, #tpu.memory_space<hbm>> -> memref<512xi32, #tpu.memory_space<hbm>>
        tpu.enqueue_dma source(%dma_start3A_167 : memref<512xi32, #tpu.memory_space<hbm>>) target(%dma_start3A_165 : memref<512xi32, #tpu.memory_space<vmem>>) target_semaphore(%arg13 : memref<!tpu.dma_semaphore, #tpu.memory_space<semaphore_mem>>)
        %dma_start3A_168 = arith.constant 0 : i32
        %dma_start3A_169 = tpu.memref_slice %arg8[%rem3A_118, %dma_start3A_168] : memref<3x512xi32, #tpu.memory_space<vmem>> -> memref<1x512xi32, #tpu.memory_space<vmem>>
        %dma_start3A_170 = tpu.memref_squeeze %dma_start3A_169 : memref<1x512xi32, #tpu.memory_space<vmem>> -> memref<512xi32, #tpu.memory_space<vmem>>
        %dma_start3A_171 = tpu.memref_slice %arg4[%add3A_157] : memref<1605632xi32, #tpu.memory_space<hbm>> -> memref<512xi32, #tpu.memory_space<hbm>>
        %dma_start3A_172 = arith.constant 0 : i32
        %dma_start3A_173 = tpu.memref_slice %arg8[%rem3A_118, %dma_start3A_172] : memref<3x512xi32, #tpu.memory_space<vmem>> -> memref<1x512xi32, #tpu.memory_space<vmem>>
        %dma_start3A_174 = tpu.memref_squeeze %dma_start3A_173 : memref<1x512xi32, #tpu.memory_space<vmem>> -> memref<512xi32, #tpu.memory_space<vmem>>
        %dma_start3A_175 = tpu.memref_slice %arg4[%add3A_157] : memref<1605632xi32, #tpu.memory_space<hbm>> -> memref<512xi32, #tpu.memory_space<hbm>>
        tpu.enqueue_dma source(%dma_start3A_175 : memref<512xi32, #tpu.memory_space<hbm>>) target(%dma_start3A_174 : memref<512xi32, #tpu.memory_space<vmem>>) target_semaphore(%arg13 : memref<!tpu.dma_semaphore, #tpu.memory_space<semaphore_mem>>)
      } else {
      }
      %dma_wait3A_130 = arith.constant 0 : i32
      %dma_wait3A_131 = arith.constant 0 : i32
      %dma_wait3A_132 = tpu.memref_slice %arg9[%rem3A_110, %dma_wait3A_130, %dma_wait3A_131] : memref<3x512x16xf32, #tpu.memory_space<vmem>> -> memref<1x512x16xf32, #tpu.memory_space<vmem>>
      %dma_wait3A_133 = tpu.memref_squeeze %dma_wait3A_132 : memref<1x512x16xf32, #tpu.memory_space<vmem>> -> memref<512x16xf32, #tpu.memory_space<vmem>>
      %dma_wait3A_134 = arith.constant 0 : i32
      %dma_wait3A_135 = tpu.memref_slice %arg7[%rem3A_110, %dma_wait3A_134] : memref<3x512xi32, #tpu.memory_space<vmem>> -> memref<1x512xi32, #tpu.memory_space<vmem>>
      %dma_wait3A_136 = tpu.memref_squeeze %dma_wait3A_135 : memref<1x512xi32, #tpu.memory_space<vmem>> -> memref<512xi32, #tpu.memory_space<vmem>>
      %dma_wait3A_137 = arith.constant 0 : i32
      %dma_wait3A_138 = arith.constant 0 : i32
      %dma_wait3A_139 = tpu.memref_slice %arg2[%dma_wait3A_137, %dma_wait3A_138] : memref<200704x16xf32, #tpu.memory_space<hbm>> -> memref<200704x16xf32, #tpu.memory_space<hbm>>
      tpu.wait_indirect_dma semaphore(%arg11 : memref<!tpu.dma_semaphore, #tpu.memory_space<semaphore_mem>>) src(%dma_wait3A_139 : memref<200704x16xf32, #tpu.memory_space<hbm>>) dst(%dma_wait3A_133 : memref<512x16xf32, #tpu.memory_space<vmem>>)
      %dma_start3A_140 = arith.constant 0 : i32
      %dma_start3A_141 = arith.constant 0 : i32
      %dma_start3A_142 = tpu.memref_slice %arg9[%rem3A_110, %dma_start3A_140, %dma_start3A_141] : memref<3x512x16xf32, #tpu.memory_space<vmem>> -> memref<1x512x16xf32, #tpu.memory_space<vmem>>
      %dma_start3A_143 = tpu.memref_squeeze %dma_start3A_142 : memref<1x512x16xf32, #tpu.memory_space<vmem>> -> memref<512x16xf32, #tpu.memory_space<vmem>>
      %dma_start3A_144 = arith.constant 0 : i32
      %dma_start3A_145 = tpu.memref_slice %arg8[%rem3A_110, %dma_start3A_144] : memref<3x512xi32, #tpu.memory_space<vmem>> -> memref<1x512xi32, #tpu.memory_space<vmem>>
      %dma_start3A_146 = tpu.memref_squeeze %dma_start3A_145 : memref<1x512xi32, #tpu.memory_space<vmem>> -> memref<512xi32, #tpu.memory_space<vmem>>
      %dma_start3A_147 = arith.constant 0 : i32
      %dma_start3A_148 = arith.constant 0 : i32
      %dma_start3A_149 = tpu.memref_slice %arg10[%dma_start3A_147, %dma_start3A_148] : memref<100352x16xf32, #tpu.memory_space<vmem_shared>> -> memref<100352x16xf32, #tpu.memory_space<vmem_shared>>
      tpu.enqueue_indirect_dma source(%dma_start3A_143 : memref<512x16xf32, #tpu.memory_space<vmem>>) target(%dma_start3A_149 : memref<100352x16xf32, #tpu.memory_space<vmem_shared>>) offsets(%dma_start3A_146 : memref<512xi32, #tpu.memory_space<vmem>>) semaphore(%arg12 : memref<!tpu.dma_semaphore, #tpu.memory_space<semaphore_mem>>) {add = true}
      %scan3A_150 = arith.constant 0 : i32
      scf.yield %scan3A_150 : i32
    }
    %scan3A_89 = arith.constant 196 : i32
    %rem3A = arith.constant 195 : i32
    %rem3A_90 = arith.constant 3 : i32
    %rem3A_91 = arith.remsi %rem3A, %rem3A_90 : i32
    %dma_wait3A_92 = arith.constant 0 : i32
    %dma_wait3A_93 = arith.constant 0 : i32
    %dma_wait3A_94 = tpu.memref_slice %arg9[%rem3A_91, %dma_wait3A_92, %dma_wait3A_93] : memref<3x512x16xf32, #tpu.memory_space<vmem>> -> memref<1x512x16xf32, #tpu.memory_space<vmem>>
    %dma_wait3A_95 = tpu.memref_squeeze %dma_wait3A_94 : memref<1x512x16xf32, #tpu.memory_space<vmem>> -> memref<512x16xf32, #tpu.memory_space<vmem>>
    %dma_wait3A_96 = arith.constant 0 : i32
    %dma_wait3A_97 = tpu.memref_slice %arg8[%rem3A_91, %dma_wait3A_96] : memref<3x512xi32, #tpu.memory_space<vmem>> -> memref<1x512xi32, #tpu.memory_space<vmem>>
    %dma_wait3A_98 = tpu.memref_squeeze %dma_wait3A_97 : memref<1x512xi32, #tpu.memory_space<vmem>> -> memref<512xi32, #tpu.memory_space<vmem>>
    %dma_wait3A_99 = arith.constant 0 : i32
    %dma_wait3A_100 = arith.constant 0 : i32
    %dma_wait3A_101 = tpu.memref_slice %arg10[%dma_wait3A_99, %dma_wait3A_100] : memref<100352x16xf32, #tpu.memory_space<vmem_shared>> -> memref<100352x16xf32, #tpu.memory_space<vmem_shared>>
    tpu.wait_indirect_dma semaphore(%arg12 : memref<!tpu.dma_semaphore, #tpu.memory_space<semaphore_mem>>) src(%dma_wait3A_95 : memref<512x16xf32, #tpu.memory_space<vmem>>) dst(%dma_wait3A_101 : memref<100352x16xf32, #tpu.memory_space<vmem_shared>>)
    %barrier3A_102 = arith.constant 0 : index
    tpu.barrier barrier_id(%barrier3A_102)
    %mul3A_103 = arith.constant 6272 : i32
    %mul3A_104 = arith.muli %arg1, %mul3A_103 : i32
    %mul3A_105 = arith.constant 6272 : i32
    %mul3A_106 = arith.muli %arg1, %mul3A_105 : i32
    "tpu.region"() ({
      %run_scoped3A = tpu.sem_alloc : memref<!tpu.dma_semaphore, #tpu.memory_space<semaphore_mem>>
      %dma_start3A_107 = arith.constant 0 : i32
      %dma_start3A_108 = tpu.memref_slice %arg6[%arg0, %mul3A_106, %dma_start3A_107] : memref<2x100352x16xf32, #tpu.memory_space<hbm>> -> memref<1x6272x16xf32, #tpu.memory_space<hbm>>
      %dma_start3A_109 = tpu.memref_squeeze %dma_start3A_108 : memref<1x6272x16xf32, #tpu.memory_space<hbm>> -> memref<6272x16xf32, #tpu.memory_space<hbm>>
      %dma_start3A_110 = arith.constant 0 : i32
      %dma_start3A_111 = tpu.memref_slice %arg10[%mul3A_104, %dma_start3A_110] : memref<100352x16xf32, #tpu.memory_space<vmem_shared>> -> memref<6272x16xf32, #tpu.memory_space<vmem_shared>>
      tpu.enqueue_dma source(%dma_start3A_111 : memref<6272x16xf32, #tpu.memory_space<vmem_shared>>) target(%dma_start3A_109 : memref<6272x16xf32, #tpu.memory_space<hbm>>) target_semaphore(%run_scoped3A : memref<!tpu.dma_semaphore, #tpu.memory_space<semaphore_mem>>)
      %dma_wait3A_112 = arith.constant 0 : i32
      %dma_wait3A_113 = tpu.memref_slice %arg6[%arg0, %mul3A_106, %dma_wait3A_112] : memref<2x100352x16xf32, #tpu.memory_space<hbm>> -> memref<1x6272x16xf32, #tpu.memory_space<hbm>>
      %dma_wait3A_114 = tpu.memref_squeeze %dma_wait3A_113 : memref<1x6272x16xf32, #tpu.memory_space<hbm>> -> memref<6272x16xf32, #tpu.memory_space<hbm>>
      %dma_wait3A_115 = arith.constant 0 : i32
      %dma_wait3A_116 = tpu.memref_slice %arg10[%mul3A_104, %dma_wait3A_115] : memref<100352x16xf32, #tpu.memory_space<vmem_shared>> -> memref<6272x16xf32, #tpu.memory_space<vmem_shared>>
      tpu.wait_dma2 semaphore(%run_scoped3A : memref<!tpu.dma_semaphore, #tpu.memory_space<semaphore_mem>>) src(%dma_wait3A_116 : memref<6272x16xf32, #tpu.memory_space<vmem_shared>>) dst(%dma_wait3A_114 : memref<6272x16xf32, #tpu.memory_space<hbm>>)
      tpu.yield
    }) : () -> ()
    return
  }
}

#map = affine_map<(d0, d1) -> (0, 0)>
#map1 = affine_map<(d0, d1) -> (0)>
#map2 = affine_map<(d0, d1) -> (0, 0, 0)>
module attributes {stable_mosaic.version = 14 : i64} {
  func.func @body(%arg0: i32, %arg1: i32, %arg2: memref<200704x16xf32, #tpu.memory_space<hbm>>, %arg3: memref<2x1605632xi32, #tpu.memory_space<hbm>>, %arg4: memref<1605632xi32, #tpu.memory_space<hbm>>, %arg5: memref<100352x16xf32, #tpu.memory_space<hbm>>, %arg6: memref<2x100352x16xf32, #tpu.memory_space<hbm>>, %arg7: memref<3x512xi32, #tpu.memory_space<vmem>>, %arg8: memref<3x512xi32, #tpu.memory_space<vmem>>, %arg9: memref<3x512x16xf32, #tpu.memory_space<vmem>>, %arg10: memref<100352x16xf32, #tpu.memory_space<vmem_shared>>, %arg11: memref<!tpu.dma_semaphore, #tpu.memory_space<semaphore_mem>>, %arg12: memref<!tpu.dma_semaphore, #tpu.memory_space<semaphore_mem>>, %arg13: memref<!tpu.dma_semaphore, #tpu.memory_space<semaphore_mem>>) attributes {dimension_semantics = [#tpu.dimension_semantics<core_parallel>, #tpu.dimension_semantics<subcore_parallel>], iteration_bounds = array<i64: 2, 16>, scalar_prefetch = 0 : i64, scratch_operands = 7 : i64, tpu.core_type = #tpu.core_type<sc_vector_subcore>, window_params = [{transform_indices = #map}, {transform_indices = #map}, {transform_indices = #map1}, {transform_indices = #map}, {transform_indices = #map2}]} {
    %mul3A = arith.constant 6272 : i32
    %mul3A_0 = arith.muli %arg1, %mul3A : i32
    %mul3A_1 = arith.constant 6272 : i32
    %mul3A_2 = arith.muli %arg1, %mul3A_1 : i32
    "tpu.region"() ({
      %run_scoped3A = tpu.sem_alloc : memref<!tpu.dma_semaphore, #tpu.memory_space<semaphore_mem>>
      %dma_start3A_107 = arith.constant 0 : i32
      %dma_start3A_108 = tpu.memref_slice %arg10[%mul3A_2, %dma_start3A_107] : memref<100352x16xf32, #tpu.memory_space<vmem_shared>> -> memref<6272x16xf32, #tpu.memory_space<vmem_shared>>
      %dma_start3A_109 = arith.constant 0 : i32
      %dma_start3A_110 = tpu.memref_slice %arg5[%mul3A_0, %dma_start3A_109] : memref<100352x16xf32, #tpu.memory_space<hbm>> -> memref<6272x16xf32, #tpu.memory_space<hbm>>
      tpu.enqueue_dma source(%dma_start3A_110 : memref<6272x16xf32, #tpu.memory_space<hbm>>) target(%dma_start3A_108 : memref<6272x16xf32, #tpu.memory_space<vmem_shared>>) target_semaphore(%run_scoped3A : memref<!tpu.dma_semaphore, #tpu.memory_space<semaphore_mem>>)
      %dma_wait3A_111 = arith.constant 0 : i32
      %dma_wait3A_112 = tpu.memref_slice %arg10[%mul3A_2, %dma_wait3A_111] : memref<100352x16xf32, #tpu.memory_space<vmem_shared>> -> memref<6272x16xf32, #tpu.memory_space<vmem_shared>>
      %dma_wait3A_113 = arith.constant 0 : i32
      %dma_wait3A_114 = tpu.memref_slice %arg5[%mul3A_0, %dma_wait3A_113] : memref<100352x16xf32, #tpu.memory_space<hbm>> -> memref<6272x16xf32, #tpu.memory_space<hbm>>
      tpu.wait_dma2 semaphore(%run_scoped3A : memref<!tpu.dma_semaphore, #tpu.memory_space<semaphore_mem>>) src(%dma_wait3A_114 : memref<6272x16xf32, #tpu.memory_space<hbm>>) dst(%dma_wait3A_112 : memref<6272x16xf32, #tpu.memory_space<vmem_shared>>)
      tpu.yield
    }) : () -> ()
    %barrier3A = arith.constant 0 : index
    tpu.barrier barrier_id(%barrier3A)
    %mul3A_3 = arith.constant 100352 : i32
    %mul3A_4 = arith.muli %arg1, %mul3A_3 : i32
    %add3A = arith.constant 0 : i32
    %add3A_5 = arith.addi %mul3A_4, %add3A : i32
    %dma_start3A = arith.constant 0 : i32
    %dma_start3A_6 = arith.constant 0 : i32
    %dma_start3A_7 = tpu.memref_slice %arg7[%dma_start3A, %dma_start3A_6] : memref<3x512xi32, #tpu.memory_space<vmem>> -> memref<1x512xi32, #tpu.memory_space<vmem>>
    %dma_start3A_8 = tpu.memref_squeeze %dma_start3A_7 : memref<1x512xi32, #tpu.memory_space<vmem>> -> memref<512xi32, #tpu.memory_space<vmem>>
    %dma_start3A_9 = tpu.memref_slice %arg3[%arg0, %add3A_5] : memref<2x1605632xi32, #tpu.memory_space<hbm>> -> memref<1x512xi32, #tpu.memory_space<hbm>>
    %dma_start3A_10 = tpu.memref_squeeze %dma_start3A_9 : memref<1x512xi32, #tpu.memory_space<hbm>> -> memref<512xi32, #tpu.memory_space<hbm>>
    %dma_start3A_11 = arith.constant 0 : i32
    %dma_start3A_12 = tpu.memref_slice %arg7[%dma_start3A, %dma_start3A_11] : memref<3x512xi32, #tpu.memory_space<vmem>> -> memref<1x512xi32, #tpu.memory_space<vmem>>
    %dma_start3A_13 = tpu.memref_squeeze %dma_start3A_12 : memref<1x512xi32, #tpu.memory_space<vmem>> -> memref<512xi32, #tpu.memory_space<vmem>>
    %dma_start3A_14 = tpu.memref_slice %arg3[%arg0, %add3A_5] : memref<2x1605632xi32, #tpu.memory_space<hbm>> -> memref<1x512xi32, #tpu.memory_space<hbm>>
    %dma_start3A_15 = tpu.memref_squeeze %dma_start3A_14 : memref<1x512xi32, #tpu.memory_space<hbm>> -> memref<512xi32, #tpu.memory_space<hbm>>
    tpu.enqueue_dma source(%dma_start3A_15 : memref<512xi32, #tpu.memory_space<hbm>>) target(%dma_start3A_13 : memref<512xi32, #tpu.memory_space<vmem>>) target_semaphore(%arg13 : memref<!tpu.dma_semaphore, #tpu.memory_space<semaphore_mem>>)
    %dma_start3A_16 = arith.constant 0 : i32
    %dma_start3A_17 = arith.constant 0 : i32
    %dma_start3A_18 = tpu.memref_slice %arg8[%dma_start3A_16, %dma_start3A_17] : memref<3x512xi32, #tpu.memory_space<vmem>> -> memref<1x512xi32, #tpu.memory_space<vmem>>
    %dma_start3A_19 = tpu.memref_squeeze %dma_start3A_18 : memref<1x512xi32, #tpu.memory_space<vmem>> -> memref<512xi32, #tpu.memory_space<vmem>>
    %dma_start3A_20 = tpu.memref_slice %arg4[%add3A_5] : memref<1605632xi32, #tpu.memory_space<hbm>> -> memref<512xi32, #tpu.memory_space<hbm>>
    %dma_start3A_21 = arith.constant 0 : i32
    %dma_start3A_22 = tpu.memref_slice %arg8[%dma_start3A_16, %dma_start3A_21] : memref<3x512xi32, #tpu.memory_space<vmem>> -> memref<1x512xi32, #tpu.memory_space<vmem>>
    %dma_start3A_23 = tpu.memref_squeeze %dma_start3A_22 : memref<1x512xi32, #tpu.memory_space<vmem>> -> memref<512xi32, #tpu.memory_space<vmem>>
    %dma_start3A_24 = tpu.memref_slice %arg4[%add3A_5] : memref<1605632xi32, #tpu.memory_space<hbm>> -> memref<512xi32, #tpu.memory_space<hbm>>
    tpu.enqueue_dma source(%dma_start3A_24 : memref<512xi32, #tpu.memory_space<hbm>>) target(%dma_start3A_23 : memref<512xi32, #tpu.memory_space<vmem>>) target_semaphore(%arg13 : memref<!tpu.dma_semaphore, #tpu.memory_space<semaphore_mem>>)
    %mul3A_25 = arith.constant 100352 : i32
    %mul3A_26 = arith.muli %arg1, %mul3A_25 : i32
    %add3A_27 = arith.constant 512 : i32
    %add3A_28 = arith.addi %mul3A_26, %add3A_27 : i32
    %dma_start3A_29 = arith.constant 1 : i32
    %dma_start3A_30 = arith.constant 0 : i32
    %dma_start3A_31 = tpu.memref_slice %arg7[%dma_start3A_29, %dma_start3A_30] : memref<3x512xi32, #tpu.memory_space<vmem>> -> memref<1x512xi32, #tpu.memory_space<vmem>>
    %dma_start3A_32 = tpu.memref_squeeze %dma_start3A_31 : memref<1x512xi32, #tpu.memory_space<vmem>> -> memref<512xi32, #tpu.memory_space<vmem>>
    %dma_start3A_33 = tpu.memref_slice %arg3[%arg0, %add3A_28] : memref<2x1605632xi32, #tpu.memory_space<hbm>> -> memref<1x512xi32, #tpu.memory_space<hbm>>
    %dma_start3A_34 = tpu.memref_squeeze %dma_start3A_33 : memref<1x512xi32, #tpu.memory_space<hbm>> -> memref<512xi32, #tpu.memory_space<hbm>>
    %dma_start3A_35 = arith.constant 0 : i32
    %dma_start3A_36 = tpu.memref_slice %arg7[%dma_start3A_29, %dma_start3A_35] : memref<3x512xi32, #tpu.memory_space<vmem>> -> memref<1x512xi32, #tpu.memory_space<vmem>>
    %dma_start3A_37 = tpu.memref_squeeze %dma_start3A_36 : memref<1x512xi32, #tpu.memory_space<vmem>> -> memref<512xi32, #tpu.memory_space<vmem>>
    %dma_start3A_38 = tpu.memref_slice %arg3[%arg0, %add3A_28] : memref<2x1605632xi32, #tpu.memory_space<hbm>> -> memref<1x512xi32, #tpu.memory_space<hbm>>
    %dma_start3A_39 = tpu.memref_squeeze %dma_start3A_38 : memref<1x512xi32, #tpu.memory_space<hbm>> -> memref<512xi32, #tpu.memory_space<hbm>>
    tpu.enqueue_dma source(%dma_start3A_39 : memref<512xi32, #tpu.memory_space<hbm>>) target(%dma_start3A_37 : memref<512xi32, #tpu.memory_space<vmem>>) target_semaphore(%arg13 : memref<!tpu.dma_semaphore, #tpu.memory_space<semaphore_mem>>)
    %dma_start3A_40 = arith.constant 1 : i32
    %dma_start3A_41 = arith.constant 0 : i32
    %dma_start3A_42 = tpu.memref_slice %arg8[%dma_start3A_40, %dma_start3A_41] : memref<3x512xi32, #tpu.memory_space<vmem>> -> memref<1x512xi32, #tpu.memory_space<vmem>>
    %dma_start3A_43 = tpu.memref_squeeze %dma_start3A_42 : memref<1x512xi32, #tpu.memory_space<vmem>> -> memref<512xi32, #tpu.memory_space<vmem>>
    %dma_start3A_44 = tpu.memref_slice %arg4[%add3A_28] : memref<1605632xi32, #tpu.memory_space<hbm>> -> memref<512xi32, #tpu.memory_space<hbm>>
    %dma_start3A_45 = arith.constant 0 : i32
    %dma_start3A_46 = tpu.memref_slice %arg8[%dma_start3A_40, %dma_start3A_45] : memref<3x512xi32, #tpu.memory_space<vmem>> -> memref<1x512xi32, #tpu.memory_space<vmem>>
    %dma_start3A_47 = tpu.memref_squeeze %dma_start3A_46 : memref<1x512xi32, #tpu.memory_space<vmem>> -> memref<512xi32, #tpu.memory_space<vmem>>
    %dma_start3A_48 = tpu.memref_slice %arg4[%add3A_28] : memref<1605632xi32, #tpu.memory_space<hbm>> -> memref<512xi32, #tpu.memory_space<hbm>>
    tpu.enqueue_dma source(%dma_start3A_48 : memref<512xi32, #tpu.memory_space<hbm>>) target(%dma_start3A_47 : memref<512xi32, #tpu.memory_space<vmem>>) target_semaphore(%arg13 : memref<!tpu.dma_semaphore, #tpu.memory_space<semaphore_mem>>)
    %mul3A_49 = arith.constant 100352 : i32
    %mul3A_50 = arith.muli %arg1, %mul3A_49 : i32
    %add3A_51 = arith.constant 0 : i32
    %add3A_52 = arith.addi %mul3A_50, %add3A_51 : i32
    %dma_wait3A = arith.constant 0 : i32
    %dma_wait3A_53 = arith.constant 0 : i32
    %dma_wait3A_54 = tpu.memref_slice %arg7[%dma_wait3A, %dma_wait3A_53] : memref<3x512xi32, #tpu.memory_space<vmem>> -> memref<1x512xi32, #tpu.memory_space<vmem>>
    %dma_wait3A_55 = tpu.memref_squeeze %dma_wait3A_54 : memref<1x512xi32, #tpu.memory_space<vmem>> -> memref<512xi32, #tpu.memory_space<vmem>>
    %dma_wait3A_56 = tpu.memref_slice %arg3[%arg0, %add3A_52] : memref<2x1605632xi32, #tpu.memory_space<hbm>> -> memref<1x512xi32, #tpu.memory_space<hbm>>
    %dma_wait3A_57 = tpu.memref_squeeze %dma_wait3A_56 : memref<1x512xi32, #tpu.memory_space<hbm>> -> memref<512xi32, #tpu.memory_space<hbm>>
    %dma_wait3A_58 = arith.constant 0 : i32
    %dma_wait3A_59 = tpu.memref_slice %arg7[%dma_wait3A, %dma_wait3A_58] : memref<3x512xi32, #tpu.memory_space<vmem>> -> memref<1x512xi32, #tpu.memory_space<vmem>>
    %dma_wait3A_60 = tpu.memref_squeeze %dma_wait3A_59 : memref<1x512xi32, #tpu.memory_space<vmem>> -> memref<512xi32, #tpu.memory_space<vmem>>
    %dma_wait3A_61 = tpu.memref_slice %arg3[%arg0, %add3A_52] : memref<2x1605632xi32, #tpu.memory_space<hbm>> -> memref<1x512xi32, #tpu.memory_space<hbm>>
    %dma_wait3A_62 = tpu.memref_squeeze %dma_wait3A_61 : memref<1x512xi32, #tpu.memory_space<hbm>> -> memref<512xi32, #tpu.memory_space<hbm>>
    tpu.wait_dma2 semaphore(%arg13 : memref<!tpu.dma_semaphore, #tpu.memory_space<semaphore_mem>>) src(%dma_wait3A_62 : memref<512xi32, #tpu.memory_space<hbm>>) dst(%dma_wait3A_60 : memref<512xi32, #tpu.memory_space<vmem>>)
    %dma_wait3A_63 = arith.constant 0 : i32
    %dma_wait3A_64 = arith.constant 0 : i32
    %dma_wait3A_65 = tpu.memref_slice %arg8[%dma_wait3A_63, %dma_wait3A_64] : memref<3x512xi32, #tpu.memory_space<vmem>> -> memref<1x512xi32, #tpu.memory_space<vmem>>
    %dma_wait3A_66 = tpu.memref_squeeze %dma_wait3A_65 : memref<1x512xi32, #tpu.memory_space<vmem>> -> memref<512xi32, #tpu.memory_space<vmem>>
    %dma_wait3A_67 = tpu.memref_slice %arg4[%add3A_52] : memref<1605632xi32, #tpu.memory_space<hbm>> -> memref<512xi32, #tpu.memory_space<hbm>>
    %dma_wait3A_68 = arith.constant 0 : i32
    %dma_wait3A_69 = tpu.memref_slice %arg8[%dma_wait3A_63, %dma_wait3A_68] : memref<3x512xi32, #tpu.memory_space<vmem>> -> memref<1x512xi32, #tpu.memory_space<vmem>>
    %dma_wait3A_70 = tpu.memref_squeeze %dma_wait3A_69 : memref<1x512xi32, #tpu.memory_space<vmem>> -> memref<512xi32, #tpu.memory_space<vmem>>
    %dma_wait3A_71 = tpu.memref_slice %arg4[%add3A_52] : memref<1605632xi32, #tpu.memory_space<hbm>> -> memref<512xi32, #tpu.memory_space<hbm>>
    tpu.wait_dma2 semaphore(%arg13 : memref<!tpu.dma_semaphore, #tpu.memory_space<semaphore_mem>>) src(%dma_wait3A_71 : memref<512xi32, #tpu.memory_space<hbm>>) dst(%dma_wait3A_70 : memref<512xi32, #tpu.memory_space<vmem>>)
    %dma_start3A_72 = arith.constant 0 : i32
    %dma_start3A_73 = arith.constant 0 : i32
    %dma_start3A_74 = arith.constant 0 : i32
    %dma_start3A_75 = arith.constant 0 : i32
    %dma_start3A_76 = tpu.memref_slice %arg9[%dma_start3A_73, %dma_start3A_74, %dma_start3A_75] : memref<3x512x16xf32, #tpu.memory_space<vmem>> -> memref<1x512x16xf32, #tpu.memory_space<vmem>>
    %dma_start3A_77 = tpu.memref_squeeze %dma_start3A_76 : memref<1x512x16xf32, #tpu.memory_space<vmem>> -> memref<512x16xf32, #tpu.memory_space<vmem>>
    %dma_start3A_78 = arith.constant 0 : i32
    %dma_start3A_79 = tpu.memref_slice %arg7[%dma_start3A_72, %dma_start3A_78] : memref<3x512xi32, #tpu.memory_space<vmem>> -> memref<1x512xi32, #tpu.memory_space<vmem>>
    %dma_start3A_80 = tpu.memref_squeeze %dma_start3A_79 : memref<1x512xi32, #tpu.memory_space<vmem>> -> memref<512xi32, #tpu.memory_space<vmem>>
    %dma_start3A_81 = arith.constant 0 : i32
    %dma_start3A_82 = arith.constant 0 : i32
    %dma_start3A_83 = tpu.memref_slice %arg2[%dma_start3A_81, %dma_start3A_82] : memref<200704x16xf32, #tpu.memory_space<hbm>> -> memref<200704x16xf32, #tpu.memory_space<hbm>>
    tpu.enqueue_indirect_dma source(%dma_start3A_83 : memref<200704x16xf32, #tpu.memory_space<hbm>>) target(%dma_start3A_77 : memref<512x16xf32, #tpu.memory_space<vmem>>) offsets(%dma_start3A_80 : memref<512xi32, #tpu.memory_space<vmem>>) semaphore(%arg11 : memref<!tpu.dma_semaphore, #tpu.memory_space<semaphore_mem>>)
    %scan3A = arith.constant 0 : i32
    %scan3A_84 = arith.constant 0 : i32
    %scan3A_85 = arith.constant 196 : i32
    %scan3A_86 = arith.addi %scan3A_84, %scan3A_85 : i32
    %scan3A_87 = arith.constant 1 : i32
    %scan3A_88 = scf.for %scan3A_107 = %scan3A_84 to %scan3A_86 step %scan3A_87 iter_args(%scan3A_108 = %scan3A) -> (i32)  : i32 {
      %rem3A_109 = arith.constant 3 : i32
      %rem3A_110 = arith.remsi %scan3A_107, %rem3A_109 : i32
      %add3A_111 = arith.constant 1 : i32
      %add3A_112 = arith.addi %scan3A_107, %add3A_111 : i32
      %rem3A_113 = arith.constant 3 : i32
      %rem3A_114 = arith.remsi %add3A_112, %rem3A_113 : i32
      %add3A_115 = arith.constant 2 : i32
      %add3A_116 = arith.addi %scan3A_107, %add3A_115 : i32
      %rem3A_117 = arith.constant 3 : i32
      %rem3A_118 = arith.remsi %add3A_116, %rem3A_117 : i32
      %lt3A = arith.constant 195 : i32
      %lt3A_119 = arith.cmpi slt, %scan3A_107, %lt3A : i32
      %convert_element_type3A = arith.extui %lt3A_119 : i1 to i32
      %cond3A = arith.constant 0 : i32
      %cond3A_120 = arith.cmpi ne, %convert_element_type3A, %cond3A : i32
      scf.if %cond3A_120 {
        %add3A_151 = arith.constant 1 : i32
        %add3A_152 = arith.addi %scan3A_107, %add3A_151 : i32
        %mul3A_153 = arith.constant 100352 : i32
        %mul3A_154 = arith.muli %arg1, %mul3A_153 : i32
        %mul3A_155 = arith.constant 512 : i32
        %mul3A_156 = arith.muli %add3A_152, %mul3A_155 : i32
        %add3A_157 = arith.addi %mul3A_154, %mul3A_156 : i32
        %dma_wait3A_158 = arith.constant 0 : i32
        %dma_wait3A_159 = tpu.memref_slice %arg7[%rem3A_114, %dma_wait3A_158] : memref<3x512xi32, #tpu.memory_space<vmem>> -> memref<1x512xi32, #tpu.memory_space<vmem>>
        %dma_wait3A_160 = tpu.memref_squeeze %dma_wait3A_159 : memref<1x512xi32, #tpu.memory_space<vmem>> -> memref<512xi32, #tpu.memory_space<vmem>>
        %dma_wait3A_161 = tpu.memref_slice %arg3[%arg0, %add3A_157] : memref<2x1605632xi32, #tpu.memory_space<hbm>> -> memref<1x512xi32, #tpu.memory_space<hbm>>
        %dma_wait3A_162 = tpu.memref_squeeze %dma_wait3A_161 : memref<1x512xi32, #tpu.memory_space<hbm>> -> memref<512xi32, #tpu.memory_space<hbm>>
        %dma_wait3A_163 = arith.constant 0 : i32
        %dma_wait3A_164 = tpu.memref_slice %arg7[%rem3A_114, %dma_wait3A_163] : memref<3x512xi32, #tpu.memory_space<vmem>> -> memref<1x512xi32, #tpu.memory_space<vmem>>
        %dma_wait3A_165 = tpu.memref_squeeze %dma_wait3A_164 : memref<1x512xi32, #tpu.memory_space<vmem>> -> memref<512xi32, #tpu.memory_space<vmem>>
        %dma_wait3A_166 = tpu.memref_slice %arg3[%arg0, %add3A_157] : memref<2x1605632xi32, #tpu.memory_space<hbm>> -> memref<1x512xi32, #tpu.memory_space<hbm>>
        %dma_wait3A_167 = tpu.memref_squeeze %dma_wait3A_166 : memref<1x512xi32, #tpu.memory_space<hbm>> -> memref<512xi32, #tpu.memory_space<hbm>>
        tpu.wait_dma2 semaphore(%arg13 : memref<!tpu.dma_semaphore, #tpu.memory_space<semaphore_mem>>) src(%dma_wait3A_167 : memref<512xi32, #tpu.memory_space<hbm>>) dst(%dma_wait3A_165 : memref<512xi32, #tpu.memory_space<vmem>>)
        %dma_wait3A_168 = arith.constant 0 : i32
        %dma_wait3A_169 = tpu.memref_slice %arg8[%rem3A_114, %dma_wait3A_168] : memref<3x512xi32, #tpu.memory_space<vmem>> -> memref<1x512xi32, #tpu.memory_space<vmem>>
        %dma_wait3A_170 = tpu.memref_squeeze %dma_wait3A_169 : memref<1x512xi32, #tpu.memory_space<vmem>> -> memref<512xi32, #tpu.memory_space<vmem>>
        %dma_wait3A_171 = tpu.memref_slice %arg4[%add3A_157] : memref<1605632xi32, #tpu.memory_space<hbm>> -> memref<512xi32, #tpu.memory_space<hbm>>
        %dma_wait3A_172 = arith.constant 0 : i32
        %dma_wait3A_173 = tpu.memref_slice %arg8[%rem3A_114, %dma_wait3A_172] : memref<3x512xi32, #tpu.memory_space<vmem>> -> memref<1x512xi32, #tpu.memory_space<vmem>>
        %dma_wait3A_174 = tpu.memref_squeeze %dma_wait3A_173 : memref<1x512xi32, #tpu.memory_space<vmem>> -> memref<512xi32, #tpu.memory_space<vmem>>
        %dma_wait3A_175 = tpu.memref_slice %arg4[%add3A_157] : memref<1605632xi32, #tpu.memory_space<hbm>> -> memref<512xi32, #tpu.memory_space<hbm>>
        tpu.wait_dma2 semaphore(%arg13 : memref<!tpu.dma_semaphore, #tpu.memory_space<semaphore_mem>>) src(%dma_wait3A_175 : memref<512xi32, #tpu.memory_space<hbm>>) dst(%dma_wait3A_174 : memref<512xi32, #tpu.memory_space<vmem>>)
        %dma_start3A_176 = arith.constant 0 : i32
        %dma_start3A_177 = arith.constant 0 : i32
        %dma_start3A_178 = tpu.memref_slice %arg9[%rem3A_114, %dma_start3A_176, %dma_start3A_177] : memref<3x512x16xf32, #tpu.memory_space<vmem>> -> memref<1x512x16xf32, #tpu.memory_space<vmem>>
        %dma_start3A_179 = tpu.memref_squeeze %dma_start3A_178 : memref<1x512x16xf32, #tpu.memory_space<vmem>> -> memref<512x16xf32, #tpu.memory_space<vmem>>
        %dma_start3A_180 = arith.constant 0 : i32
        %dma_start3A_181 = tpu.memref_slice %arg7[%rem3A_114, %dma_start3A_180] : memref<3x512xi32, #tpu.memory_space<vmem>> -> memref<1x512xi32, #tpu.memory_space<vmem>>
        %dma_start3A_182 = tpu.memref_squeeze %dma_start3A_181 : memref<1x512xi32, #tpu.memory_space<vmem>> -> memref<512xi32, #tpu.memory_space<vmem>>
        %dma_start3A_183 = arith.constant 0 : i32
        %dma_start3A_184 = arith.constant 0 : i32
        %dma_start3A_185 = tpu.memref_slice %arg2[%dma_start3A_183, %dma_start3A_184] : memref<200704x16xf32, #tpu.memory_space<hbm>> -> memref<200704x16xf32, #tpu.memory_space<hbm>>
        tpu.enqueue_indirect_dma source(%dma_start3A_185 : memref<200704x16xf32, #tpu.memory_space<hbm>>) target(%dma_start3A_179 : memref<512x16xf32, #tpu.memory_space<vmem>>) offsets(%dma_start3A_182 : memref<512xi32, #tpu.memory_space<vmem>>) semaphore(%arg11 : memref<!tpu.dma_semaphore, #tpu.memory_space<semaphore_mem>>)
      } else {
      }
      %ge3A = arith.constant 1 : i32
      %ge3A_121 = arith.cmpi sge, %scan3A_107, %ge3A : i32
      %convert_element_type3A_122 = arith.extui %ge3A_121 : i1 to i32
      %cond3A_123 = arith.constant 0 : i32
      %cond3A_124 = arith.cmpi ne, %convert_element_type3A_122, %cond3A_123 : i32
      scf.if %cond3A_124 {
        %dma_wait3A_151 = arith.constant 0 : i32
        %dma_wait3A_152 = arith.constant 0 : i32
        %dma_wait3A_153 = tpu.memref_slice %arg9[%rem3A_118, %dma_wait3A_151, %dma_wait3A_152] : memref<3x512x16xf32, #tpu.memory_space<vmem>> -> memref<1x512x16xf32, #tpu.memory_space<vmem>>
        %dma_wait3A_154 = tpu.memref_squeeze %dma_wait3A_153 : memref<1x512x16xf32, #tpu.memory_space<vmem>> -> memref<512x16xf32, #tpu.memory_space<vmem>>
        %dma_wait3A_155 = arith.constant 0 : i32
        %dma_wait3A_156 = tpu.memref_slice %arg8[%rem3A_118, %dma_wait3A_155] : memref<3x512xi32, #tpu.memory_space<vmem>> -> memref<1x512xi32, #tpu.memory_space<vmem>>
        %dma_wait3A_157 = tpu.memref_squeeze %dma_wait3A_156 : memref<1x512xi32, #tpu.memory_space<vmem>> -> memref<512xi32, #tpu.memory_space<vmem>>
        %dma_wait3A_158 = arith.constant 0 : i32
        %dma_wait3A_159 = arith.constant 0 : i32
        %dma_wait3A_160 = tpu.memref_slice %arg10[%dma_wait3A_158, %dma_wait3A_159] : memref<100352x16xf32, #tpu.memory_space<vmem_shared>> -> memref<100352x16xf32, #tpu.memory_space<vmem_shared>>
        tpu.wait_indirect_dma semaphore(%arg12 : memref<!tpu.dma_semaphore, #tpu.memory_space<semaphore_mem>>) src(%dma_wait3A_154 : memref<512x16xf32, #tpu.memory_space<vmem>>) dst(%dma_wait3A_160 : memref<100352x16xf32, #tpu.memory_space<vmem_shared>>)
      } else {
      }
      %lt3A_125 = arith.constant 194 : i32
      %lt3A_126 = arith.cmpi slt, %scan3A_107, %lt3A_125 : i32
      %convert_element_type3A_127 = arith.extui %lt3A_126 : i1 to i32
      %cond3A_128 = arith.constant 0 : i32
      %cond3A_129 = arith.cmpi ne, %convert_element_type3A_127, %cond3A_128 : i32
      scf.if %cond3A_129 {
        %add3A_151 = arith.constant 2 : i32
        %add3A_152 = arith.addi %scan3A_107, %add3A_151 : i32
        %mul3A_153 = arith.constant 100352 : i32
        %mul3A_154 = arith.muli %arg1, %mul3A_153 : i32
        %mul3A_155 = arith.constant 512 : i32
        %mul3A_156 = arith.muli %add3A_152, %mul3A_155 : i32
        %add3A_157 = arith.addi %mul3A_154, %mul3A_156 : i32
        %dma_start3A_158 = arith.constant 0 : i32
        %dma_start3A_159 = tpu.memref_slice %arg7[%rem3A_118, %dma_start3A_158] : memref<3x512xi32, #tpu.memory_space<vmem>> -> memref<1x512xi32, #tpu.memory_space<vmem>>
        %dma_start3A_160 = tpu.memref_squeeze %dma_start3A_159 : memref<1x512xi32, #tpu.memory_space<vmem>> -> memref<512xi32, #tpu.memory_space<vmem>>
        %dma_start3A_161 = tpu.memref_slice %arg3[%arg0, %add3A_157] : memref<2x1605632xi32, #tpu.memory_space<hbm>> -> memref<1x512xi32, #tpu.memory_space<hbm>>
        %dma_start3A_162 = tpu.memref_squeeze %dma_start3A_161 : memref<1x512xi32, #tpu.memory_space<hbm>> -> memref<512xi32, #tpu.memory_space<hbm>>
        %dma_start3A_163 = arith.constant 0 : i32
        %dma_start3A_164 = tpu.memref_slice %arg7[%rem3A_118, %dma_start3A_163] : memref<3x512xi32, #tpu.memory_space<vmem>> -> memref<1x512xi32, #tpu.memory_space<vmem>>
        %dma_start3A_165 = tpu.memref_squeeze %dma_start3A_164 : memref<1x512xi32, #tpu.memory_space<vmem>> -> memref<512xi32, #tpu.memory_space<vmem>>
        %dma_start3A_166 = tpu.memref_slice %arg3[%arg0, %add3A_157] : memref<2x1605632xi32, #tpu.memory_space<hbm>> -> memref<1x512xi32, #tpu.memory_space<hbm>>
        %dma_start3A_167 = tpu.memref_squeeze %dma_start3A_166 : memref<1x512xi32, #tpu.memory_space<hbm>> -> memref<512xi32, #tpu.memory_space<hbm>>
        tpu.enqueue_dma source(%dma_start3A_167 : memref<512xi32, #tpu.memory_space<hbm>>) target(%dma_start3A_165 : memref<512xi32, #tpu.memory_space<vmem>>) target_semaphore(%arg13 : memref<!tpu.dma_semaphore, #tpu.memory_space<semaphore_mem>>)
        %dma_start3A_168 = arith.constant 0 : i32
        %dma_start3A_169 = tpu.memref_slice %arg8[%rem3A_118, %dma_start3A_168] : memref<3x512xi32, #tpu.memory_space<vmem>> -> memref<1x512xi32, #tpu.memory_space<vmem>>
        %dma_start3A_170 = tpu.memref_squeeze %dma_start3A_169 : memref<1x512xi32, #tpu.memory_space<vmem>> -> memref<512xi32, #tpu.memory_space<vmem>>
        %dma_start3A_171 = tpu.memref_slice %arg4[%add3A_157] : memref<1605632xi32, #tpu.memory_space<hbm>> -> memref<512xi32, #tpu.memory_space<hbm>>
        %dma_start3A_172 = arith.constant 0 : i32
        %dma_start3A_173 = tpu.memref_slice %arg8[%rem3A_118, %dma_start3A_172] : memref<3x512xi32, #tpu.memory_space<vmem>> -> memref<1x512xi32, #tpu.memory_space<vmem>>
        %dma_start3A_174 = tpu.memref_squeeze %dma_start3A_173 : memref<1x512xi32, #tpu.memory_space<vmem>> -> memref<512xi32, #tpu.memory_space<vmem>>
        %dma_start3A_175 = tpu.memref_slice %arg4[%add3A_157] : memref<1605632xi32, #tpu.memory_space<hbm>> -> memref<512xi32, #tpu.memory_space<hbm>>
        tpu.enqueue_dma source(%dma_start3A_175 : memref<512xi32, #tpu.memory_space<hbm>>) target(%dma_start3A_174 : memref<512xi32, #tpu.memory_space<vmem>>) target_semaphore(%arg13 : memref<!tpu.dma_semaphore, #tpu.memory_space<semaphore_mem>>)
      } else {
      }
      %dma_wait3A_130 = arith.constant 0 : i32
      %dma_wait3A_131 = arith.constant 0 : i32
      %dma_wait3A_132 = tpu.memref_slice %arg9[%rem3A_110, %dma_wait3A_130, %dma_wait3A_131] : memref<3x512x16xf32, #tpu.memory_space<vmem>> -> memref<1x512x16xf32, #tpu.memory_space<vmem>>
      %dma_wait3A_133 = tpu.memref_squeeze %dma_wait3A_132 : memref<1x512x16xf32, #tpu.memory_space<vmem>> -> memref<512x16xf32, #tpu.memory_space<vmem>>
      %dma_wait3A_134 = arith.constant 0 : i32
      %dma_wait3A_135 = tpu.memref_slice %arg7[%rem3A_110, %dma_wait3A_134] : memref<3x512xi32, #tpu.memory_space<vmem>> -> memref<1x512xi32, #tpu.memory_space<vmem>>
      %dma_wait3A_136 = tpu.memref_squeeze %dma_wait3A_135 : memref<1x512xi32, #tpu.memory_space<vmem>> -> memref<512xi32, #tpu.memory_space<vmem>>
      %dma_wait3A_137 = arith.constant 0 : i32
      %dma_wait3A_138 = arith.constant 0 : i32
      %dma_wait3A_139 = tpu.memref_slice %arg2[%dma_wait3A_137, %dma_wait3A_138] : memref<200704x16xf32, #tpu.memory_space<hbm>> -> memref<200704x16xf32, #tpu.memory_space<hbm>>
      tpu.wait_indirect_dma semaphore(%arg11 : memref<!tpu.dma_semaphore, #tpu.memory_space<semaphore_mem>>) src(%dma_wait3A_139 : memref<200704x16xf32, #tpu.memory_space<hbm>>) dst(%dma_wait3A_133 : memref<512x16xf32, #tpu.memory_space<vmem>>)
      %dma_start3A_140 = arith.constant 0 : i32
      %dma_start3A_141 = arith.constant 0 : i32
      %dma_start3A_142 = tpu.memref_slice %arg9[%rem3A_110, %dma_start3A_140, %dma_start3A_141] : memref<3x512x16xf32, #tpu.memory_space<vmem>> -> memref<1x512x16xf32, #tpu.memory_space<vmem>>
      %dma_start3A_143 = tpu.memref_squeeze %dma_start3A_142 : memref<1x512x16xf32, #tpu.memory_space<vmem>> -> memref<512x16xf32, #tpu.memory_space<vmem>>
      %dma_start3A_144 = arith.constant 0 : i32
      %dma_start3A_145 = tpu.memref_slice %arg8[%rem3A_110, %dma_start3A_144] : memref<3x512xi32, #tpu.memory_space<vmem>> -> memref<1x512xi32, #tpu.memory_space<vmem>>
      %dma_start3A_146 = tpu.memref_squeeze %dma_start3A_145 : memref<1x512xi32, #tpu.memory_space<vmem>> -> memref<512xi32, #tpu.memory_space<vmem>>
      %dma_start3A_147 = arith.constant 0 : i32
      %dma_start3A_148 = arith.constant 0 : i32
      %dma_start3A_149 = tpu.memref_slice %arg10[%dma_start3A_147, %dma_start3A_148] : memref<100352x16xf32, #tpu.memory_space<vmem_shared>> -> memref<100352x16xf32, #tpu.memory_space<vmem_shared>>
      tpu.enqueue_indirect_dma source(%dma_start3A_143 : memref<512x16xf32, #tpu.memory_space<vmem>>) target(%dma_start3A_149 : memref<100352x16xf32, #tpu.memory_space<vmem_shared>>) offsets(%dma_start3A_146 : memref<512xi32, #tpu.memory_space<vmem>>) semaphore(%arg12 : memref<!tpu.dma_semaphore, #tpu.memory_space<semaphore_mem>>) {add = true}
      %scan3A_150 = arith.constant 0 : i32
      scf.yield %scan3A_150 : i32
    }
    %scan3A_89 = arith.constant 196 : i32
    %rem3A = arith.constant 195 : i32
    %rem3A_90 = arith.constant 3 : i32
    %rem3A_91 = arith.remsi %rem3A, %rem3A_90 : i32
    %dma_wait3A_92 = arith.constant 0 : i32
    %dma_wait3A_93 = arith.constant 0 : i32
    %dma_wait3A_94 = tpu.memref_slice %arg9[%rem3A_91, %dma_wait3A_92, %dma_wait3A_93] : memref<3x512x16xf32, #tpu.memory_space<vmem>> -> memref<1x512x16xf32, #tpu.memory_space<vmem>>
    %dma_wait3A_95 = tpu.memref_squeeze %dma_wait3A_94 : memref<1x512x16xf32, #tpu.memory_space<vmem>> -> memref<512x16xf32, #tpu.memory_space<vmem>>
    %dma_wait3A_96 = arith.constant 0 : i32
    %dma_wait3A_97 = tpu.memref_slice %arg8[%rem3A_91, %dma_wait3A_96] : memref<3x512xi32, #tpu.memory_space<vmem>> -> memref<1x512xi32, #tpu.memory_space<vmem>>
    %dma_wait3A_98 = tpu.memref_squeeze %dma_wait3A_97 : memref<1x512xi32, #tpu.memory_space<vmem>> -> memref<512xi32, #tpu.memory_space<vmem>>
    %dma_wait3A_99 = arith.constant 0 : i32
    %dma_wait3A_100 = arith.constant 0 : i32
    %dma_wait3A_101 = tpu.memref_slice %arg10[%dma_wait3A_99, %dma_wait3A_100] : memref<100352x16xf32, #tpu.memory_space<vmem_shared>> -> memref<100352x16xf32, #tpu.memory_space<vmem_shared>>
    tpu.wait_indirect_dma semaphore(%arg12 : memref<!tpu.dma_semaphore, #tpu.memory_space<semaphore_mem>>) src(%dma_wait3A_95 : memref<512x16xf32, #tpu.memory_space<vmem>>) dst(%dma_wait3A_101 : memref<100352x16xf32, #tpu.memory_space<vmem_shared>>)
    %barrier3A_102 = arith.constant 0 : index
    tpu.barrier barrier_id(%barrier3A_102)
    %mul3A_103 = arith.constant 6272 : i32
    %mul3A_104 = arith.muli %arg1, %mul3A_103 : i32
    %mul3A_105 = arith.constant 6272 : i32
    %mul3A_106 = arith.muli %arg1, %mul3A_105 : i32
    "tpu.region"() ({
      %run_scoped3A = tpu.sem_alloc : memref<!tpu.dma_semaphore, #tpu.memory_space<semaphore_mem>>
      %dma_start3A_107 = arith.constant 0 : i32
      %dma_start3A_108 = tpu.memref_slice %arg6[%arg0, %mul3A_106, %dma_start3A_107] : memref<2x100352x16xf32, #tpu.memory_space<hbm>> -> memref<1x6272x16xf32, #tpu.memory_space<hbm>>
      %dma_start3A_109 = tpu.memref_squeeze %dma_start3A_108 : memref<1x6272x16xf32, #tpu.memory_space<hbm>> -> memref<6272x16xf32, #tpu.memory_space<hbm>>
      %dma_start3A_110 = arith.constant 0 : i32
      %dma_start3A_111 = tpu.memref_slice %arg10[%mul3A_104, %dma_start3A_110] : memref<100352x16xf32, #tpu.memory_space<vmem_shared>> -> memref<6272x16xf32, #tpu.memory_space<vmem_shared>>
      tpu.enqueue_dma source(%dma_start3A_111 : memref<6272x16xf32, #tpu.memory_space<vmem_shared>>) target(%dma_start3A_109 : memref<6272x16xf32, #tpu.memory_space<hbm>>) target_semaphore(%run_scoped3A : memref<!tpu.dma_semaphore, #tpu.memory_space<semaphore_mem>>)
      %dma_wait3A_112 = arith.constant 0 : i32
      %dma_wait3A_113 = tpu.memref_slice %arg6[%arg0, %mul3A_106, %dma_wait3A_112] : memref<2x100352x16xf32, #tpu.memory_space<hbm>> -> memref<1x6272x16xf32, #tpu.memory_space<hbm>>
      %dma_wait3A_114 = tpu.memref_squeeze %dma_wait3A_113 : memref<1x6272x16xf32, #tpu.memory_space<hbm>> -> memref<6272x16xf32, #tpu.memory_space<hbm>>
      %dma_wait3A_115 = arith.constant 0 : i32
      %dma_wait3A_116 = tpu.memref_slice %arg10[%mul3A_104, %dma_wait3A_115] : memref<100352x16xf32, #tpu.memory_space<vmem_shared>> -> memref<6272x16xf32, #tpu.memory_space<vmem_shared>>
      tpu.wait_dma2 semaphore(%run_scoped3A : memref<!tpu.dma_semaphore, #tpu.memory_space<semaphore_mem>>) src(%dma_wait3A_116 : memref<6272x16xf32, #tpu.memory_space<vmem_shared>>) dst(%dma_wait3A_114 : memref<6272x16xf32, #tpu.memory_space<hbm>>)
      tpu.yield
    }) : () -> ()
    return
  }
}

#map = affine_map<(d0, d1) -> (0)>
#map1 = affine_map<(d0, d1) -> (0, 0)>
module attributes {stable_mosaic.version = 14 : i64} {
  func.func @body(%arg0: i32, %arg1: i32, %arg2: memref<1605632xi32, #tpu.memory_space<hbm>>, %arg3: memref<32x100352xf32, #tpu.memory_space<hbm>>, %arg4: memref<1024xi32, #tpu.memory_space<vmem>>, %arg5: memref<100352xf32, #tpu.memory_space<vmem>>) attributes {dimension_semantics = [#tpu.dimension_semantics<core_parallel>, #tpu.dimension_semantics<subcore_parallel>], iteration_bounds = array<i64: 2, 16>, scalar_prefetch = 0 : i64, scratch_operands = 2 : i64, tpu.core_type = #tpu.core_type<sc_vector_subcore>, window_params = [{transform_indices = #map}, {transform_indices = #map1}]} {
    %mul3A = arith.constant 2 : i32
    %mul3A_0 = arith.muli %arg1, %mul3A : i32
    %add3A = arith.addi %mul3A_0, %arg0 : i32
    %broadcast_in_dim3A = arith.constant 0.000000e+00 : f32
    %broadcast_in_dim3A_1 = vector.broadcast %broadcast_in_dim3A : f32 to vector<16xf32>
    %scan3A = arith.constant 0 : i32
    %scan3A_2 = arith.constant 0 : i32
    %scan3A_3 = arith.constant 6272 : i32
    %scan3A_4 = arith.addi %scan3A_2, %scan3A_3 : i32
    %scan3A_5 = arith.constant 1 : i32
    %scan3A_6 = scf.for %scan3A_17 = %scan3A_2 to %scan3A_4 step %scan3A_5 iter_args(%scan3A_18 = %scan3A) -> (i32)  : i32 {
      %mul3A_19 = arith.constant 16 : i32
      %mul3A_20 = arith.muli %scan3A_17, %mul3A_19 : i32
      %swap3A = arith.index_cast %mul3A_20 : i32 to index
      %swap3A_21 = tpu.vector_load %arg5[%swap3A] {strides = array<i32>} : memref<100352xf32, #tpu.memory_space<vmem>>, vector<16xf32>,
      tpu.vector_store %arg5[%swap3A], %broadcast_in_dim3A_1 {strides = array<i32>} : memref<100352xf32, #tpu.memory_space<vmem>>, vector<16xf32>,
      %scan3A_22 = arith.constant 0 : i32
      scf.yield %scan3A_22 : i32
    }
    %scan3A_7 = arith.constant 6272 : i32
    %broadcast_in_dim3A_8 = arith.constant 1.000000e+00 : f32
    %broadcast_in_dim3A_9 = vector.broadcast %broadcast_in_dim3A_8 : f32 to vector<16xf32>
    %scan3A_10 = arith.constant 0 : i32
    %scan3A_11 = arith.constant 0 : i32
    %scan3A_12 = arith.constant 49 : i32
    %scan3A_13 = arith.addi %scan3A_11, %scan3A_12 : i32
    %scan3A_14 = arith.constant 1 : i32
    %scan3A_15 = scf.for %scan3A_17 = %scan3A_11 to %scan3A_13 step %scan3A_14 iter_args(%scan3A_18 = %scan3A_10) -> (i32)  : i32 {
      %mul3A_19 = arith.constant 50176 : i32
      %mul3A_20 = arith.muli %add3A, %mul3A_19 : i32
      %mul3A_21 = arith.constant 1024 : i32
      %mul3A_22 = arith.muli %scan3A_17, %mul3A_21 : i32
      %add3A_23 = arith.addi %mul3A_20, %mul3A_22 : i32
      "tpu.region"() ({
        %run_scoped3A = tpu.sem_alloc : memref<!tpu.dma_semaphore, #tpu.memory_space<semaphore_mem>>
        %dma_start3A = tpu.memref_slice %arg2[%add3A_23] : memref<1605632xi32, #tpu.memory_space<hbm>> -> memref<1024xi32, #tpu.memory_space<hbm>>
        %dma_start3A_32 = tpu.memref_slice %arg2[%add3A_23] : memref<1605632xi32, #tpu.memory_space<hbm>> -> memref<1024xi32, #tpu.memory_space<hbm>>
        tpu.enqueue_dma source(%dma_start3A_32 : memref<1024xi32, #tpu.memory_space<hbm>>) target(%arg4 : memref<1024xi32, #tpu.memory_space<vmem>>) target_semaphore(%run_scoped3A : memref<!tpu.dma_semaphore, #tpu.memory_space<semaphore_mem>>)
        %dma_wait3A = tpu.memref_slice %arg2[%add3A_23] : memref<1605632xi32, #tpu.memory_space<hbm>> -> memref<1024xi32, #tpu.memory_space<hbm>>
        %dma_wait3A_33 = tpu.memref_slice %arg2[%add3A_23] : memref<1605632xi32, #tpu.memory_space<hbm>> -> memref<1024xi32, #tpu.memory_space<hbm>>
        tpu.wait_dma2 semaphore(%run_scoped3A : memref<!tpu.dma_semaphore, #tpu.memory_space<semaphore_mem>>) src(%dma_wait3A_33 : memref<1024xi32, #tpu.memory_space<hbm>>) dst(%arg4 : memref<1024xi32, #tpu.memory_space<vmem>>)
        tpu.yield
      }) : () -> ()
      %scan3A_24 = arith.constant 0 : i32
      %scan3A_25 = arith.constant 0 : i32
      %scan3A_26 = arith.constant 64 : i32
      %scan3A_27 = arith.addi %scan3A_25, %scan3A_26 : i32
      %scan3A_28 = arith.constant 1 : i32
      %scan3A_29 = scf.for %scan3A_32 = %scan3A_25 to %scan3A_27 step %scan3A_28 iter_args(%scan3A_33 = %scan3A_24) -> (i32)  : i32 {
        %mul3A_34 = arith.constant 16 : i32
        %mul3A_35 = arith.muli %scan3A_32, %mul3A_34 : i32
        %get3A = arith.index_cast %mul3A_35 : i32 to index
        %get3A_36 = tpu.vector_load %arg4[%get3A] {strides = array<i32>} : memref<1024xi32, #tpu.memory_space<vmem>>, vector<16xi32>,
        tpu.vector_store_idx %arg5[%get3A_36], %broadcast_in_dim3A_9 {add = true} : memref<100352xf32, #tpu.memory_space<vmem>>[vector<16xi32>], vector<16xf32>,
        %scan3A_37 = arith.constant 0 : i32
        scf.yield %scan3A_37 : i32
      }
      %scan3A_30 = arith.constant 64 : i32
      %scan3A_31 = arith.constant 0 : i32
      scf.yield %scan3A_31 : i32
    }
    %scan3A_16 = arith.constant 49 : i32
    "tpu.region"() ({
      %run_scoped3A = tpu.sem_alloc : memref<!tpu.dma_semaphore, #tpu.memory_space<semaphore_mem>>
      %dma_start3A = arith.constant 0 : i32
      %dma_start3A_17 = tpu.memref_slice %arg3[%add3A, %dma_start3A] : memref<32x100352xf32, #tpu.memory_space<hbm>> -> memref<1x100352xf32, #tpu.memory_space<hbm>>
      %dma_start3A_18 = tpu.memref_squeeze %dma_start3A_17 : memref<1x100352xf32, #tpu.memory_space<hbm>> -> memref<100352xf32, #tpu.memory_space<hbm>>
      %dma_start3A_19 = arith.constant 0 : i32
      %dma_start3A_20 = tpu.memref_slice %arg3[%add3A, %dma_start3A_19] : memref<32x100352xf32, #tpu.memory_space<hbm>> -> memref<1x100352xf32, #tpu.memory_space<hbm>>
      %dma_start3A_21 = tpu.memref_squeeze %dma_start3A_20 : memref<1x100352xf32, #tpu.memory_space<hbm>> -> memref<100352xf32, #tpu.memory_space<hbm>>
      tpu.enqueue_dma source(%arg5 : memref<100352xf32, #tpu.memory_space<vmem>>) target(%dma_start3A_21 : memref<100352xf32, #tpu.memory_space<hbm>>) target_semaphore(%run_scoped3A : memref<!tpu.dma_semaphore, #tpu.memory_space<semaphore_mem>>)
      %dma_wait3A = arith.constant 0 : i32
      %dma_wait3A_22 = tpu.memref_slice %arg3[%add3A, %dma_wait3A] : memref<32x100352xf32, #tpu.memory_space<hbm>> -> memref<1x100352xf32, #tpu.memory_space<hbm>>
      %dma_wait3A_23 = tpu.memref_squeeze %dma_wait3A_22 : memref<1x100352xf32, #tpu.memory_space<hbm>> -> memref<100352xf32, #tpu.memory_space<hbm>>
      %dma_wait3A_24 = arith.constant 0 : i32
      %dma_wait3A_25 = tpu.memref_slice %arg3[%add3A, %dma_wait3A_24] : memref<32x100352xf32, #tpu.memory_space<hbm>> -> memref<1x100352xf32, #tpu.memory_space<hbm>>
      %dma_wait3A_26 = tpu.memref_squeeze %dma_wait3A_25 : memref<1x100352xf32, #tpu.memory_space<hbm>> -> memref<100352xf32, #tpu.memory_space<hbm>>
      tpu.wait_dma2 semaphore(%run_scoped3A : memref<!tpu.dma_semaphore, #tpu.memory_space<semaphore_mem>>) src(%arg5 : memref<100352xf32, #tpu.memory_space<vmem>>) dst(%dma_wait3A_26 : memref<100352xf32, #tpu.memory_space<hbm>>)
      tpu.yield
    }) : () -> ()
    return
  }
}

module attributes {stable_mosaic.version = 14 : i64} {
  func.func @body(%arg0: i32, %arg1: memref<16x2048xf32, #tpu.memory_space<vmem>>, %arg2: memref<128x16xf32, #tpu.memory_space<vmem>>, %arg3: memref<128x1xf32, #tpu.memory_space<vmem>>, %arg4: memref<32x128xf32, #tpu.memory_space<vmem>>, %arg5: memref<32x1xf32, #tpu.memory_space<vmem>>, %arg6: memref<32x2048xf32, #tpu.memory_space<vmem>>) attributes {dimension_semantics = [#tpu.dimension_semantics<arbitrary>], iteration_bounds = array<i64: 49>, scalar_prefetch = 0 : i64, scratch_operands = 0 : i64, tpu.core_type = #tpu.core_type<tc>, window_params = [{transform_indices = @transform_0, window_bounds = array<i64: 16, 2048>}, {pipeline_mode = #tpu.pipeline_mode<synchronous>, transform_indices = @transform_1, window_bounds = array<i64: 128, 16>}, {pipeline_mode = #tpu.pipeline_mode<synchronous>, transform_indices = @transform_2, window_bounds = array<i64: 128, 1>}, {pipeline_mode = #tpu.pipeline_mode<synchronous>, transform_indices = @transform_3, window_bounds = array<i64: 32, 128>}, {pipeline_mode = #tpu.pipeline_mode<synchronous>, transform_indices = @transform_4, window_bounds = array<i64: 32, 1>}, {transform_indices = @transform_5, window_bounds = array<i64: 32, 2048>}]} {
    %get3A = arith.constant 0 : index
    %get3A_0 = arith.constant 0 : index
    %get3A_1 = vector.load %arg2[%get3A, %get3A_0] : memref<128x16xf32, #tpu.memory_space<vmem>>, vector<128x16xf32>
    %get3A_2 = arith.constant 0 : index
    %get3A_3 = arith.constant 0 : index
    %get3A_4 = vector.load %arg1[%get3A_2, %get3A_3] : memref<16x2048xf32, #tpu.memory_space<vmem>>, vector<16x2048xf32>
    %dot_general3A = arith.constant dense<0.000000e+00> : vector<128x2048xf32>
    %dot_general3A_5 = tpu.matmul %get3A_1, %get3A_4, %dot_general3A {dimension_numbers = #tpu.dot_dimension_numbers<[1], [0], [0], [1], [0, 0, 1, 1], [], []>, transpose_lhs_hint = false} : vector<128x16xf32>, vector<16x2048xf32>, vector<128x2048xf32> -> vector<128x2048xf32>
    %get3A_6 = arith.constant 0 : index
    %get3A_7 = arith.constant 0 : index
    %get3A_8 = vector.load %arg3[%get3A_6, %get3A_7] : memref<128x1xf32, #tpu.memory_space<vmem>>, vector<128x1xf32>
    %add3A = vector.broadcast %get3A_8 : vector<128x1xf32> to vector<128x2048xf32>
    %add3A_9 = arith.addf %dot_general3A_5, %add3A : vector<128x2048xf32>
    %max3A = arith.constant 0.000000e+00 : f32
    %max3A_10 = vector.broadcast %max3A : f32 to vector<128x2048xf32>
    %max3A_11 = arith.maximumf %add3A_9, %max3A_10 : vector<128x2048xf32>
    %get3A_12 = arith.constant 0 : index
    %get3A_13 = arith.constant 0 : index
    %get3A_14 = vector.load %arg4[%get3A_12, %get3A_13] : memref<32x128xf32, #tpu.memory_space<vmem>>, vector<32x128xf32>
    %dot_general3A_15 = arith.constant dense<0.000000e+00> : vector<32x2048xf32>
    %dot_general3A_16 = tpu.matmul %get3A_14, %max3A_11, %dot_general3A_15 {dimension_numbers = #tpu.dot_dimension_numbers<[1], [0], [0], [1], [0, 0, 1, 1], [], []>, transpose_lhs_hint = false} : vector<32x128xf32>, vector<128x2048xf32>, vector<32x2048xf32> -> vector<32x2048xf32>
    %get3A_17 = arith.constant 0 : index
    %get3A_18 = arith.constant 0 : index
    %get3A_19 = vector.load %arg5[%get3A_17, %get3A_18] : memref<32x1xf32, #tpu.memory_space<vmem>>, vector<32x1xf32>
    %add3A_20 = vector.broadcast %get3A_19 : vector<32x1xf32> to vector<32x2048xf32>
    %add3A_21 = arith.addf %dot_general3A_16, %add3A_20 : vector<32x2048xf32>
    %swap3A = arith.constant 0 : index
    %swap3A_22 = arith.constant 0 : index
    %swap3A_23 = vector.load %arg6[%swap3A, %swap3A_22] : memref<32x2048xf32, #tpu.memory_space<vmem>>, vector<32x2048xf32>
    tpu.vector_store %arg6[%swap3A, %swap3A_22], %add3A_21 {strides = array<i32>} : memref<32x2048xf32, #tpu.memory_space<vmem>>, vector<32x2048xf32>,
    return
  }
  func.func @transform_0(%arg0: i32) -> (i32, i32) {
    %c0_i32 = arith.constant 0 : i32
    %c0_i32_0 = arith.constant 0 : i32
    return %c0_i32, %arg0 : i32, i32
  }
  func.func @transform_1(%arg0: i32) -> (i32, i32) {
    %c0_i32 = arith.constant 0 : i32
    %c0_i32_0 = arith.constant 0 : i32
    %c0_i32_1 = arith.constant 0 : i32
    return %c0_i32, %c0_i32_0 : i32, i32
  }
  func.func @transform_2(%arg0: i32) -> (i32, i32) {
    %c0_i32 = arith.constant 0 : i32
    %c0_i32_0 = arith.constant 0 : i32
    %c0_i32_1 = arith.constant 0 : i32
    return %c0_i32, %c0_i32_0 : i32, i32
  }
  func.func @transform_3(%arg0: i32) -> (i32, i32) {
    %c0_i32 = arith.constant 0 : i32
    %c0_i32_0 = arith.constant 0 : i32
    %c0_i32_1 = arith.constant 0 : i32
    return %c0_i32, %c0_i32_0 : i32, i32
  }
  func.func @transform_4(%arg0: i32) -> (i32, i32) {
    %c0_i32 = arith.constant 0 : i32
    %c0_i32_0 = arith.constant 0 : i32
    %c0_i32_1 = arith.constant 0 : i32
    return %c0_i32, %c0_i32_0 : i32, i32
  }
  func.func @transform_5(%arg0: i32) -> (i32, i32) {
    %c0_i32 = arith.constant 0 : i32
    %c0_i32_0 = arith.constant 0 : i32
    return %c0_i32, %arg0 : i32, i32
  }
}

module attributes {stable_mosaic.version = 14 : i64} {
  func.func @body(%arg0: i32, %arg1: memref<32x2048xf32, #tpu.memory_space<vmem>>, %arg2: memref<16x2048xf32, #tpu.memory_space<vmem>>, %arg3: memref<16x2048xf32, #tpu.memory_space<vmem>>, %arg4: memref<32x2048xf32, #tpu.memory_space<vmem>>, %arg5: memref<128x32xf32, #tpu.memory_space<vmem>>, %arg6: memref<128x16xf32, #tpu.memory_space<vmem>>, %arg7: memref<128x16xf32, #tpu.memory_space<vmem>>, %arg8: memref<128x1xf32, #tpu.memory_space<vmem>>, %arg9: memref<32x128xf32, #tpu.memory_space<vmem>>, %arg10: memref<32x1xf32, #tpu.memory_space<vmem>>, %arg11: memref<32x1xf32, #tpu.memory_space<vmem>>, %arg12: memref<32x1xf32, #tpu.memory_space<vmem>>, %arg13: memref<32x2048xf32, #tpu.memory_space<vmem>>) attributes {dimension_semantics = [#tpu.dimension_semantics<arbitrary>], iteration_bounds = array<i64: 49>, scalar_prefetch = 0 : i64, scratch_operands = 0 : i64, tpu.core_type = #tpu.core_type<tc>, window_params = [{transform_indices = @transform_0, window_bounds = array<i64: 32, 2048>}, {transform_indices = @transform_1, window_bounds = array<i64: 16, 2048>}, {transform_indices = @transform_2, window_bounds = array<i64: 16, 2048>}, {transform_indices = @transform_3, window_bounds = array<i64: 32, 2048>}, {pipeline_mode = #tpu.pipeline_mode<synchronous>, transform_indices = @transform_4, window_bounds = array<i64: 128, 32>}, {pipeline_mode = #tpu.pipeline_mode<synchronous>, transform_indices = @transform_5, window_bounds = array<i64: 128, 16>}, {pipeline_mode = #tpu.pipeline_mode<synchronous>, transform_indices = @transform_6, window_bounds = array<i64: 128, 16>}, {pipeline_mode = #tpu.pipeline_mode<synchronous>, transform_indices = @transform_7, window_bounds = array<i64: 128, 1>}, {pipeline_mode = #tpu.pipeline_mode<synchronous>, transform_indices = @transform_8, window_bounds = array<i64: 32, 128>}, {pipeline_mode = #tpu.pipeline_mode<synchronous>, transform_indices = @transform_9, window_bounds = array<i64: 32, 1>}, {pipeline_mode = #tpu.pipeline_mode<synchronous>, transform_indices = @transform_10, window_bounds = array<i64: 32, 1>}, {pipeline_mode = #tpu.pipeline_mode<synchronous>, transform_indices = @transform_11, window_bounds = array<i64: 32, 1>}, {transform_indices = @transform_12, window_bounds = array<i64: 32, 2048>}]} {
    %get3A = arith.constant 0 : index
    %get3A_0 = arith.constant 0 : index
    %get3A_1 = vector.load %arg1[%get3A, %get3A_0] : memref<32x2048xf32, #tpu.memory_space<vmem>>, vector<32x2048xf32>
    %get3A_2 = arith.constant 0 : index
    %get3A_3 = arith.constant 0 : index
    %get3A_4 = vector.load %arg4[%get3A_2, %get3A_3] : memref<32x2048xf32, #tpu.memory_space<vmem>>, vector<32x2048xf32>
    %reduce_sum3A = arith.constant dense<0.000000e+00> : vector<2048xf32>
    %reduce_sum3A_5 = vector.multi_reduction <add>, %get3A_4, %reduce_sum3A [0] : vector<32x2048xf32> to vector<2048xf32>
    %broadcast_in_dim3A = vector.shape_cast %reduce_sum3A_5 : vector<2048xf32> to vector<1x2048xf32>
    %max3A = arith.constant 1.000000e+00 : f32
    %max3A_6 = vector.broadcast %max3A : f32 to vector<1x2048xf32>
    %max3A_7 = arith.maximumf %broadcast_in_dim3A, %max3A_6 : vector<1x2048xf32>
    %div3A = arith.constant 1.000000e+00 : f32
    %div3A_8 = vector.broadcast %div3A : f32 to vector<1x2048xf32>
    %div3A_9 = arith.divf %div3A_8, %max3A_7 : vector<1x2048xf32>
    %get3A_10 = arith.constant 0 : index
    %get3A_11 = arith.constant 0 : index
    %get3A_12 = vector.load %arg5[%get3A_10, %get3A_11] : memref<128x32xf32, #tpu.memory_space<vmem>>, vector<128x32xf32>
    %dot_general3A = arith.constant dense<0.000000e+00> : vector<128x2048xf32>
    %dot_general3A_13 = tpu.matmul %get3A_12, %get3A_1, %dot_general3A {dimension_numbers = #tpu.dot_dimension_numbers<[1], [0], [0], [1], [0, 0, 1, 1], [], []>, transpose_lhs_hint = false} : vector<128x32xf32>, vector<32x2048xf32>, vector<128x2048xf32> -> vector<128x2048xf32>
    %get3A_14 = arith.constant 0 : index
    %get3A_15 = arith.constant 0 : index
    %get3A_16 = vector.load %arg6[%get3A_14, %get3A_15] : memref<128x16xf32, #tpu.memory_space<vmem>>, vector<128x16xf32>
    %get3A_17 = arith.constant 0 : index
    %get3A_18 = arith.constant 0 : index
    %get3A_19 = vector.load %arg2[%get3A_17, %get3A_18] : memref<16x2048xf32, #tpu.memory_space<vmem>>, vector<16x2048xf32>
    %mul3A = vector.broadcast %div3A_9 : vector<1x2048xf32> to vector<16x2048xf32>
    %mul3A_20 = arith.mulf %get3A_19, %mul3A : vector<16x2048xf32>
    %dot_general3A_21 = arith.constant dense<0.000000e+00> : vector<128x2048xf32>
    %dot_general3A_22 = tpu.matmul %get3A_16, %mul3A_20, %dot_general3A_21 {dimension_numbers = #tpu.dot_dimension_numbers<[1], [0], [0], [1], [0, 0, 1, 1], [], []>, transpose_lhs_hint = false} : vector<128x16xf32>, vector<16x2048xf32>, vector<128x2048xf32> -> vector<128x2048xf32>
    %add3A = arith.addf %dot_general3A_13, %dot_general3A_22 : vector<128x2048xf32>
    %get3A_23 = arith.constant 0 : index
    %get3A_24 = arith.constant 0 : index
    %get3A_25 = vector.load %arg7[%get3A_23, %get3A_24] : memref<128x16xf32, #tpu.memory_space<vmem>>, vector<128x16xf32>
    %get3A_26 = arith.constant 0 : index
    %get3A_27 = arith.constant 0 : index
    %get3A_28 = vector.load %arg3[%get3A_26, %get3A_27] : memref<16x2048xf32, #tpu.memory_space<vmem>>, vector<16x2048xf32>
    %mul3A_29 = vector.broadcast %div3A_9 : vector<1x2048xf32> to vector<16x2048xf32>
    %mul3A_30 = arith.mulf %get3A_28, %mul3A_29 : vector<16x2048xf32>
    %dot_general3A_31 = arith.constant dense<0.000000e+00> : vector<128x2048xf32>
    %dot_general3A_32 = tpu.matmul %get3A_25, %mul3A_30, %dot_general3A_31 {dimension_numbers = #tpu.dot_dimension_numbers<[1], [0], [0], [1], [0, 0, 1, 1], [], []>, transpose_lhs_hint = false} : vector<128x16xf32>, vector<16x2048xf32>, vector<128x2048xf32> -> vector<128x2048xf32>
    %add3A_33 = arith.addf %add3A, %dot_general3A_32 : vector<128x2048xf32>
    %get3A_34 = arith.constant 0 : index
    %get3A_35 = arith.constant 0 : index
    %get3A_36 = vector.load %arg8[%get3A_34, %get3A_35] : memref<128x1xf32, #tpu.memory_space<vmem>>, vector<128x1xf32>
    %add3A_37 = vector.broadcast %get3A_36 : vector<128x1xf32> to vector<128x2048xf32>
    %add3A_38 = arith.addf %add3A_33, %add3A_37 : vector<128x2048xf32>
    %max3A_39 = arith.constant 0.000000e+00 : f32
    %max3A_40 = vector.broadcast %max3A_39 : f32 to vector<128x2048xf32>
    %max3A_41 = arith.maximumf %add3A_38, %max3A_40 : vector<128x2048xf32>
    %get3A_42 = arith.constant 0 : index
    %get3A_43 = arith.constant 0 : index
    %get3A_44 = vector.load %arg9[%get3A_42, %get3A_43] : memref<32x128xf32, #tpu.memory_space<vmem>>, vector<32x128xf32>
    %dot_general3A_45 = arith.constant dense<0.000000e+00> : vector<32x2048xf32>
    %dot_general3A_46 = tpu.matmul %get3A_44, %max3A_41, %dot_general3A_45 {dimension_numbers = #tpu.dot_dimension_numbers<[1], [0], [0], [1], [0, 0, 1, 1], [], []>, transpose_lhs_hint = false} : vector<32x128xf32>, vector<128x2048xf32>, vector<32x2048xf32> -> vector<32x2048xf32>
    %get3A_47 = arith.constant 0 : index
    %get3A_48 = arith.constant 0 : index
    %get3A_49 = vector.load %arg10[%get3A_47, %get3A_48] : memref<32x1xf32, #tpu.memory_space<vmem>>, vector<32x1xf32>
    %add3A_50 = vector.broadcast %get3A_49 : vector<32x1xf32> to vector<32x2048xf32>
    %add3A_51 = arith.addf %dot_general3A_46, %add3A_50 : vector<32x2048xf32>
    %add3A_52 = arith.addf %get3A_1, %add3A_51 : vector<32x2048xf32>
    %reduce_sum3A_53 = arith.constant dense<0.000000e+00> : vector<2048xf32>
    %reduce_sum3A_54 = vector.multi_reduction <add>, %add3A_52, %reduce_sum3A_53 [0] : vector<32x2048xf32> to vector<2048xf32>
    %broadcast_in_dim3A_55 = vector.shape_cast %reduce_sum3A_54 : vector<2048xf32> to vector<1x2048xf32>
    %div3A_56 = arith.constant 3.200000e+01 : f32
    %div3A_57 = vector.broadcast %div3A_56 : f32 to vector<1x2048xf32>
    %div3A_58 = arith.divf %broadcast_in_dim3A_55, %div3A_57 : vector<1x2048xf32>
    %sub3A = vector.broadcast %div3A_58 : vector<1x2048xf32> to vector<32x2048xf32>
    %sub3A_59 = arith.subf %add3A_52, %sub3A : vector<32x2048xf32>
    %integer_pow3A = arith.mulf %sub3A_59, %sub3A_59 : vector<32x2048xf32>
    %reduce_sum3A_60 = arith.constant dense<0.000000e+00> : vector<2048xf32>
    %reduce_sum3A_61 = vector.multi_reduction <add>, %integer_pow3A, %reduce_sum3A_60 [0] : vector<32x2048xf32> to vector<2048xf32>
    %broadcast_in_dim3A_62 = vector.shape_cast %reduce_sum3A_61 : vector<2048xf32> to vector<1x2048xf32>
    %div3A_63 = arith.constant 3.200000e+01 : f32
    %div3A_64 = vector.broadcast %div3A_63 : f32 to vector<1x2048xf32>
    %div3A_65 = arith.divf %broadcast_in_dim3A_62, %div3A_64 : vector<1x2048xf32>
    %sub3A_66 = vector.broadcast %div3A_58 : vector<1x2048xf32> to vector<32x2048xf32>
    %sub3A_67 = arith.subf %add3A_52, %sub3A_66 : vector<32x2048xf32>
    %add3A_68 = arith.constant 9.99999974E-6 : f32
    %add3A_69 = vector.broadcast %add3A_68 : f32 to vector<1x2048xf32>
    %add3A_70 = arith.addf %div3A_65, %add3A_69 : vector<1x2048xf32>
    %sqrt3A = math.sqrt %add3A_70 : vector<1x2048xf32>
    %div3A_71 = vector.broadcast %sqrt3A : vector<1x2048xf32> to vector<32x2048xf32>
    %div3A_72 = arith.divf %sub3A_67, %div3A_71 : vector<32x2048xf32>
    %get3A_73 = arith.constant 0 : index
    %get3A_74 = arith.constant 0 : index
    %get3A_75 = vector.load %arg11[%get3A_73, %get3A_74] : memref<32x1xf32, #tpu.memory_space<vmem>>, vector<32x1xf32>
    %mul3A_76 = vector.broadcast %get3A_75 : vector<32x1xf32> to vector<32x2048xf32>
    %mul3A_77 = arith.mulf %div3A_72, %mul3A_76 : vector<32x2048xf32>
    %get3A_78 = arith.constant 0 : index
    %get3A_79 = arith.constant 0 : index
    %get3A_80 = vector.load %arg12[%get3A_78, %get3A_79] : memref<32x1xf32, #tpu.memory_space<vmem>>, vector<32x1xf32>
    %add3A_81 = vector.broadcast %get3A_80 : vector<32x1xf32> to vector<32x2048xf32>
    %add3A_82 = arith.addf %mul3A_77, %add3A_81 : vector<32x2048xf32>
    %swap3A = arith.constant 0 : index
    %swap3A_83 = arith.constant 0 : index
    %swap3A_84 = vector.load %arg13[%swap3A, %swap3A_83] : memref<32x2048xf32, #tpu.memory_space<vmem>>, vector<32x2048xf32>
    tpu.vector_store %arg13[%swap3A, %swap3A_83], %add3A_82 {strides = array<i32>} : memref<32x2048xf32, #tpu.memory_space<vmem>>, vector<32x2048xf32>,
    return
  }
  func.func @transform_0(%arg0: i32) -> (i32, i32) {
    %c0_i32 = arith.constant 0 : i32
    %c0_i32_0 = arith.constant 0 : i32
    return %c0_i32, %arg0 : i32, i32
  }
  func.func @transform_1(%arg0: i32) -> (i32, i32) {
    %c0_i32 = arith.constant 0 : i32
    %c0_i32_0 = arith.constant 0 : i32
    return %c0_i32, %arg0 : i32, i32
  }
  func.func @transform_2(%arg0: i32) -> (i32, i32) {
    %c0_i32 = arith.constant 0 : i32
    %c0_i32_0 = arith.constant 0 : i32
    return %c0_i32, %arg0 : i32, i32
  }
  func.func @transform_3(%arg0: i32) -> (i32, i32) {
    %c0_i32 = arith.constant 0 : i32
    %c0_i32_0 = arith.constant 0 : i32
    return %c0_i32, %arg0 : i32, i32
  }
  func.func @transform_4(%arg0: i32) -> (i32, i32) {
    %c0_i32 = arith.constant 0 : i32
    %c0_i32_0 = arith.constant 0 : i32
    %c0_i32_1 = arith.constant 0 : i32
    return %c0_i32, %c0_i32_0 : i32, i32
  }
  func.func @transform_5(%arg0: i32) -> (i32, i32) {
    %c0_i32 = arith.constant 0 : i32
    %c0_i32_0 = arith.constant 0 : i32
    %c0_i32_1 = arith.constant 0 : i32
    return %c0_i32, %c0_i32_0 : i32, i32
  }
  func.func @transform_6(%arg0: i32) -> (i32, i32) {
    %c0_i32 = arith.constant 0 : i32
    %c0_i32_0 = arith.constant 0 : i32
    %c0_i32_1 = arith.constant 0 : i32
    return %c0_i32, %c0_i32_0 : i32, i32
  }
  func.func @transform_7(%arg0: i32) -> (i32, i32) {
    %c0_i32 = arith.constant 0 : i32
    %c0_i32_0 = arith.constant 0 : i32
    %c0_i32_1 = arith.constant 0 : i32
    return %c0_i32, %c0_i32_0 : i32, i32
  }
  func.func @transform_8(%arg0: i32) -> (i32, i32) {
    %c0_i32 = arith.constant 0 : i32
    %c0_i32_0 = arith.constant 0 : i32
    %c0_i32_1 = arith.constant 0 : i32
    return %c0_i32, %c0_i32_0 : i32, i32
  }
  func.func @transform_9(%arg0: i32) -> (i32, i32) {
    %c0_i32 = arith.constant 0 : i32
    %c0_i32_0 = arith.constant 0 : i32
    %c0_i32_1 = arith.constant 0 : i32
    return %c0_i32, %c0_i32_0 : i32, i32
  }
  func.func @transform_10(%arg0: i32) -> (i32, i32) {
    %c0_i32 = arith.constant 0 : i32
    %c0_i32_0 = arith.constant 0 : i32
    %c0_i32_1 = arith.constant 0 : i32
    return %c0_i32, %c0_i32_0 : i32, i32
  }
  func.func @transform_11(%arg0: i32) -> (i32, i32) {
    %c0_i32 = arith.constant 0 : i32
    %c0_i32_0 = arith.constant 0 : i32
    %c0_i32_1 = arith.constant 0 : i32
    return %c0_i32, %c0_i32_0 : i32, i32
  }
  func.func @transform_12(%arg0: i32) -> (i32, i32) {
    %c0_i32 = arith.constant 0 : i32
    %c0_i32_0 = arith.constant 0 : i32
    return %c0_i32, %arg0 : i32, i32
  }
}

module attributes {stable_mosaic.version = 14 : i64} {
  func.func @body(%arg0: i32, %arg1: memref<32x2048xf32, #tpu.memory_space<vmem>>, %arg2: memref<128x32xf32, #tpu.memory_space<vmem>>, %arg3: memref<128x1xf32, #tpu.memory_space<vmem>>, %arg4: memref<1x128xf32, #tpu.memory_space<vmem>>, %arg5: memref<1x1xf32, #tpu.memory_space<vmem>>, %arg6: memref<1x2048xf32, #tpu.memory_space<vmem>>) attributes {dimension_semantics = [#tpu.dimension_semantics<arbitrary>], iteration_bounds = array<i64: 49>, scalar_prefetch = 0 : i64, scratch_operands = 0 : i64, tpu.core_type = #tpu.core_type<tc>, window_params = [{transform_indices = @transform_0, window_bounds = array<i64: 32, 2048>}, {pipeline_mode = #tpu.pipeline_mode<synchronous>, transform_indices = @transform_1, window_bounds = array<i64: 128, 32>}, {pipeline_mode = #tpu.pipeline_mode<synchronous>, transform_indices = @transform_2, window_bounds = array<i64: 128, 1>}, {pipeline_mode = #tpu.pipeline_mode<synchronous>, transform_indices = @transform_3, window_bounds = array<i64: 1, 128>}, {pipeline_mode = #tpu.pipeline_mode<synchronous>, transform_indices = @transform_4, window_bounds = array<i64: 1, 1>}, {transform_indices = @transform_5, window_bounds = array<i64: 1, 2048>}]} {
    %get3A = arith.constant 0 : index
    %get3A_0 = arith.constant 0 : index
    %get3A_1 = vector.load %arg2[%get3A, %get3A_0] : memref<128x32xf32, #tpu.memory_space<vmem>>, vector<128x32xf32>
    %get3A_2 = arith.constant 0 : index
    %get3A_3 = arith.constant 0 : index
    %get3A_4 = vector.load %arg1[%get3A_2, %get3A_3] : memref<32x2048xf32, #tpu.memory_space<vmem>>, vector<32x2048xf32>
    %dot_general3A = arith.constant dense<0.000000e+00> : vector<128x2048xf32>
    %dot_general3A_5 = tpu.matmul %get3A_1, %get3A_4, %dot_general3A {dimension_numbers = #tpu.dot_dimension_numbers<[1], [0], [0], [1], [0, 0, 1, 1], [], []>, transpose_lhs_hint = false} : vector<128x32xf32>, vector<32x2048xf32>, vector<128x2048xf32> -> vector<128x2048xf32>
    %get3A_6 = arith.constant 0 : index
    %get3A_7 = arith.constant 0 : index
    %get3A_8 = vector.load %arg3[%get3A_6, %get3A_7] : memref<128x1xf32, #tpu.memory_space<vmem>>, vector<128x1xf32>
    %add3A = vector.broadcast %get3A_8 : vector<128x1xf32> to vector<128x2048xf32>
    %add3A_9 = arith.addf %dot_general3A_5, %add3A : vector<128x2048xf32>
    %max3A = arith.constant 0.000000e+00 : f32
    %max3A_10 = vector.broadcast %max3A : f32 to vector<128x2048xf32>
    %max3A_11 = arith.maximumf %add3A_9, %max3A_10 : vector<128x2048xf32>
    %get3A_12 = arith.constant 0 : index
    %get3A_13 = arith.constant 0 : index
    %get3A_14 = vector.load %arg4[%get3A_12, %get3A_13] : memref<1x128xf32, #tpu.memory_space<vmem>>, vector<1x128xf32>
    %dot_general3A_15 = arith.constant dense<0.000000e+00> : vector<1x2048xf32>
    %dot_general3A_16 = tpu.matmul %get3A_14, %max3A_11, %dot_general3A_15 {dimension_numbers = #tpu.dot_dimension_numbers<[1], [0], [0], [1], [0, 0, 1, 1], [], []>, transpose_lhs_hint = false} : vector<1x128xf32>, vector<128x2048xf32>, vector<1x2048xf32> -> vector<1x2048xf32>
    %get3A_17 = arith.constant 0 : index
    %get3A_18 = arith.constant 0 : index
    %get3A_19 = vector.load %arg5[%get3A_17, %get3A_18] : memref<1x1xf32, #tpu.memory_space<vmem>>, vector<1x1xf32>
    %add3A_20 = vector.broadcast %get3A_19 : vector<1x1xf32> to vector<1x2048xf32>
    %add3A_21 = arith.addf %dot_general3A_16, %add3A_20 : vector<1x2048xf32>
    %swap3A = arith.constant 0 : index
    %swap3A_22 = arith.constant 0 : index
    %swap3A_23 = vector.load %arg6[%swap3A, %swap3A_22] : memref<1x2048xf32, #tpu.memory_space<vmem>>, vector<1x2048xf32>
    tpu.vector_store %arg6[%swap3A, %swap3A_22], %add3A_21 {strides = array<i32>} : memref<1x2048xf32, #tpu.memory_space<vmem>>, vector<1x2048xf32>,
    return
  }
  func.func @transform_0(%arg0: i32) -> (i32, i32) {
    %c0_i32 = arith.constant 0 : i32
    %c0_i32_0 = arith.constant 0 : i32
    return %c0_i32, %arg0 : i32, i32
  }
  func.func @transform_1(%arg0: i32) -> (i32, i32) {
    %c0_i32 = arith.constant 0 : i32
    %c0_i32_0 = arith.constant 0 : i32
    %c0_i32_1 = arith.constant 0 : i32
    return %c0_i32, %c0_i32_0 : i32, i32
  }
  func.func @transform_2(%arg0: i32) -> (i32, i32) {
    %c0_i32 = arith.constant 0 : i32
    %c0_i32_0 = arith.constant 0 : i32
    %c0_i32_1 = arith.constant 0 : i32
    return %c0_i32, %c0_i32_0 : i32, i32
  }
  func.func @transform_3(%arg0: i32) -> (i32, i32) {
    %c0_i32 = arith.constant 0 : i32
    %c0_i32_0 = arith.constant 0 : i32
    %c0_i32_1 = arith.constant 0 : i32
    return %c0_i32, %c0_i32_0 : i32, i32
  }
  func.func @transform_4(%arg0: i32) -> (i32, i32) {
    %c0_i32 = arith.constant 0 : i32
    %c0_i32_0 = arith.constant 0 : i32
    %c0_i32_1 = arith.constant 0 : i32
    return %c0_i32, %c0_i32_0 : i32, i32
  }
  func.func @transform_5(%arg0: i32) -> (i32, i32) {
    %c0_i32 = arith.constant 0 : i32
    %c0_i32_0 = arith.constant 0 : i32
    return %c0_i32, %arg0 : i32, i32
  }
}

</mosaic_0001>

<sc_bundles>
// kernel: kernel.11.cloned.1.call-start
scs
__scs_entry_jumppad:
0x0: {  	(pc) =	sbr.rel $0x88, $3  }
0x1: {  	(tag) =	ssettag $0x0;
	lr =	simm.s32 $0x1  }
0x2: {  	[smem:$0x3F85] =	sst lr;
	_ =	strace $0xD0000000  }
0x3: {  	_ = 	snop  }
0x4: {  	_ = 	snop  }
0x5: {  	_ = 	snop  }
0x6: {  	_ = 	snop  }
0x7: {  	_ = 	snop  }
__scs_overlays_trampoline_lowered:
0x8: {  	[smem:$0x3F94] =	sst s0  }
0x9: {  	[smem:$0x3F95] =	sst s1  }
0xa: {  	[smem:$0x3F96] =	sst s2  }
0xb: {  	[smem:$0x3F97] =	sst s3  }
0xc: {  	[smem:$0x3F98] =	sst s4  }
0xd: {  	[smem:$0x3F99] =	sst s5  }
0xe: {  	[smem:$0x3F9A] =	sst s6  }
0xf: {  	[smem:$0x3F9B] =	sst s7  }
0x10: {  	[smem:$0x3F9C] =	sst s8  }
0x11: {  	[smem:$0x3F9D] =	sst s9;
	s0 =	simm.s32 @!p0 $0x0  }
0x12: {  	s1 =	sld [smem:$0x3F83];
	s0 =	simm.s32 @p0 $0x1  }
0x13: {  	[smem:$0x3F9E] =	sst s0;
	s0 =	simm.s32 @!p1 $0x0  }
0x14: {  	s2 =	sld [smem:$0x3F82];
	s0 =	simm.s32 @p1 $0x1  }
0x15: {  	[smem:$0x3F9F] =	sst s0;
	s0 =	simm.s32 @!p2 $0x0  }
0x16: {  	s3 =	sld [smem:$0x3FDB];
	s0 =	simm.s32 @p2 $0x1  }
0x17: {  	s4 =	simm.s32 $0x1BF5;
	[smem:$0x3FA1] =	sst s0  }
0x18: {  	s0 =	sld [smem:$0x3F84];
	_ =	swait.ge [sflag:s4], $0x0  }
0x19: {  	s7 =	sld [smem:$0x3F85]  }
0x1a: {  	s8 =	sadd.s32 $0xFFFFE003, lr  }
0x1b: {  	s9 =	sadd.s32 $0xFFFFFEF7, lr;
	s5 =	simm.s32 $0xFFFFFFFF;
	p2 =	slt.u32 s8, $0xFFFFF086  }
0x1c: {  	p1 =	slt.u32 s9, $0xF7A;
	s5 =	simm.s32 @!p2 $0x0  }
0x1d: {  	s5 =	simm.s32 @p1 $0x1;
	p0 =	seq.s32 s7, s2  }
0x1e: {  	s7 =	smul.u32 @!p0 $0xF7A, s2;
	p2 =	seq.s32 @!p0 s5, $0x0  }
0x1f: {  	s9 =	smul.u32 $0xF7A, s1;
	s8 =	simm.s32 @!p0 $0x1BF5;
	p2 =	por !p2, p0  }
0x20: {  	[sflag:s8] =	ssyncset.s32 @!p0 $0xFFFFF086;
	s6 =	sadd.s32 @!p0 s3, s7;
	s7 =	simm.s32 @!p0 $0x108  }
0x21: {  	s3 =	sadd.s32 s3, s9;
	s6 =	sadd.s32 @!p0 $0x88, s6;
	s7 =	simm.s32 @p2 $0x1082  }
0x22: {  	[simem:s7], [sflag:s8] =	dma.local @!p0 [hbm:s6], $0xF7A  }
0x23: {  	s9 =	sor.u32 $0xD0000000, s2;
	s6 =	simm.s32 $0x108;
	_ =	swait.ge @!p0 [sflag:s8], $0x0  }
0x24: {  	s3 =	sadd.s32 $0x88, s3;
	s6 =	simm.s32 @!p1 $0x1082;
	[sflag:s4] =	ssyncset.s32 $0xFFFFF086  }
0x25: {  	[simem:s6], [sflag:s4] =	dma.local [hbm:s3], $0xF7A  }
0x26: {  	[smem:$0x3F85] =	sst s1;
	(tag) =	ssettag s2;
	_ =	strace s9  }
0x27: {  	s1 =	sld [smem:$0x3F95]  }
0x28: {  	s2 =	sld [smem:$0x3F96]  }
0x29: {  	s4 =	sld [smem:$0x3F98]  }
0x2a: {  	p0 =	seq.s32 s5, $0x0;
	s5 =	sld [smem:$0x3F99]  }
0x2b: {  	s6 =	sld [smem:$0x3F9A]  }
0x2c: {  	s7 =	sld [smem:$0x3F9B]  }
0x2d: {  	s3 =	simm.s32 $0x108;
	s8 =	sld [smem:$0x3F9C]  }
0x2e: {  	s3 =	simm.s32 @!p0 $0x1082;
	s9 =	sld [smem:$0x3F9D]  }
0x2f: {  	lr =	sadd.s32 s0, s3;
	s0 =	sld [smem:$0x3F94]  }
0x30: {  	s3 =	sld [smem:$0x3F97]  }
0x31: {  	[smem:$0x3FA0] =	sst s10  }
0x32: {  	s10 =	sld [smem:$0x3F9E];
	_ =	sdelay $0x3  }
0x33: {  	p0 =	seq.s32 s10, $0x1;
	s10 =	sld [smem:$0x3FA0];
	_ =	sdelay $0x3  }
0x34: {  	[smem:$0x3FA0] =	sst s10  }
0x35: {  	s10 =	sld [smem:$0x3F9F];
	_ =	sdelay $0x3  }
0x36: {  	p1 =	seq.s32 s10, $0x1;
	s10 =	sld [smem:$0x3FA0];
	_ =	sdelay $0x3  }
0x37: {  	[smem:$0x3FA0] =	sst s10  }
0x38: {  	s10 =	sld [smem:$0x3FA1]  }
0x39: {  	_ = 	snop;
	(pc) =	sbr.ind lr, $3  }
0x3a: {  	_ = 	snop  }
0x3b: {  	_ = 	snop  }
0x3c: {  	p2 =	seq.s32 s10, $0x1;
	s10 =	sld [smem:$0x3FA0]  }
0x3d: {  	_ =	shalt  }
0x3e: {  	_ =	shalt  }
0x3f: {  	_ =	shalt  }
0x40: {  	_ =	shalt  }
0x41: {  	_ =	shalt  }
0x42: {  	_ =	shalt  }
0x43: {  	_ =	shalt  }
0x44: {  	_ =	shalt  }
0x45: {  	_ =	shalt  }
0x46: {  	_ =	shalt  }
0x47: {  	_ =	shalt  }
0x48: {  	_ =	shalt  }
0x49: {  	_ =	shalt  }
0x4a: {  	_ =	shalt  }
0x4b: {  	_ =	shalt  }
0x4c: {  	_ =	shalt  }
0x4d: {  	_ =	shalt  }
0x4e: {  	_ =	shalt  }
0x4f: {  	_ =	shalt  }
0x50: {  	_ =	shalt  }
0x51: {  	_ =	shalt  }
0x52: {  	_ =	shalt  }
0x53: {  	_ =	shalt  }
0x54: {  	_ =	shalt  }
0x55: {  	_ =	shalt  }
0x56: {  	_ =	shalt  }
0x57: {  	_ =	shalt  }
0x58: {  	_ =	shalt  }
0x59: {  	_ =	shalt  }
0x5a: {  	_ =	shalt  }
0x5b: {  	_ =	shalt  }
0x5c: {  	_ =	shalt  }
0x5d: {  	_ =	shalt  }
0x5e: {  	_ =	shalt  }
0x5f: {  	_ =	shalt  }
0x60: {  	_ =	shalt  }
0x61: {  	_ =	shalt  }
0x62: {  	_ =	shalt  }
0x63: {  	_ =	shalt  }
0x64: {  	_ =	shalt  }
0x65: {  	_ =	shalt  }
0x66: {  	_ =	shalt  }
0x67: {  	_ =	shalt  }
0x68: {  	_ =	shalt  }
0x69: {  	_ =	shalt  }
0x6a: {  	_ =	shalt  }
0x6b: {  	_ =	shalt  }
0x6c: {  	_ =	shalt  }
0x6d: {  	_ =	shalt  }
0x6e: {  	_ =	shalt  }
0x6f: {  	_ =	shalt  }
0x70: {  	_ =	shalt  }
0x71: {  	_ =	shalt  }
0x72: {  	_ =	shalt  }
0x73: {  	_ =	shalt  }
0x74: {  	_ =	shalt  }
0x75: {  	_ =	shalt  }
0x76: {  	_ =	shalt  }
0x77: {  	_ =	shalt  }
0x78: {  	_ =	shalt  }
0x79: {  	_ =	shalt  }
0x7a: {  	_ =	shalt  }
0x7b: {  	_ =	shalt  }
0x7c: {  	_ =	shalt  }
0x7d: {  	_ =	shalt  }
0x7e: {  	_ =	shalt  }
0x7f: {  	_ =	shalt  }
0x80: {  	_ =	shalt  }
0x81: {  	_ =	shalt  }
0x82: {  	_ =	shalt  }
0x83: {  	_ =	shalt  }
0x84: {  	_ =	shalt  }
0x85: {  	_ =	shalt  }
0x86: {  	_ =	shalt  }
0x87: {  	_ =	shalt  }
.Lfunc_end0:
.L_simem_size_0:
called_computation_lowered:
.L_overlay_start_0:
0x88: {  	s2 =	sld [smem:$0x3FD9]  }
0x89: {  	s3 =	sld [smem:$0x3FFE];
	_ =	sdelay $0x1  }
0x8a: {  	s1 =	srdreg.scid  }
0x8b: {  	s0 =	sand.u32 $0x1, s1  }
0x8c: {  	s17 =	sshll.u32 s0, $0xA;
	s2 =	sadd.s32 s3, s2  }
0x8d: {  	s2 =	sadd.s32 s2, s17  }
0x8e: {  	[smem:$0x3FAC] =	sst s2  }
0x8f: {  	_ = 	snop  }
0x90: {  	(tm) =	ssettm $0x1  }
0x91: {  	s18 =	sld [smem:$0x3FFB];
	_ =	sdelay $0x3  }
0x92: {  	_ =	strace s18  }
0x93: {  	s2 =	sld [smem:$0x3FFC];
	_ =	sdelay $0x3  }
0x94: {  	_ =	strace s2  }
0x95: {  	s2 =	sld [smem:$0x3FFD];
	_ =	sdelay $0x3  }
0x96: {  	_ =	strace s2  }
0x97: {  	_ =	strace $0x8FFFFFFF  }
0x98: {  	s19 =	sld [smem:$0x3FDB];
	_ =	sdelay $0x1  }
0x99: {  	s20 =	simm.s32 $_scs_section_size  }
0x9a: {  	s4 =	simm.s32 $_size__tile_overlayer_lowered;
	s5 =	simm.s32 $_tile_overlayer_lowered  }
0x9b: {  	s6 =	simm.s32 $0x1BFF;
	s21 =	sshll.u32 s5, $0x1;
	s3 =	sadd.s32 s20, s19  }
0x9c: {  	s22 =	simm.s32 $0x0;
	s4 =	sshll.u32 s4, $0x1;
	s5 =	sadd.s32 s21, s3  }
0x9d: {  	[timem:s22], [sflag:s6] =	dma.local [hbm:s5], s4  }
0x9e: {  	_ =	swait.ge [sflag:s6], s4  }
0x9f: {  	s4 =	ssub.s32 $0x0, s4;
	[sflag:s6] =	ssyncset.done $0x0  }
0xa0: {  	[sflag:s6] =	ssyncadd.s32 s4;
	_ =	sdelay $0x1  }
0xa1: {  	s23 =	simm.s32 $0x1B8B  }
0xa2: {  	_ =	swait.ge [sflag:s23], $0x1  }
0xa3: {  	[sflag:s23] =	ssyncset.done $0x0  }
0xa4: {  	[sflag:s23] =	ssyncadd.s32 $0xFFFFFFFF  }
0xa5: {  	s4 =	sld [smem:$0x0]  }
0xa6: {  	s5 =	sand.u32 $0xFFFFFFFE, s1  }
0xa7: {  	p0 =	sne.s32 s1, s5  }
0xa8: {  	s5 =	sshll.u32 @p0 s5, $0xE  }
0xa9: {  	s5 =	sadd.s32 @p0 $0x11B8D, s5;
	s6 =	sshll.u32 @p0 s4, $0x11  }
0xaa: {  	s5 =	sor.u32 @p0 s6, s5  }
0xab: {  	[sflag:s5] =	ssyncadd.remote.s32 @p0 $0x1;
	_ =	sdelay $0x1  }
0xac: {  	s5 =	simm.s32 @p0 $0x1B8D  }
0xad: {  	_ =	swait.eq @p0 [sflag:s5], $0x1  }
0xae: {  	[sflag:s5] =	ssyncadd.s32 @p0 $0xFFFFFFFF  }
0xaf: {  	s6 =	sshll.u32 @!p0 s1, $0xE  }
0xb0: {  	s6 =	sor.u32 @!p0 $0x4000, s6;
	s5 =	simm.s32 @!p0 $0x1B8D  }
0xb1: {  	s4 =	sshll.u32 @!p0 s4, $0x11;
	s6 =	sadd.s32 @!p0 $0x11B8D, s6;
	_ =	swait.eq @!p0 [sflag:s5], $0x1  }
0xb2: {  	s4 =	sor.u32 @!p0 s4, s6;
	[sflag:s5] =	ssyncadd.s32 @!p0 $0xFFFFFFFF  }
0xb3: {  	s25 =	simm.s32 $0x1B8E;
	s24 =	sld [smem:$0x3FFE];
	[sflag:s4] =	ssyncadd.remote.s32 @!p0 $0x1  }
0xb4: {  	s26 =	simm.s32 $execute0_lowered;
	[smem:$0x3FD2] =	sst s25  }
0xb5: {  	s5 =	sshll.u32 s26, $0x1;
	_ =	strace $0x80000049;
	[dreg:$0x1] =	wrdreg $0xFFFFFFFF  }
0xb6: {  	s28 =	simm.s32 $_size_execute0_lowered;
	s3 =	sadd.s32 s3, s5;
	[dreg:$0x0] =	wrdreg $0x0  }
0xb7: {  	s5 =	sshll.u32 s28, $0x1;
	[dreg:$0x2] =	wrdreg s3  }
0xb8: {  	[dreg:$0x3] =	wrdreg s5  }
0xb9: {  	[dreg:$0x4] =	wrdreg $0xC0  }
0xba: {  	_ =	task [dreg:s22], $0x5FFFF  }
0xbb: {  	[dreg:$0x1] =	wrdreg $0xFFFFFFFF  }
0xbc: {  	[dreg:$0x0] =	wrdreg $0x60  }
0xbd: {  	[dreg:$0x2] =	wrdreg s24  }
0xbe: {  	[dreg:$0x3] =	wrdreg $0x9  }
0xbf: {  	_ =	task.clear_ibuf [dreg:s22], $0x4FFFF;
	_ =	strace $0x90000049  }
0xc0: {  	s29 =	simm.s32 $0x9;
	_ =	strace $0x8000004B  }
0xc1: {  	_ =	swait.ge [sflag:s29], $0x1  }
0xc2: {  	[sflag:s29] =	ssyncadd.s32 $0xFFFFFFFF  }
0xc3: {  	_ =	strace $0x9000004B  }
0xc4: {  	_ =	sfence  }
0xc5: {  	s30 =	sld [smem:$0x0];
	_ =	sdelay $0x2  }
0xc6: {  	s31 =	sshll.u32 s1, $0xD;
	s1 =	sshrl.u32 s1, $0x2  }
0xc7: {  	s4 =	sand.u32 $0x4000, s31;
	s1 =	sadd.s32 s1, s30  }
0xc8: {  	s0 =	sor.u32 s4, s0;
	s1 =	sshll.u32 s1, $0x11  }
0xc9: {  	s0 =	sor.u32 s1, s0  }
0xca: {  	s0 =	sadd.s32 $0x8F2B, s0  }
0xcb: {  	[sflag:s0] =	ssyncadd.remote.s32 $0x1  }
0xcc: {  	_ =	sfence.sel $0xFFFF  }
0xcd: {  	[dreg:$0x0] =	wrdreg $0xFFFFFFFF;
	(pc) =	sbr.abs _section_cstart, $3  }
0xce: {  	[dreg:$0x1] =	wrdreg $0xFFFFFFFF  }
0xcf: {  	_ =	task.clear_ibuf [dreg:s22], $0x2FFFF;
	_ =	strace $0x9FFFFFFF  }
0xd0: {  	(tm) =	ssettm $0x7FFFFFFF  }
0xd1: {  	_ =	shalt  }
tec
execute0_lowered:
.L_overlay_start_1:
0x0: {  	(tag) =	ssettag $0x1  }
0x1: {  	s1 =	srdreg.scid  }
0x2: {  	s0 =	stileid.u32;
	s5 =	rddreg [dreg:$0x0]  }
0x3: {  	s2 =	simm.s32 $0x0;
	s3 =	sand.u32 $0x1, s1;
	s28 =	sshll.u32 s0, $0x1  }
0x4: {  	s9 =	simm.s32 $0x80;
	s29 =	sshrl.u32 s0, $0x2;
	s4 =	sor.u32 s3, s28  }
0x5: {  	s1 =	rddreg [dreg:$0x1];
	s6 =	smul.u32 $0xC4000, s29;
	s7 =	sshll.u32 s4, $0x7  }
0x6: {  	[smem:$0x7FF] =	sst s2;
	s30 =	ssub.s32 $0x2, s3;
	s7 =	sand.u32 $0x380, s7  }
0x7: {  	_ =	strace $0x8000004A;
	s3 =	sadd.s32 $0xC9C00, s5;
	s6 =	sor.u32 s6, s7  }
0x8: {  	s8 =	sshrl.u32 s30, $0x1;
	s4 =	smul.u32 $0xC400, s4;
	s6 =	sshrl.u32 s6, $0x3  }
0x9: {  	s31 =	ssub.s32 s30, s8;
	s8 =	simm.s32 $0x400;
	s5 =	sadd.s32 s6, s5  }
0xa: {  	v0 =	vimm.f32 $0.0e+00;
	v1 =	vimm.f32 $1.000000000e+00;
	s7 =	simm.s32 $0x1;
	s6 =	smax.u32 s31, $0x1;
	s5 =	sadd.s32 $0x18DC00, s5  }
.LBB2_1:
0xb: {  	s10 =	simm.s32 $0x40;
	s11 =	simm.s32 $0x0  }
.LBB2_2:
0xc: {  	p0 =	sne.s32 s10, $0x61FC0;
	[tilespmem:s11+$0x400] =	vst v0;
	s11 =	smov.u32 s10;
	s10 =	sadd.s32 $0x40, s10  }
.Ltmp0:
0xd: {  	(pc) =	sbr.rel @p0 .LBB2_2-.Ltmp0, $2  }
0xe: {  	_ =	sdelay $0x2  }
0xf: {  	s11 =	sshra.s32 s11, $0x2  }
0x10: {  	[tilespmem:s11+$0x400] =	vst v0;
	s10 =	simm.s32 $0x0;
	s11 =	simm.s32 $0x0  }
.LBB2_4:
0x11: {  	s12 =	sshll.u32 s11, $0xA  }
0x12: {  	s12 =	sadd.s32 s4, s12  }
0x13: {  	s12 =	sshrl.u32 s12, $0x3  }
0x14: {  	s12 =	sadd.s32 s3, s12  }
0x15: {  	[tilespmem:s10], [sflag:$0x1] =	stream.linear.gather [hbm4b:s12+s10], $0x400, $0x38;
	[tilespmem:$0x18C00] =	vst v63  }
0x16: {  	_ =	swait.ge [sflag:s7], $0x400  }
0x17: {  	[sflag:s7] =	ssyncset.done $0x0  }
0x18: {  	s13 =	simm.s32 $0x0;
	s12 =	simm.s32 $0x40;
	[sflag:s7] =	ssyncadd.s32 $0xFFFFFC00  }
.LBB2_5:
0x19: {  	p0 =	sne.s32 s12, $0xFC0;
	v2 =	vld [tilespmem:s13+$0x0];
	_ =	sdelay $0x3  }
.Ltmp1:
0x1a: {  	(pc) =	sbr.rel @p0 .LBB2_5-.Ltmp1, $2  }
0x1b: {  	_ =	sdelay $0x2  }
0x1c: {  	s13 =	sshra.s32 s12, $0x2;
	s12 =	sadd.s32 $0x40, s12;
	[tilespmem:v2+s8+$0x0] =	vst.idx.add.f32.msk $0xffff, v1  }
0x1d: {  	v2 =	vld [tilespmem:s13+$0x0];
	_ =	sdelay $0x1  }
0x1e: {  	s11 =	sadd.s32 $0x1, s11  }
0x1f: {  	p0 =	sne.s32 s11, $0x31  }
.Ltmp2:
0x20: {  	_ = 	snop;
	(pc) =	sbr.rel @p0 .LBB2_4-.Ltmp2, $2  }
0x21: {  	_ =	sdelay $0x2  }
0x22: {  	[tilespmem:v2+s8+$0x0] =	vst.idx.add.f32.msk $0xffff, v1  }
0x23: {  	s2 =	sadd.s32 $0x1, s2  }
0x24: {  	p0 =	sne.s32 s2, s6  }
.Ltmp3:
0x25: {  	_ = 	snop;
	(pc) =	sbr.rel @p0 .LBB2_1-.Ltmp3, $4  }
0x26: {  	[hbm4b:s5+s9] =	stream.strided.scatter [tilespmem:s8], [sflag:$0x1], $0x18800, s8, s9, $0x38;
	[tilespmem:$0x18C00] =	vst v63  }
0x27: {  	_ =	swait.ge [sflag:s7], $0x18800  }
0x28: {  	[sflag:s7] =	ssyncset.done $0x0  }
0x29: {  	[sflag:s7] =	ssyncadd.s32 $0xFFFE7800  }
0x2a: {  	_ =	sfence.sel $0x180000  }
0x2b: {  	[bflag:$0x0] =	sbarrier.arrive $0xFFFF  }
0x2c: {  	p0 =	sne.s32 s0, $0x0;
	_ =	strace $0x9000004A  }
0x2d: {  	s0 =	sadd.s32 @!p0 $0x100000, s1;
	[bflag:$0x2] =	sbarrier.arrive $0xFFFF  }
0x2e: {  	[sflag:s0] =	ssyncadd.tile.s32 @!p0 $0x1;
	_ =	shalt  }
.Lfunc_end2:
_tile_overlayer_lowered:
.L_overlay_start_2:
0x2f: {  	(tag) =	ssettag $0x2  }
0x30: {  	s0 =	rddreg [dreg:$0x0];
	s2 =	stileid.u32  }
0x31: {  	s1 =	rddreg [dreg:$0x1];
	p0 =	sne.s32 s2, $0x0  }
0x32: {  	s3 =	rddreg [dreg:$0x2];
	[bflag:$0x3] =	sbarrier.arrive $0xFFFF;
	s2 =	simm.s32 @!p0 $0x1C01  }
0x33: {  	[timem:s3], [sflag:s2] =	dma.local @!p0 [hbm:s0], s1  }
0x34: {  	s0 =	simm.s32 @!p0 $0x1  }
0x35: {  	_ =	swait.ge @!p0 [sflag:s0], s1  }
0x36: {  	s1 =	ssub.s32 @!p0 $0x0, s1;
	[sflag:s0] =	ssyncset.done @!p0 $0x0  }
0x37: {  	[sflag:s0] =	ssyncadd.s32 @!p0 s1  }
0x38: {  	[bflag:$0x3] =	sbarrier.arrive $0xFFFF  }
0x39: {  	_ =	shalt  }

// kernel: kernel.14.cloned.1.call-start
scs
__scs_entry_jumppad:
0x0: {  	(pc) =	sbr.rel $0x88, $3  }
0x1: {  	(tag) =	ssettag $0x0;
	lr =	simm.s32 $0x1  }
0x2: {  	[smem:$0x3F85] =	sst lr;
	_ =	strace $0xD0000000  }
0x3: {  	_ = 	snop  }
0x4: {  	_ = 	snop  }
0x5: {  	_ = 	snop  }
0x6: {  	_ = 	snop  }
0x7: {  	_ = 	snop  }
__scs_overlays_trampoline_lowered:
0x8: {  	[smem:$0x3F94] =	sst s0  }
0x9: {  	[smem:$0x3F95] =	sst s1  }
0xa: {  	[smem:$0x3F96] =	sst s2  }
0xb: {  	[smem:$0x3F97] =	sst s3  }
0xc: {  	[smem:$0x3F98] =	sst s4  }
0xd: {  	[smem:$0x3F99] =	sst s5  }
0xe: {  	[smem:$0x3F9A] =	sst s6  }
0xf: {  	[smem:$0x3F9B] =	sst s7  }
0x10: {  	[smem:$0x3F9C] =	sst s8  }
0x11: {  	[smem:$0x3F9D] =	sst s9;
	s0 =	simm.s32 @!p0 $0x0  }
0x12: {  	s1 =	sld [smem:$0x3F83];
	s0 =	simm.s32 @p0 $0x1  }
0x13: {  	[smem:$0x3F9E] =	sst s0;
	s0 =	simm.s32 @!p1 $0x0  }
0x14: {  	s2 =	sld [smem:$0x3F82];
	s0 =	simm.s32 @p1 $0x1  }
0x15: {  	[smem:$0x3F9F] =	sst s0;
	s0 =	simm.s32 @!p2 $0x0  }
0x16: {  	s3 =	sld [smem:$0x3FDB];
	s0 =	simm.s32 @p2 $0x1  }
0x17: {  	s4 =	simm.s32 $0x1BF5;
	[smem:$0x3FA1] =	sst s0  }
0x18: {  	s0 =	sld [smem:$0x3F84];
	_ =	swait.ge [sflag:s4], $0x0  }
0x19: {  	s7 =	sld [smem:$0x3F85]  }
0x1a: {  	s8 =	sadd.s32 $0xFFFFE003, lr  }
0x1b: {  	s9 =	sadd.s32 $0xFFFFFEF7, lr;
	s5 =	simm.s32 $0xFFFFFFFF;
	p2 =	slt.u32 s8, $0xFFFFF086  }
0x1c: {  	p1 =	slt.u32 s9, $0xF7A;
	s5 =	simm.s32 @!p2 $0x0  }
0x1d: {  	s5 =	simm.s32 @p1 $0x1;
	p0 =	seq.s32 s7, s2  }
0x1e: {  	s7 =	smul.u32 @!p0 $0xF7A, s2;
	p2 =	seq.s32 @!p0 s5, $0x0  }
0x1f: {  	s9 =	smul.u32 $0xF7A, s1;
	s8 =	simm.s32 @!p0 $0x1BF5;
	p2 =	por !p2, p0  }
0x20: {  	[sflag:s8] =	ssyncset.s32 @!p0 $0xFFFFF086;
	s6 =	sadd.s32 @!p0 s3, s7;
	s7 =	simm.s32 @!p0 $0x108  }
0x21: {  	s3 =	sadd.s32 s3, s9;
	s6 =	sadd.s32 @!p0 $0x88, s6;
	s7 =	simm.s32 @p2 $0x1082  }
0x22: {  	[simem:s7], [sflag:s8] =	dma.local @!p0 [hbm:s6], $0xF7A  }
0x23: {  	s9 =	sor.u32 $0xD0000000, s2;
	s6 =	simm.s32 $0x108;
	_ =	swait.ge @!p0 [sflag:s8], $0x0  }
0x24: {  	s3 =	sadd.s32 $0x88, s3;
	s6 =	simm.s32 @!p1 $0x1082;
	[sflag:s4] =	ssyncset.s32 $0xFFFFF086  }
0x25: {  	[simem:s6], [sflag:s4] =	dma.local [hbm:s3], $0xF7A  }
0x26: {  	[smem:$0x3F85] =	sst s1;
	(tag) =	ssettag s2;
	_ =	strace s9  }
0x27: {  	s1 =	sld [smem:$0x3F95]  }
0x28: {  	s2 =	sld [smem:$0x3F96]  }
0x29: {  	s4 =	sld [smem:$0x3F98]  }
0x2a: {  	p0 =	seq.s32 s5, $0x0;
	s5 =	sld [smem:$0x3F99]  }
0x2b: {  	s6 =	sld [smem:$0x3F9A]  }
0x2c: {  	s7 =	sld [smem:$0x3F9B]  }
0x2d: {  	s3 =	simm.s32 $0x108;
	s8 =	sld [smem:$0x3F9C]  }
0x2e: {  	s3 =	simm.s32 @!p0 $0x1082;
	s9 =	sld [smem:$0x3F9D]  }
0x2f: {  	lr =	sadd.s32 s0, s3;
	s0 =	sld [smem:$0x3F94]  }
0x30: {  	s3 =	sld [smem:$0x3F97]  }
0x31: {  	[smem:$0x3FA0] =	sst s10  }
0x32: {  	s10 =	sld [smem:$0x3F9E];
	_ =	sdelay $0x3  }
0x33: {  	p0 =	seq.s32 s10, $0x1;
	s10 =	sld [smem:$0x3FA0];
	_ =	sdelay $0x3  }
0x34: {  	[smem:$0x3FA0] =	sst s10  }
0x35: {  	s10 =	sld [smem:$0x3F9F];
	_ =	sdelay $0x3  }
0x36: {  	p1 =	seq.s32 s10, $0x1;
	s10 =	sld [smem:$0x3FA0];
	_ =	sdelay $0x3  }
0x37: {  	[smem:$0x3FA0] =	sst s10  }
0x38: {  	s10 =	sld [smem:$0x3FA1]  }
0x39: {  	_ = 	snop;
	(pc) =	sbr.ind lr, $3  }
0x3a: {  	_ = 	snop  }
0x3b: {  	_ = 	snop  }
0x3c: {  	p2 =	seq.s32 s10, $0x1;
	s10 =	sld [smem:$0x3FA0]  }
0x3d: {  	_ =	shalt  }
0x3e: {  	_ =	shalt  }
0x3f: {  	_ =	shalt  }
0x40: {  	_ =	shalt  }
0x41: {  	_ =	shalt  }
0x42: {  	_ =	shalt  }
0x43: {  	_ =	shalt  }
0x44: {  	_ =	shalt  }
0x45: {  	_ =	shalt  }
0x46: {  	_ =	shalt  }
0x47: {  	_ =	shalt  }
0x48: {  	_ =	shalt  }
0x49: {  	_ =	shalt  }
0x4a: {  	_ =	shalt  }
0x4b: {  	_ =	shalt  }
0x4c: {  	_ =	shalt  }
0x4d: {  	_ =	shalt  }
0x4e: {  	_ =	shalt  }
0x4f: {  	_ =	shalt  }
0x50: {  	_ =	shalt  }
0x51: {  	_ =	shalt  }
0x52: {  	_ =	shalt  }
0x53: {  	_ =	shalt  }
0x54: {  	_ =	shalt  }
0x55: {  	_ =	shalt  }
0x56: {  	_ =	shalt  }
0x57: {  	_ =	shalt  }
0x58: {  	_ =	shalt  }
0x59: {  	_ =	shalt  }
0x5a: {  	_ =	shalt  }
0x5b: {  	_ =	shalt  }
0x5c: {  	_ =	shalt  }
0x5d: {  	_ =	shalt  }
0x5e: {  	_ =	shalt  }
0x5f: {  	_ =	shalt  }
0x60: {  	_ =	shalt  }
0x61: {  	_ =	shalt  }
0x62: {  	_ =	shalt  }
0x63: {  	_ =	shalt  }
0x64: {  	_ =	shalt  }
0x65: {  	_ =	shalt  }
0x66: {  	_ =	shalt  }
0x67: {  	_ =	shalt  }
0x68: {  	_ =	shalt  }
0x69: {  	_ =	shalt  }
0x6a: {  	_ =	shalt  }
0x6b: {  	_ =	shalt  }
0x6c: {  	_ =	shalt  }
0x6d: {  	_ =	shalt  }
0x6e: {  	_ =	shalt  }
0x6f: {  	_ =	shalt  }
0x70: {  	_ =	shalt  }
0x71: {  	_ =	shalt  }
0x72: {  	_ =	shalt  }
0x73: {  	_ =	shalt  }
0x74: {  	_ =	shalt  }
0x75: {  	_ =	shalt  }
0x76: {  	_ =	shalt  }
0x77: {  	_ =	shalt  }
0x78: {  	_ =	shalt  }
0x79: {  	_ =	shalt  }
0x7a: {  	_ =	shalt  }
0x7b: {  	_ =	shalt  }
0x7c: {  	_ =	shalt  }
0x7d: {  	_ =	shalt  }
0x7e: {  	_ =	shalt  }
0x7f: {  	_ =	shalt  }
0x80: {  	_ =	shalt  }
0x81: {  	_ =	shalt  }
0x82: {  	_ =	shalt  }
0x83: {  	_ =	shalt  }
0x84: {  	_ =	shalt  }
0x85: {  	_ =	shalt  }
0x86: {  	_ =	shalt  }
0x87: {  	_ =	shalt  }
.Lfunc_end0:
.L_simem_size_0:
called_computation.1_lowered:
.L_overlay_start_0:
0x88: {  	s2 =	sld [smem:$0x3FD9]  }
0x89: {  	s3 =	sld [smem:$0x3FFE];
	_ =	sdelay $0x1  }
0x8a: {  	s1 =	srdreg.scid  }
0x8b: {  	s0 =	sand.u32 $0x1, s1  }
0x8c: {  	s16 =	sshll.u32 s0, $0xA;
	s2 =	sadd.s32 s3, s2  }
0x8d: {  	s2 =	sadd.s32 s2, s16  }
0x8e: {  	[smem:$0x3FAC] =	sst s2  }
0x8f: {  	_ = 	snop  }
0x90: {  	(tm) =	ssettm $0x1  }
0x91: {  	s17 =	sld [smem:$0x3FFB];
	_ =	sdelay $0x3  }
0x92: {  	_ =	strace s17  }
0x93: {  	s2 =	sld [smem:$0x3FFC];
	_ =	sdelay $0x3  }
0x94: {  	_ =	strace s2  }
0x95: {  	s2 =	sld [smem:$0x3FFD];
	_ =	sdelay $0x3  }
0x96: {  	_ =	strace s2  }
0x97: {  	_ =	strace $0x8FFFFFFF  }
0x98: {  	s18 =	sld [smem:$0x3FDB];
	_ =	sdelay $0x1  }
0x99: {  	s19 =	simm.s32 $_scs_section_size  }
0x9a: {  	s4 =	simm.s32 $_size__tile_overlayer_lowered;
	s5 =	simm.s32 $_tile_overlayer_lowered  }
0x9b: {  	s22 =	simm.s32 $0x1BFF;
	s21 =	sshll.u32 s5, $0x1;
	s2 =	sadd.s32 s19, s18  }
0x9c: {  	s6 =	simm.s32 $0x0;
	s20 =	sshll.u32 s4, $0x1;
	s4 =	sadd.s32 s21, s2  }
0x9d: {  	[timem:s6], [sflag:s22] =	dma.local [hbm:s4], s20  }
0x9e: {  	_ =	swait.ge [sflag:s22], s20  }
0x9f: {  	s3 =	ssub.s32 $0x0, s20;
	[sflag:s22] =	ssyncset.done $0x0  }
0xa0: {  	[sflag:s22] =	ssyncadd.s32 s3;
	_ =	sdelay $0x1  }
0xa1: {  	s23 =	simm.s32 $0x1B8B  }
0xa2: {  	_ =	swait.ge [sflag:s23], $0x1  }
0xa3: {  	[sflag:s23] =	ssyncset.done $0x0  }
0xa4: {  	s25 =	simm.s32 $0x1B8E;
	s24 =	sld [smem:$0x3FFE];
	[sflag:s23] =	ssyncadd.s32 $0xFFFFFFFF  }
0xa5: {  	s26 =	simm.s32 $execute0_lowered;
	[smem:$0x3FD2] =	sst s25  }
0xa6: {  	s4 =	sshll.u32 s26, $0x1;
	_ =	strace $0x80000046;
	[dreg:$0x1] =	wrdreg $0xFFFFFFFF  }
0xa7: {  	s28 =	simm.s32 $_size_execute0_lowered;
	s2 =	sadd.s32 s2, s4;
	[dreg:$0x0] =	wrdreg $0x0  }
0xa8: {  	s4 =	sshll.u32 s28, $0x1;
	[dreg:$0x2] =	wrdreg s2  }
0xa9: {  	[dreg:$0x3] =	wrdreg s4  }
0xaa: {  	[dreg:$0x4] =	wrdreg $0xC0  }
0xab: {  	_ =	task [dreg:s6], $0x5FFFF  }
0xac: {  	[dreg:$0x1] =	wrdreg $0xFFFFFFFF  }
0xad: {  	[dreg:$0x0] =	wrdreg $0x60  }
0xae: {  	[dreg:$0x2] =	wrdreg s24  }
0xaf: {  	[dreg:$0x3] =	wrdreg $0x6C000  }
0xb0: {  	[dreg:$0x4] =	wrdreg $0xA  }
0xb1: {  	_ =	task.clear_ibuf [dreg:s6], $0x5FFFF;
	_ =	strace $0x90000046  }
0xb2: {  	s29 =	simm.s32 $0xA;
	_ =	strace $0x80000048  }
0xb3: {  	_ =	swait.ge [sflag:s29], $0x1  }
0xb4: {  	[sflag:s29] =	ssyncadd.s32 $0xFFFFFFFF  }
0xb5: {  	_ =	strace $0x90000048  }
0xb6: {  	_ =	sfence  }
0xb7: {  	s30 =	sld [smem:$0x0];
	_ =	sdelay $0x2  }
0xb8: {  	s31 =	sshll.u32 s1, $0xD;
	s1 =	sshrl.u32 s1, $0x2  }
0xb9: {  	s3 =	sand.u32 $0x4000, s31;
	s1 =	sadd.s32 s1, s30  }
0xba: {  	s0 =	sor.u32 s3, s0;
	s1 =	sshll.u32 s1, $0x11  }
0xbb: {  	s0 =	sor.u32 s1, s0  }
0xbc: {  	s0 =	sadd.s32 $0x8F2B, s0  }
0xbd: {  	[sflag:s0] =	ssyncadd.remote.s32 $0x1  }
0xbe: {  	_ =	sfence.sel $0xFFFF  }
0xbf: {  	[dreg:$0x0] =	wrdreg $0xFFFFFFFF;
	(pc) =	sbr.abs _section_cstart, $3  }
0xc0: {  	[dreg:$0x1] =	wrdreg $0xFFFFFFFF  }
0xc1: {  	_ =	task.clear_ibuf [dreg:s6], $0x2FFFF;
	_ =	strace $0x9FFFFFFF  }
0xc2: {  	(tm) =	ssettm $0x7FFFFFFF  }
0xc3: {  	_ =	shalt  }
tec
execute0_lowered:
.L_overlay_start_1:
0x0: {  	(tag) =	ssettag $0x1  }
0x1: {  	s5 =	rddreg [dreg:$0x0]  }
0x2: {  	s2 =	rddreg [dreg:$0x1];
	s3 =	simm.s32 $0x0  }
0x3: {  	s1 =	stileid.u32;
	s4 =	srdreg.scid;
	s19 =	simm.s32 $0x800  }
0x4: {  	s20 =	simm.s32 $0x3;
	s21 =	simm.s32 $0xC00;
	s22 =	simm.s32 $0x1  }
0x5: {  	[smem:$0x7FF] =	sst s3;
	s6 =	smul.u32 $0x18800, s1;
	s7 =	sand.u32 $0x1, s4  }
0x6: {  	s4 =	sadd.s32 $0x251C00, s5;
	s14 =	sadd.s32 $0x5C00, s5;
	s13 =	sadd.s32 $0xC9C00, s5  }
0x7: {  	s23 =	sshll.u32 s1, $0x6;
	s29 =	smul.u32 $0x3100, s1;
	_ =	strace $0x80000047  }
0x8: {  	s8 =	smul.u32 $0x188000, s7;
	s7 =	ssub.s32 $0x2, s7;
	s9 =	sshrl.u32 s6, $0x3  }
0x9: {  	s11 =	sshrl.u32 s7, $0x1;
	s18 =	sadd.s32 s6, s2;
	s24 =	sor.u32 $0x200, s6  }
0xa: {  	s12 =	sadd.s32 s6, s8;
	s15 =	sadd.s32 s9, s5;
	s17 =	ssub.s32 s7, s11  }
0xb: {  	s6 =	sor.u32 $0x1C04, s23;
	s25 =	sadd.s32 s8, s24;
	s8 =	sadd.s32 s13, s9  }
0xc: {  	s28 =	sshrl.u32 s24, $0x3;
	s23 =	simm.s32 $0x2;
	s24 =	simm.s32 $0x0  }
0xd: {  	s10 =	sshrl.u32 s12, $0x3;
	s26 =	sshrl.u32 s25, $0x3;
	s30 =	sor.u32 $0x400, s12  }
0xe: {  	s12 =	smax.u32 s17, $0x1;
	s17 =	simm.s32 $0x600;
	s16 =	sadd.s32 s10, s5  }
0xf: {  	s5 =	sadd.s32 $0xFAC00, s15;
	s7 =	sadd.s32 s14, s10;
	s9 =	sadd.s32 s14, s26  }
0x10: {  	s10 =	sadd.s32 s13, s28;
	s13 =	sadd.s32 s29, s13;
	s31 =	sshrl.u32 s30, $0x3  }
0x11: {  	s15 =	sshrl.u32 s18, $0x3;
	s18 =	simm.s32 $0x200;
	s11 =	sadd.s32 $0x12BC00, s16  }
0x12: {  	s13 =	sadd.s32 $0x80, s13;
	s14 =	sadd.s32 s31, s14;
	s16 =	simm.s32 $0x4  }
.LBB2_1:
0x13: {  	[spmem:s15], [sflag:s6] =	dma.local [hbm:s5], $0x3100  }
0x14: {  	_ =	swait.ge [sflag:s16], $0x3100  }
0x15: {  	[sflag:s16] =	ssyncset.done $0x0  }
0x16: {  	[sflag:s16] =	ssyncadd.s32 $0xFFFFCF00  }
0x17: {  	[bflag:$0x0] =	sbarrier.arrive $0xFFFF  }
0x18: {  	[tilespmem:s3], [sflag:$0x3] =	stream.linear.gather [hbm4b:s7+s3], $0x200, $0x38;
	[tilespmem:$0x1F400] =	vst v63  }
0x19: {  	_ = 	snop  }
0x1a: {  	[tilespmem:s17], [sflag:$0x3] =	stream.linear.gather [hbm4b:s8+s3], $0x200, $0x38;
	[tilespmem:$0x1F400] =	vst v63  }
0x1b: {  	_ = 	snop  }
0x1c: {  	[tilespmem:s18], [sflag:$0x3] =	stream.linear.gather [hbm4b:s9+s3], $0x200, $0x38;
	[tilespmem:$0x1F400] =	vst v63  }
0x1d: {  	_ = 	snop  }
0x1e: {  	[tilespmem:s19], [sflag:$0x3] =	stream.linear.gather [hbm4b:s10+s3], $0x200, $0x38;
	[tilespmem:$0x1F400] =	vst v63  }
0x1f: {  	_ =	swait.ge [sflag:s20], $0x200  }
0x20: {  	[sflag:s20] =	ssyncset.done $0x0  }
0x21: {  	[sflag:s20] =	ssyncadd.s32 $0xFFFFFE00  }
0x22: {  	_ =	swait.ge [sflag:s20], $0x200  }
0x23: {  	s25 =	smov.u32 s14;
	[sflag:s20] =	ssyncset.done $0x0  }
0x24: {  	s26 =	smov.u32 s13;
	s29 =	simm.s32 $0x0;
	[sflag:s20] =	ssyncadd.s32 $0xFFFFFE00  }
0x25: {  	[tilespmem:s21], [sflag:$0x1] =	stream.indirect.gather [hbm4b:s4+s18], $0x10, s3, s18, $0xb8;
	[tilespmem:$0x1F400] =	vst v63  }
.LBB2_2:
0x26: {  	s28 =	sadd.s32 $0x1, s29;
	p0 =	seq.s32 s29, $0xC3  }
0x27: {  	s30 =	sand.u32 @!p0 $0xFF, s28  }
0x28: {  	s30 =	smul.u32 @!p0 $0xAB, s30;
	_ =	sdelay $0x1  }
0x29: {  	s31 =	simm.s32 @!p0 $0x3;
	s30 =	sshrl.u32 @!p0 s30, $0x9  }
0x2a: {  	_ =	swait.ge @!p0 [sflag:s31], $0x200;
	s30 =	smul.u32 @!p0 $0x3, s30  }
0x2b: {  	[sflag:s31] =	ssyncset.done @!p0 $0x0  }
0x2c: {  	[sflag:s31] =	ssyncadd.s32 @!p0 $0xFFFFFE00;
	s30 =	ssub.s32 @!p0 s28, s30  }
0x2d: {  	p1 =	seq.s32 @!p0 s29, $0x0;
	_ =	swait.ge @!p0 [sflag:s31], $0x200;
	s30 =	sand.u32 @!p0 $0xFF, s30  }
0x2e: {  	[sflag:s31] =	ssyncset.done @!p0 $0x0;
	s0 =	sshll.u32 @!p0 s30, $0x9;
	s30 =	sshll.u32 @!p0 s30, $0xD  }
0x2f: {  	[sflag:s31] =	ssyncadd.s32 @!p0 $0xFFFFFE00;
	s31 =	simm.s32 @!p0 $0x200;
	s30 =	sor.u32 @!p0 $0xC00, s30  }
0x30: {  	[tilespmem:s30], [sflag:$0x1] =	stream.indirect.gather @!p0 [hbm4b:s4+s31], $0x10, s0, s31, $0xb8;
	[tilespmem:$0x1F400] =	vst v63  }
0x31: {  	p0 =	por p0, !p1  }
0x32: {  	s0 =	simm.s32 @p0 $0x2  }
0x33: {  	p1 =	sgt.u32 @p0 s29, $0xC1;
	_ =	swait.ge @p0 [sflag:s0], $0x2000  }
0x34: {  	p1 =	por !p0, !p1;
	[sflag:s0] =	ssyncset.done @p0 $0x0  }
0x35: {  	[sflag:s0] =	ssyncadd.s32 @p0 $0xFFFFE000;
	s0 =	sadd.s32 @p1 $0x2, s29  }
0x36: {  	s30 =	sand.u32 @p1 $0xFF, s0  }
0x37: {  	s30 =	smul.u32 @p1 $0xAB, s30;
	_ =	sdelay $0x1  }
0x38: {  	s30 =	sshrl.u32 @p1 s30, $0x9  }
0x39: {  	s30 =	smul.u32 @p1 $0x3, s30;
	_ =	sdelay $0x1  }
0x3a: {  	s0 =	ssub.s32 @p1 s0, s30  }
0x3b: {  	s0 =	sand.u32 @p1 $0xFF, s0  }
0x3c: {  	s0 =	sshll.u32 @p1 s0, $0x9  }
0x3d: {  	[tilespmem:s0], [sflag:$0x3] =	stream.linear.gather @p1 [hbm4b:s25+s3], $0x200, $0x38;
	[tilespmem:$0x1F400] =	vst v63  }
0x3e: {  	s31 =	smul.u32 $0xAB, s29;
	s0 =	sadd.s32 @p1 $0x600, s0  }
0x3f: {  	[tilespmem:s0], [sflag:$0x3] =	stream.linear.gather @p1 [hbm4b:s26+s3], $0x200, $0x38;
	[tilespmem:$0x1F400] =	vst v63  }
0x40: {  	s0 =	sshrl.u32 s31, $0x9  }
0x41: {  	s0 =	sand.u32 $0x7F, s0  }
0x42: {  	s0 =	smul.u32 $0x3, s0;
	_ =	sdelay $0x1  }
0x43: {  	p0 =	sne.s32 s28, $0xC4;
	s0 =	ssub.s32 s29, s0  }
.Ltmp0:
0x44: {  	_ =	swait.ge [sflag:s22], $0x2000;
	s0 =	sand.u32 $0xFF, s0;
	(pc) =	sbr.rel @p0 .LBB2_2-.Ltmp0, $4  }
0x45: {  	[sflag:s22] =	ssyncset.done $0x0;
	s29 =	sshll.u32 s0, $0xD;
	s0 =	sshll.u32 s0, $0x9  }
0x46: {  	[sflag:s22] =	ssyncadd.s32 $0xFFFFE000;
	s29 =	sor.u32 $0xC00, s29;
	s0 =	sadd.s32 $0x600, s0  }
0x47: {  	[spmem:s2] =	stream.indirect.scatter.add.f32 [tilespmem:s29], [sflag:$0x2], $0x10, s0, s18, $0xb8;
	[tilespmem:$0x1F400] =	vst v63  }
0x48: {  	s25 =	sadd.s32 $0x40, s25;
	s26 =	sadd.s32 $0x40, s26;
	s29 =	smov.u32 s28  }
0x49: {  	_ =	swait.ge [sflag:s23], $0x2000  }
0x4a: {  	s24 =	sadd.s32 $0x1, s24;
	[sflag:s23] =	ssyncset.done $0x0  }
0x4b: {  	p0 =	sne.s32 s24, s12;
	[sflag:s23] =	ssyncadd.s32 $0xFFFFE000  }
.Ltmp1:
0x4c: {  	[bflag:$0x0] =	sbarrier.arrive $0xFFFF;
	(pc) =	sbr.rel @p0 .LBB2_1-.Ltmp1, $4  }
0x4d: {  	[hbm:s11], [sflag:s6] =	dma.local [spmem:s15], $0x3100  }
0x4e: {  	_ =	swait.ge [sflag:s16], $0x3100  }
0x4f: {  	[sflag:s16] =	ssyncset.done $0x0  }
0x50: {  	[sflag:s16] =	ssyncadd.s32 $0xFFFFCF00  }
0x51: {  	_ =	sfence.sel $0x180000  }
0x52: {  	[bflag:$0x0] =	sbarrier.arrive $0xFFFF  }
0x53: {  	_ =	strace $0x90000047  }
0x54: {  	[bflag:$0x2] =	sbarrier.arrive $0xFFFF  }
0x55: {  	p0 =	sne.s32 s1, $0x0;
	s0 =	rddreg [dreg:$0x2]  }
0x56: {  	s0 =	sadd.s32 @!p0 $0x100000, s0  }
0x57: {  	[sflag:s0] =	ssyncadd.tile.s32 @!p0 $0x1;
	_ =	shalt  }
.Lfunc_end2:
_tile_overlayer_lowered:
.L_overlay_start_2:
0x58: {  	(tag) =	ssettag $0x2  }
0x59: {  	s0 =	rddreg [dreg:$0x0];
	s2 =	stileid.u32  }
0x5a: {  	s1 =	rddreg [dreg:$0x1];
	p0 =	sne.s32 s2, $0x0  }
0x5b: {  	s3 =	rddreg [dreg:$0x2];
	[bflag:$0x3] =	sbarrier.arrive $0xFFFF;
	s2 =	simm.s32 @!p0 $0x1C04  }
0x5c: {  	[timem:s3], [sflag:s2] =	dma.local @!p0 [hbm:s0], s1  }
0x5d: {  	s0 =	simm.s32 @!p0 $0x4  }
0x5e: {  	_ =	swait.ge @!p0 [sflag:s0], s1  }
0x5f: {  	s1 =	ssub.s32 @!p0 $0x0, s1;
	[sflag:s0] =	ssyncset.done @!p0 $0x0  }
0x60: {  	[sflag:s0] =	ssyncadd.s32 @!p0 s1  }
0x61: {  	[bflag:$0x3] =	sbarrier.arrive $0xFFFF  }
0x62: {  	_ =	shalt  }

// kernel: kernel.17.cloned.1.call-start
scs
__scs_entry_jumppad:
0x0: {  	(pc) =	sbr.rel $0x88, $3  }
0x1: {  	(tag) =	ssettag $0x0;
	lr =	simm.s32 $0x1  }
0x2: {  	[smem:$0x3F85] =	sst lr;
	_ =	strace $0xD0000000  }
0x3: {  	_ = 	snop  }
0x4: {  	_ = 	snop  }
0x5: {  	_ = 	snop  }
0x6: {  	_ = 	snop  }
0x7: {  	_ = 	snop  }
__scs_overlays_trampoline_lowered:
0x8: {  	[smem:$0x3F94] =	sst s0  }
0x9: {  	[smem:$0x3F95] =	sst s1  }
0xa: {  	[smem:$0x3F96] =	sst s2  }
0xb: {  	[smem:$0x3F97] =	sst s3  }
0xc: {  	[smem:$0x3F98] =	sst s4  }
0xd: {  	[smem:$0x3F99] =	sst s5  }
0xe: {  	[smem:$0x3F9A] =	sst s6  }
0xf: {  	[smem:$0x3F9B] =	sst s7  }
0x10: {  	[smem:$0x3F9C] =	sst s8  }
0x11: {  	[smem:$0x3F9D] =	sst s9;
	s0 =	simm.s32 @!p0 $0x0  }
0x12: {  	s1 =	sld [smem:$0x3F83];
	s0 =	simm.s32 @p0 $0x1  }
0x13: {  	[smem:$0x3F9E] =	sst s0;
	s0 =	simm.s32 @!p1 $0x0  }
0x14: {  	s2 =	sld [smem:$0x3F82];
	s0 =	simm.s32 @p1 $0x1  }
0x15: {  	[smem:$0x3F9F] =	sst s0;
	s0 =	simm.s32 @!p2 $0x0  }
0x16: {  	s3 =	sld [smem:$0x3FDB];
	s0 =	simm.s32 @p2 $0x1  }
0x17: {  	s4 =	simm.s32 $0x1BF5;
	[smem:$0x3FA1] =	sst s0  }
0x18: {  	s0 =	sld [smem:$0x3F84];
	_ =	swait.ge [sflag:s4], $0x0  }
0x19: {  	s7 =	sld [smem:$0x3F85]  }
0x1a: {  	s8 =	sadd.s32 $0xFFFFE003, lr  }
0x1b: {  	s9 =	sadd.s32 $0xFFFFFEF7, lr;
	s5 =	simm.s32 $0xFFFFFFFF;
	p2 =	slt.u32 s8, $0xFFFFF086  }
0x1c: {  	p1 =	slt.u32 s9, $0xF7A;
	s5 =	simm.s32 @!p2 $0x0  }
0x1d: {  	s5 =	simm.s32 @p1 $0x1;
	p0 =	seq.s32 s7, s2  }
0x1e: {  	s7 =	smul.u32 @!p0 $0xF7A, s2;
	p2 =	seq.s32 @!p0 s5, $0x0  }
0x1f: {  	s9 =	smul.u32 $0xF7A, s1;
	s8 =	simm.s32 @!p0 $0x1BF5;
	p2 =	por !p2, p0  }
0x20: {  	[sflag:s8] =	ssyncset.s32 @!p0 $0xFFFFF086;
	s6 =	sadd.s32 @!p0 s3, s7;
	s7 =	simm.s32 @!p0 $0x108  }
0x21: {  	s3 =	sadd.s32 s3, s9;
	s6 =	sadd.s32 @!p0 $0x88, s6;
	s7 =	simm.s32 @p2 $0x1082  }
0x22: {  	[simem:s7], [sflag:s8] =	dma.local @!p0 [hbm:s6], $0xF7A  }
0x23: {  	s9 =	sor.u32 $0xD0000000, s2;
	s6 =	simm.s32 $0x108;
	_ =	swait.ge @!p0 [sflag:s8], $0x0  }
0x24: {  	s3 =	sadd.s32 $0x88, s3;
	s6 =	simm.s32 @!p1 $0x1082;
	[sflag:s4] =	ssyncset.s32 $0xFFFFF086  }
0x25: {  	[simem:s6], [sflag:s4] =	dma.local [hbm:s3], $0xF7A  }
0x26: {  	[smem:$0x3F85] =	sst s1;
	(tag) =	ssettag s2;
	_ =	strace s9  }
0x27: {  	s1 =	sld [smem:$0x3F95]  }
0x28: {  	s2 =	sld [smem:$0x3F96]  }
0x29: {  	s4 =	sld [smem:$0x3F98]  }
0x2a: {  	p0 =	seq.s32 s5, $0x0;
	s5 =	sld [smem:$0x3F99]  }
0x2b: {  	s6 =	sld [smem:$0x3F9A]  }
0x2c: {  	s7 =	sld [smem:$0x3F9B]  }
0x2d: {  	s3 =	simm.s32 $0x108;
	s8 =	sld [smem:$0x3F9C]  }
0x2e: {  	s3 =	simm.s32 @!p0 $0x1082;
	s9 =	sld [smem:$0x3F9D]  }
0x2f: {  	lr =	sadd.s32 s0, s3;
	s0 =	sld [smem:$0x3F94]  }
0x30: {  	s3 =	sld [smem:$0x3F97]  }
0x31: {  	[smem:$0x3FA0] =	sst s10  }
0x32: {  	s10 =	sld [smem:$0x3F9E];
	_ =	sdelay $0x3  }
0x33: {  	p0 =	seq.s32 s10, $0x1;
	s10 =	sld [smem:$0x3FA0];
	_ =	sdelay $0x3  }
0x34: {  	[smem:$0x3FA0] =	sst s10  }
0x35: {  	s10 =	sld [smem:$0x3F9F];
	_ =	sdelay $0x3  }
0x36: {  	p1 =	seq.s32 s10, $0x1;
	s10 =	sld [smem:$0x3FA0];
	_ =	sdelay $0x3  }
0x37: {  	[smem:$0x3FA0] =	sst s10  }
0x38: {  	s10 =	sld [smem:$0x3FA1]  }
0x39: {  	_ = 	snop;
	(pc) =	sbr.ind lr, $3  }
0x3a: {  	_ = 	snop  }
0x3b: {  	_ = 	snop  }
0x3c: {  	p2 =	seq.s32 s10, $0x1;
	s10 =	sld [smem:$0x3FA0]  }
0x3d: {  	_ =	shalt  }
0x3e: {  	_ =	shalt  }
0x3f: {  	_ =	shalt  }
0x40: {  	_ =	shalt  }
0x41: {  	_ =	shalt  }
0x42: {  	_ =	shalt  }
0x43: {  	_ =	shalt  }
0x44: {  	_ =	shalt  }
0x45: {  	_ =	shalt  }
0x46: {  	_ =	shalt  }
0x47: {  	_ =	shalt  }
0x48: {  	_ =	shalt  }
0x49: {  	_ =	shalt  }
0x4a: {  	_ =	shalt  }
0x4b: {  	_ =	shalt  }
0x4c: {  	_ =	shalt  }
0x4d: {  	_ =	shalt  }
0x4e: {  	_ =	shalt  }
0x4f: {  	_ =	shalt  }
0x50: {  	_ =	shalt  }
0x51: {  	_ =	shalt  }
0x52: {  	_ =	shalt  }
0x53: {  	_ =	shalt  }
0x54: {  	_ =	shalt  }
0x55: {  	_ =	shalt  }
0x56: {  	_ =	shalt  }
0x57: {  	_ =	shalt  }
0x58: {  	_ =	shalt  }
0x59: {  	_ =	shalt  }
0x5a: {  	_ =	shalt  }
0x5b: {  	_ =	shalt  }
0x5c: {  	_ =	shalt  }
0x5d: {  	_ =	shalt  }
0x5e: {  	_ =	shalt  }
0x5f: {  	_ =	shalt  }
0x60: {  	_ =	shalt  }
0x61: {  	_ =	shalt  }
0x62: {  	_ =	shalt  }
0x63: {  	_ =	shalt  }
0x64: {  	_ =	shalt  }
0x65: {  	_ =	shalt  }
0x66: {  	_ =	shalt  }
0x67: {  	_ =	shalt  }
0x68: {  	_ =	shalt  }
0x69: {  	_ =	shalt  }
0x6a: {  	_ =	shalt  }
0x6b: {  	_ =	shalt  }
0x6c: {  	_ =	shalt  }
0x6d: {  	_ =	shalt  }
0x6e: {  	_ =	shalt  }
0x6f: {  	_ =	shalt  }
0x70: {  	_ =	shalt  }
0x71: {  	_ =	shalt  }
0x72: {  	_ =	shalt  }
0x73: {  	_ =	shalt  }
0x74: {  	_ =	shalt  }
0x75: {  	_ =	shalt  }
0x76: {  	_ =	shalt  }
0x77: {  	_ =	shalt  }
0x78: {  	_ =	shalt  }
0x79: {  	_ =	shalt  }
0x7a: {  	_ =	shalt  }
0x7b: {  	_ =	shalt  }
0x7c: {  	_ =	shalt  }
0x7d: {  	_ =	shalt  }
0x7e: {  	_ =	shalt  }
0x7f: {  	_ =	shalt  }
0x80: {  	_ =	shalt  }
0x81: {  	_ =	shalt  }
0x82: {  	_ =	shalt  }
0x83: {  	_ =	shalt  }
0x84: {  	_ =	shalt  }
0x85: {  	_ =	shalt  }
0x86: {  	_ =	shalt  }
0x87: {  	_ =	shalt  }
.Lfunc_end0:
.L_simem_size_0:
called_computation.2_lowered:
.L_overlay_start_0:
0x88: {  	s2 =	sld [smem:$0x3FD9]  }
0x89: {  	s3 =	sld [smem:$0x3FFE];
	_ =	sdelay $0x1  }
0x8a: {  	s1 =	srdreg.scid  }
0x8b: {  	s0 =	sand.u32 $0x1, s1  }
0x8c: {  	s16 =	sshll.u32 s0, $0xA;
	s2 =	sadd.s32 s3, s2  }
0x8d: {  	s2 =	sadd.s32 s2, s16  }
0x8e: {  	[smem:$0x3FAC] =	sst s2  }
0x8f: {  	_ = 	snop  }
0x90: {  	(tm) =	ssettm $0x1  }
0x91: {  	s17 =	sld [smem:$0x3FFB];
	_ =	sdelay $0x3  }
0x92: {  	_ =	strace s17  }
0x93: {  	s2 =	sld [smem:$0x3FFC];
	_ =	sdelay $0x3  }
0x94: {  	_ =	strace s2  }
0x95: {  	s2 =	sld [smem:$0x3FFD];
	_ =	sdelay $0x3  }
0x96: {  	_ =	strace s2  }
0x97: {  	_ =	strace $0x8FFFFFFF  }
0x98: {  	s18 =	sld [smem:$0x3FDB];
	_ =	sdelay $0x1  }
0x99: {  	s19 =	simm.s32 $_scs_section_size  }
0x9a: {  	s4 =	simm.s32 $_size__tile_overlayer_lowered;
	s5 =	simm.s32 $_tile_overlayer_lowered  }
0x9b: {  	s22 =	simm.s32 $0x1BFF;
	s21 =	sshll.u32 s5, $0x1;
	s2 =	sadd.s32 s19, s18  }
0x9c: {  	s6 =	simm.s32 $0x0;
	s20 =	sshll.u32 s4, $0x1;
	s4 =	sadd.s32 s21, s2  }
0x9d: {  	[timem:s6], [sflag:s22] =	dma.local [hbm:s4], s20  }
0x9e: {  	_ =	swait.ge [sflag:s22], s20  }
0x9f: {  	s3 =	ssub.s32 $0x0, s20;
	[sflag:s22] =	ssyncset.done $0x0  }
0xa0: {  	[sflag:s22] =	ssyncadd.s32 s3;
	_ =	sdelay $0x1  }
0xa1: {  	s23 =	simm.s32 $0x1B8B  }
0xa2: {  	_ =	swait.ge [sflag:s23], $0x1  }
0xa3: {  	[sflag:s23] =	ssyncset.done $0x0  }
0xa4: {  	s25 =	simm.s32 $0x1B8E;
	s24 =	sld [smem:$0x3FFE];
	[sflag:s23] =	ssyncadd.s32 $0xFFFFFFFF  }
0xa5: {  	s26 =	simm.s32 $execute0_lowered;
	[smem:$0x3FD2] =	sst s25  }
0xa6: {  	s4 =	sshll.u32 s26, $0x1;
	_ =	strace $0x8000004C;
	[dreg:$0x1] =	wrdreg $0xFFFFFFFF  }
0xa7: {  	s28 =	simm.s32 $_size_execute0_lowered;
	s2 =	sadd.s32 s2, s4;
	[dreg:$0x0] =	wrdreg $0x0  }
0xa8: {  	s4 =	sshll.u32 s28, $0x1;
	[dreg:$0x2] =	wrdreg s2  }
0xa9: {  	[dreg:$0x3] =	wrdreg s4  }
0xaa: {  	[dreg:$0x4] =	wrdreg $0xC0  }
0xab: {  	_ =	task [dreg:s6], $0x5FFFF  }
0xac: {  	[dreg:$0x1] =	wrdreg $0xFFFFFFFF  }
0xad: {  	[dreg:$0x0] =	wrdreg $0x60  }
0xae: {  	[dreg:$0x2] =	wrdreg s24  }
0xaf: {  	[dreg:$0x3] =	wrdreg $0x6C000  }
0xb0: {  	[dreg:$0x4] =	wrdreg $0x9  }
0xb1: {  	_ =	task.clear_ibuf [dreg:s6], $0x5FFFF;
	_ =	strace $0x9000004C  }
0xb2: {  	s29 =	simm.s32 $0x9;
	_ =	strace $0x8000004E  }
0xb3: {  	_ =	swait.ge [sflag:s29], $0x1  }
0xb4: {  	[sflag:s29] =	ssyncadd.s32 $0xFFFFFFFF  }
0xb5: {  	_ =	strace $0x9000004E  }
0xb6: {  	_ =	sfence  }
0xb7: {  	s30 =	sld [smem:$0x0];
	_ =	sdelay $0x2  }
0xb8: {  	s31 =	sshll.u32 s1, $0xD;
	s1 =	sshrl.u32 s1, $0x2  }
0xb9: {  	s3 =	sand.u32 $0x4000, s31;
	s1 =	sadd.s32 s1, s30  }
0xba: {  	s0 =	sor.u32 s3, s0;
	s1 =	sshll.u32 s1, $0x11  }
0xbb: {  	s0 =	sor.u32 s1, s0  }
0xbc: {  	s0 =	sadd.s32 $0x8F2B, s0  }
0xbd: {  	[sflag:s0] =	ssyncadd.remote.s32 $0x1  }
0xbe: {  	_ =	sfence.sel $0xFFFF  }
0xbf: {  	[dreg:$0x0] =	wrdreg $0xFFFFFFFF;
	(pc) =	sbr.abs _section_cstart, $3  }
0xc0: {  	[dreg:$0x1] =	wrdreg $0xFFFFFFFF  }
0xc1: {  	_ =	task.clear_ibuf [dreg:s6], $0x2FFFF;
	_ =	strace $0x9FFFFFFF  }
0xc2: {  	(tm) =	ssettm $0x7FFFFFFF  }
0xc3: {  	_ =	shalt  }
tec
execute0_lowered:
.L_overlay_start_1:
0x0: {  	(tag) =	ssettag $0x1  }
0x1: {  	s5 =	rddreg [dreg:$0x0]  }
0x2: {  	s2 =	rddreg [dreg:$0x1];
	s1 =	stileid.u32  }
0x3: {  	s4 =	srdreg.scid;
	s3 =	simm.s32 $0x0;
	s19 =	simm.s32 $0x800  }
0x4: {  	s20 =	simm.s32 $0x3;
	s21 =	simm.s32 $0xC00;
	s22 =	simm.s32 $0x1  }
0x5: {  	s6 =	smul.u32 $0x18800, s1;
	s7 =	sand.u32 $0x1, s4;
	[smem:$0x7FF] =	sst s3  }
0x6: {  	s4 =	sadd.s32 $0x67C00, s5;
	s14 =	sadd.s32 $0x5C00, s5;
	s29 =	smul.u32 $0x3100, s1  }
0x7: {  	s13 =	sadd.s32 $0xC9C00, s5;
	s23 =	sshll.u32 s1, $0x6;
	s8 =	smul.u32 $0x188000, s7  }
0x8: {  	_ =	strace $0x8000004D;
	s7 =	ssub.s32 $0x2, s7;
	s9 =	sshrl.u32 s6, $0x3  }
0x9: {  	s11 =	sshrl.u32 s7, $0x1;
	s18 =	sadd.s32 s6, s2;
	s24 =	sor.u32 $0x200, s6  }
0xa: {  	s12 =	sadd.s32 s6, s8;
	s15 =	sadd.s32 s9, s5;
	s17 =	ssub.s32 s7, s11  }
0xb: {  	s6 =	sor.u32 $0x1C04, s23;
	s25 =	sadd.s32 s8, s24;
	s8 =	sadd.s32 s13, s9  }
0xc: {  	s28 =	sshrl.u32 s24, $0x3;
	s23 =	simm.s32 $0x2;
	s24 =	simm.s32 $0x0  }
0xd: {  	s10 =	sshrl.u32 s12, $0x3;
	s26 =	sshrl.u32 s25, $0x3;
	s30 =	sor.u32 $0x400, s12  }
0xe: {  	s12 =	smax.u32 s17, $0x1;
	s17 =	simm.s32 $0x600;
	s16 =	sadd.s32 s10, s5  }
0xf: {  	s5 =	sadd.s32 $0xFAC00, s15;
	s7 =	sadd.s32 s14, s10;
	s9 =	sadd.s32 s14, s26  }
0x10: {  	s10 =	sadd.s32 s13, s28;
	s13 =	sadd.s32 s29, s13;
	s31 =	sshrl.u32 s30, $0x3  }
0x11: {  	s15 =	sshrl.u32 s18, $0x3;
	s18 =	simm.s32 $0x200;
	s11 =	sadd.s32 $0x1EFC00, s16  }
0x12: {  	s13 =	sadd.s32 $0x80, s13;
	s14 =	sadd.s32 s31, s14;
	s16 =	simm.s32 $0x4  }
.LBB2_1:
0x13: {  	[spmem:s15], [sflag:s6] =	dma.local [hbm:s5], $0x3100  }
0x14: {  	_ =	swait.ge [sflag:s16], $0x3100  }
0x15: {  	[sflag:s16] =	ssyncset.done $0x0  }
0x16: {  	[sflag:s16] =	ssyncadd.s32 $0xFFFFCF00  }
0x17: {  	[bflag:$0x0] =	sbarrier.arrive $0xFFFF  }
0x18: {  	[tilespmem:s3], [sflag:$0x3] =	stream.linear.gather [hbm4b:s7+s3], $0x200, $0x38;
	[tilespmem:$0x1F400] =	vst v63  }
0x19: {  	_ = 	snop  }
0x1a: {  	[tilespmem:s17], [sflag:$0x3] =	stream.linear.gather [hbm4b:s8+s3], $0x200, $0x38;
	[tilespmem:$0x1F400] =	vst v63  }
0x1b: {  	_ = 	snop  }
0x1c: {  	[tilespmem:s18], [sflag:$0x3] =	stream.linear.gather [hbm4b:s9+s3], $0x200, $0x38;
	[tilespmem:$0x1F400] =	vst v63  }
0x1d: {  	_ = 	snop  }
0x1e: {  	[tilespmem:s19], [sflag:$0x3] =	stream.linear.gather [hbm4b:s10+s3], $0x200, $0x38;
	[tilespmem:$0x1F400] =	vst v63  }
0x1f: {  	_ =	swait.ge [sflag:s20], $0x200  }
0x20: {  	[sflag:s20] =	ssyncset.done $0x0  }
0x21: {  	[sflag:s20] =	ssyncadd.s32 $0xFFFFFE00  }
0x22: {  	_ =	swait.ge [sflag:s20], $0x200  }
0x23: {  	s25 =	smov.u32 s14;
	[sflag:s20] =	ssyncset.done $0x0  }
0x24: {  	s26 =	smov.u32 s13;
	s29 =	simm.s32 $0x0;
	[sflag:s20] =	ssyncadd.s32 $0xFFFFFE00  }
0x25: {  	[tilespmem:s21], [sflag:$0x1] =	stream.indirect.gather [hbm4b:s4+s18], $0x10, s3, s18, $0xb8;
	[tilespmem:$0x1F400] =	vst v63  }
.LBB2_2:
0x26: {  	s28 =	sadd.s32 $0x1, s29;
	p0 =	seq.s32 s29, $0xC3  }
0x27: {  	s30 =	sand.u32 @!p0 $0xFF, s28  }
0x28: {  	s30 =	smul.u32 @!p0 $0xAB, s30;
	_ =	sdelay $0x1  }
0x29: {  	s31 =	simm.s32 @!p0 $0x3;
	s30 =	sshrl.u32 @!p0 s30, $0x9  }
0x2a: {  	_ =	swait.ge @!p0 [sflag:s31], $0x200;
	s30 =	smul.u32 @!p0 $0x3, s30  }
0x2b: {  	[sflag:s31] =	ssyncset.done @!p0 $0x0  }
0x2c: {  	[sflag:s31] =	ssyncadd.s32 @!p0 $0xFFFFFE00;
	s30 =	ssub.s32 @!p0 s28, s30  }
0x2d: {  	p1 =	seq.s32 @!p0 s29, $0x0;
	_ =	swait.ge @!p0 [sflag:s31], $0x200;
	s30 =	sand.u32 @!p0 $0xFF, s30  }
0x2e: {  	[sflag:s31] =	ssyncset.done @!p0 $0x0;
	s0 =	sshll.u32 @!p0 s30, $0x9;
	s30 =	sshll.u32 @!p0 s30, $0xD  }
0x2f: {  	[sflag:s31] =	ssyncadd.s32 @!p0 $0xFFFFFE00;
	s31 =	simm.s32 @!p0 $0x200;
	s30 =	sor.u32 @!p0 $0xC00, s30  }
0x30: {  	[tilespmem:s30], [sflag:$0x1] =	stream.indirect.gather @!p0 [hbm4b:s4+s31], $0x10, s0, s31, $0xb8;
	[tilespmem:$0x1F400] =	vst v63  }
0x31: {  	p0 =	por p0, !p1  }
0x32: {  	s0 =	simm.s32 @p0 $0x2  }
0x33: {  	p1 =	sgt.u32 @p0 s29, $0xC1;
	_ =	swait.ge @p0 [sflag:s0], $0x2000  }
0x34: {  	p1 =	por !p0, !p1;
	[sflag:s0] =	ssyncset.done @p0 $0x0  }
0x35: {  	[sflag:s0] =	ssyncadd.s32 @p0 $0xFFFFE000;
	s0 =	sadd.s32 @p1 $0x2, s29  }
0x36: {  	s30 =	sand.u32 @p1 $0xFF, s0  }
0x37: {  	s30 =	smul.u32 @p1 $0xAB, s30;
	_ =	sdelay $0x1  }
0x38: {  	s30 =	sshrl.u32 @p1 s30, $0x9  }
0x39: {  	s30 =	smul.u32 @p1 $0x3, s30;
	_ =	sdelay $0x1  }
0x3a: {  	s0 =	ssub.s32 @p1 s0, s30  }
0x3b: {  	s0 =	sand.u32 @p1 $0xFF, s0  }
0x3c: {  	s0 =	sshll.u32 @p1 s0, $0x9  }
0x3d: {  	[tilespmem:s0], [sflag:$0x3] =	stream.linear.gather @p1 [hbm4b:s25+s3], $0x200, $0x38;
	[tilespmem:$0x1F400] =	vst v63  }
0x3e: {  	s31 =	smul.u32 $0xAB, s29;
	s0 =	sadd.s32 @p1 $0x600, s0  }
0x3f: {  	[tilespmem:s0], [sflag:$0x3] =	stream.linear.gather @p1 [hbm4b:s26+s3], $0x200, $0x38;
	[tilespmem:$0x1F400] =	vst v63  }
0x40: {  	s0 =	sshrl.u32 s31, $0x9  }
0x41: {  	s0 =	sand.u32 $0x7F, s0  }
0x42: {  	s0 =	smul.u32 $0x3, s0;
	_ =	sdelay $0x1  }
0x43: {  	p0 =	sne.s32 s28, $0xC4;
	s0 =	ssub.s32 s29, s0  }
.Ltmp0:
0x44: {  	_ =	swait.ge [sflag:s22], $0x2000;
	s0 =	sand.u32 $0xFF, s0;
	(pc) =	sbr.rel @p0 .LBB2_2-.Ltmp0, $4  }
0x45: {  	[sflag:s22] =	ssyncset.done $0x0;
	s29 =	sshll.u32 s0, $0xD;
	s0 =	sshll.u32 s0, $0x9  }
0x46: {  	[sflag:s22] =	ssyncadd.s32 $0xFFFFE000;
	s29 =	sor.u32 $0xC00, s29;
	s0 =	sadd.s32 $0x600, s0  }
0x47: {  	[spmem:s2] =	stream.indirect.scatter.add.f32 [tilespmem:s29], [sflag:$0x2], $0x10, s0, s18, $0xb8;
	[tilespmem:$0x1F400] =	vst v63  }
0x48: {  	s25 =	sadd.s32 $0x40, s25;
	s26 =	sadd.s32 $0x40, s26;
	s29 =	smov.u32 s28  }
0x49: {  	_ =	swait.ge [sflag:s23], $0x2000  }
0x4a: {  	s24 =	sadd.s32 $0x1, s24;
	[sflag:s23] =	ssyncset.done $0x0  }
0x4b: {  	p0 =	sne.s32 s24, s12;
	[sflag:s23] =	ssyncadd.s32 $0xFFFFE000  }
.Ltmp1:
0x4c: {  	[bflag:$0x0] =	sbarrier.arrive $0xFFFF;
	(pc) =	sbr.rel @p0 .LBB2_1-.Ltmp1, $4  }
0x4d: {  	[hbm:s11], [sflag:s6] =	dma.local [spmem:s15], $0x3100  }
0x4e: {  	_ =	swait.ge [sflag:s16], $0x3100  }
0x4f: {  	[sflag:s16] =	ssyncset.done $0x0  }
0x50: {  	[sflag:s16] =	ssyncadd.s32 $0xFFFFCF00  }
0x51: {  	_ =	sfence.sel $0x180000  }
0x52: {  	[bflag:$0x0] =	sbarrier.arrive $0xFFFF  }
0x53: {  	_ =	strace $0x9000004D  }
0x54: {  	[bflag:$0x2] =	sbarrier.arrive $0xFFFF  }
0x55: {  	p0 =	sne.s32 s1, $0x0;
	s0 =	rddreg [dreg:$0x2]  }
0x56: {  	s0 =	sadd.s32 @!p0 $0x100000, s0  }
0x57: {  	[sflag:s0] =	ssyncadd.tile.s32 @!p0 $0x1;
	_ =	shalt  }
.Lfunc_end2:
_tile_overlayer_lowered:
.L_overlay_start_2:
0x58: {  	(tag) =	ssettag $0x2  }
0x59: {  	s0 =	rddreg [dreg:$0x0];
	s2 =	stileid.u32  }
0x5a: {  	s1 =	rddreg [dreg:$0x1];
	p0 =	sne.s32 s2, $0x0  }
0x5b: {  	s3 =	rddreg [dreg:$0x2];
	[bflag:$0x3] =	sbarrier.arrive $0xFFFF;
	s2 =	simm.s32 @!p0 $0x1C04  }
0x5c: {  	[timem:s3], [sflag:s2] =	dma.local @!p0 [hbm:s0], s1  }
0x5d: {  	s0 =	simm.s32 @!p0 $0x4  }
0x5e: {  	_ =	swait.ge @!p0 [sflag:s0], s1  }
0x5f: {  	s1 =	ssub.s32 @!p0 $0x0, s1;
	[sflag:s0] =	ssyncset.done @!p0 $0x0  }
0x60: {  	[sflag:s0] =	ssyncadd.s32 @!p0 s1  }
0x61: {  	[bflag:$0x3] =	sbarrier.arrive $0xFFFF  }
0x62: {  	_ =	shalt  }

// kernel: kernel.20.cloned.1.call-start
scs
__scs_entry_jumppad:
0x0: {  	(pc) =	sbr.rel $0x88, $3  }
0x1: {  	(tag) =	ssettag $0x0;
	lr =	simm.s32 $0x1  }
0x2: {  	[smem:$0x3F85] =	sst lr;
	_ =	strace $0xD0000000  }
0x3: {  	_ = 	snop  }
0x4: {  	_ = 	snop  }
0x5: {  	_ = 	snop  }
0x6: {  	_ = 	snop  }
0x7: {  	_ = 	snop  }
__scs_overlays_trampoline_lowered:
0x8: {  	[smem:$0x3F94] =	sst s0  }
0x9: {  	[smem:$0x3F95] =	sst s1  }
0xa: {  	[smem:$0x3F96] =	sst s2  }
0xb: {  	[smem:$0x3F97] =	sst s3  }
0xc: {  	[smem:$0x3F98] =	sst s4  }
0xd: {  	[smem:$0x3F99] =	sst s5  }
0xe: {  	[smem:$0x3F9A] =	sst s6  }
0xf: {  	[smem:$0x3F9B] =	sst s7  }
0x10: {  	[smem:$0x3F9C] =	sst s8  }
0x11: {  	[smem:$0x3F9D] =	sst s9;
	s0 =	simm.s32 @!p0 $0x0  }
0x12: {  	s1 =	sld [smem:$0x3F83];
	s0 =	simm.s32 @p0 $0x1  }
0x13: {  	[smem:$0x3F9E] =	sst s0;
	s0 =	simm.s32 @!p1 $0x0  }
0x14: {  	s2 =	sld [smem:$0x3F82];
	s0 =	simm.s32 @p1 $0x1  }
0x15: {  	[smem:$0x3F9F] =	sst s0;
	s0 =	simm.s32 @!p2 $0x0  }
0x16: {  	s3 =	sld [smem:$0x3FDB];
	s0 =	simm.s32 @p2 $0x1  }
0x17: {  	s4 =	simm.s32 $0x1BF5;
	[smem:$0x3FA1] =	sst s0  }
0x18: {  	s0 =	sld [smem:$0x3F84];
	_ =	swait.ge [sflag:s4], $0x0  }
0x19: {  	s7 =	sld [smem:$0x3F85]  }
0x1a: {  	s8 =	sadd.s32 $0xFFFFE003, lr  }
0x1b: {  	s9 =	sadd.s32 $0xFFFFFEF7, lr;
	s5 =	simm.s32 $0xFFFFFFFF;
	p2 =	slt.u32 s8, $0xFFFFF086  }
0x1c: {  	p1 =	slt.u32 s9, $0xF7A;
	s5 =	simm.s32 @!p2 $0x0  }
0x1d: {  	s5 =	simm.s32 @p1 $0x1;
	p0 =	seq.s32 s7, s2  }
0x1e: {  	s7 =	smul.u32 @!p0 $0xF7A, s2;
	p2 =	seq.s32 @!p0 s5, $0x0  }
0x1f: {  	s9 =	smul.u32 $0xF7A, s1;
	s8 =	simm.s32 @!p0 $0x1BF5;
	p2 =	por !p2, p0  }
0x20: {  	[sflag:s8] =	ssyncset.s32 @!p0 $0xFFFFF086;
	s6 =	sadd.s32 @!p0 s3, s7;
	s7 =	simm.s32 @!p0 $0x108  }
0x21: {  	s3 =	sadd.s32 s3, s9;
	s6 =	sadd.s32 @!p0 $0x88, s6;
	s7 =	simm.s32 @p2 $0x1082  }
0x22: {  	[simem:s7], [sflag:s8] =	dma.local @!p0 [hbm:s6], $0xF7A  }
0x23: {  	s9 =	sor.u32 $0xD0000000, s2;
	s6 =	simm.s32 $0x108;
	_ =	swait.ge @!p0 [sflag:s8], $0x0  }
0x24: {  	s3 =	sadd.s32 $0x88, s3;
	s6 =	simm.s32 @!p1 $0x1082;
	[sflag:s4] =	ssyncset.s32 $0xFFFFF086  }
0x25: {  	[simem:s6], [sflag:s4] =	dma.local [hbm:s3], $0xF7A  }
0x26: {  	[smem:$0x3F85] =	sst s1;
	(tag) =	ssettag s2;
	_ =	strace s9  }
0x27: {  	s1 =	sld [smem:$0x3F95]  }
0x28: {  	s2 =	sld [smem:$0x3F96]  }
0x29: {  	s4 =	sld [smem:$0x3F98]  }
0x2a: {  	p0 =	seq.s32 s5, $0x0;
	s5 =	sld [smem:$0x3F99]  }
0x2b: {  	s6 =	sld [smem:$0x3F9A]  }
0x2c: {  	s7 =	sld [smem:$0x3F9B]  }
0x2d: {  	s3 =	simm.s32 $0x108;
	s8 =	sld [smem:$0x3F9C]  }
0x2e: {  	s3 =	simm.s32 @!p0 $0x1082;
	s9 =	sld [smem:$0x3F9D]  }
0x2f: {  	lr =	sadd.s32 s0, s3;
	s0 =	sld [smem:$0x3F94]  }
0x30: {  	s3 =	sld [smem:$0x3F97]  }
0x31: {  	[smem:$0x3FA0] =	sst s10  }
0x32: {  	s10 =	sld [smem:$0x3F9E];
	_ =	sdelay $0x3  }
0x33: {  	p0 =	seq.s32 s10, $0x1;
	s10 =	sld [smem:$0x3FA0];
	_ =	sdelay $0x3  }
0x34: {  	[smem:$0x3FA0] =	sst s10  }
0x35: {  	s10 =	sld [smem:$0x3F9F];
	_ =	sdelay $0x3  }
0x36: {  	p1 =	seq.s32 s10, $0x1;
	s10 =	sld [smem:$0x3FA0];
	_ =	sdelay $0x3  }
0x37: {  	[smem:$0x3FA0] =	sst s10  }
0x38: {  	s10 =	sld [smem:$0x3FA1]  }
0x39: {  	_ = 	snop;
	(pc) =	sbr.ind lr, $3  }
0x3a: {  	_ = 	snop  }
0x3b: {  	_ = 	snop  }
0x3c: {  	p2 =	seq.s32 s10, $0x1;
	s10 =	sld [smem:$0x3FA0]  }
0x3d: {  	_ =	shalt  }
0x3e: {  	_ =	shalt  }
0x3f: {  	_ =	shalt  }
0x40: {  	_ =	shalt  }
0x41: {  	_ =	shalt  }
0x42: {  	_ =	shalt  }
0x43: {  	_ =	shalt  }
0x44: {  	_ =	shalt  }
0x45: {  	_ =	shalt  }
0x46: {  	_ =	shalt  }
0x47: {  	_ =	shalt  }
0x48: {  	_ =	shalt  }
0x49: {  	_ =	shalt  }
0x4a: {  	_ =	shalt  }
0x4b: {  	_ =	shalt  }
0x4c: {  	_ =	shalt  }
0x4d: {  	_ =	shalt  }
0x4e: {  	_ =	shalt  }
0x4f: {  	_ =	shalt  }
0x50: {  	_ =	shalt  }
0x51: {  	_ =	shalt  }
0x52: {  	_ =	shalt  }
0x53: {  	_ =	shalt  }
0x54: {  	_ =	shalt  }
0x55: {  	_ =	shalt  }
0x56: {  	_ =	shalt  }
0x57: {  	_ =	shalt  }
0x58: {  	_ =	shalt  }
0x59: {  	_ =	shalt  }
0x5a: {  	_ =	shalt  }
0x5b: {  	_ =	shalt  }
0x5c: {  	_ =	shalt  }
0x5d: {  	_ =	shalt  }
0x5e: {  	_ =	shalt  }
0x5f: {  	_ =	shalt  }
0x60: {  	_ =	shalt  }
0x61: {  	_ =	shalt  }
0x62: {  	_ =	shalt  }
0x63: {  	_ =	shalt  }
0x64: {  	_ =	shalt  }
0x65: {  	_ =	shalt  }
0x66: {  	_ =	shalt  }
0x67: {  	_ =	shalt  }
0x68: {  	_ =	shalt  }
0x69: {  	_ =	shalt  }
0x6a: {  	_ =	shalt  }
0x6b: {  	_ =	shalt  }
0x6c: {  	_ =	shalt  }
0x6d: {  	_ =	shalt  }
0x6e: {  	_ =	shalt  }
0x6f: {  	_ =	shalt  }
0x70: {  	_ =	shalt  }
0x71: {  	_ =	shalt  }
0x72: {  	_ =	shalt  }
0x73: {  	_ =	shalt  }
0x74: {  	_ =	shalt  }
0x75: {  	_ =	shalt  }
0x76: {  	_ =	shalt  }
0x77: {  	_ =	shalt  }
0x78: {  	_ =	shalt  }
0x79: {  	_ =	shalt  }
0x7a: {  	_ =	shalt  }
0x7b: {  	_ =	shalt  }
0x7c: {  	_ =	shalt  }
0x7d: {  	_ =	shalt  }
0x7e: {  	_ =	shalt  }
0x7f: {  	_ =	shalt  }
0x80: {  	_ =	shalt  }
0x81: {  	_ =	shalt  }
0x82: {  	_ =	shalt  }
0x83: {  	_ =	shalt  }
0x84: {  	_ =	shalt  }
0x85: {  	_ =	shalt  }
0x86: {  	_ =	shalt  }
0x87: {  	_ =	shalt  }
.Lfunc_end0:
.L_simem_size_0:
called_computation.3_lowered:
.L_overlay_start_0:
0x88: {  	s2 =	sld [smem:$0x3FD9]  }
0x89: {  	s3 =	sld [smem:$0x3FFE];
	_ =	sdelay $0x1  }
0x8a: {  	s1 =	srdreg.scid  }
0x8b: {  	s0 =	sand.u32 $0x1, s1  }
0x8c: {  	s16 =	sshll.u32 s0, $0xA;
	s2 =	sadd.s32 s3, s2  }
0x8d: {  	s2 =	sadd.s32 s2, s16  }
0x8e: {  	[smem:$0x3FAC] =	sst s2  }
0x8f: {  	_ = 	snop  }
0x90: {  	(tm) =	ssettm $0x1  }
0x91: {  	s17 =	sld [smem:$0x3FFB];
	_ =	sdelay $0x3  }
0x92: {  	_ =	strace s17  }
0x93: {  	s2 =	sld [smem:$0x3FFC];
	_ =	sdelay $0x3  }
0x94: {  	_ =	strace s2  }
0x95: {  	s2 =	sld [smem:$0x3FFD];
	_ =	sdelay $0x3  }
0x96: {  	_ =	strace s2  }
0x97: {  	_ =	strace $0x8FFFFFFF  }
0x98: {  	s18 =	sld [smem:$0x3FDB];
	_ =	sdelay $0x1  }
0x99: {  	s19 =	simm.s32 $_scs_section_size  }
0x9a: {  	s4 =	simm.s32 $_size__tile_overlayer_lowered;
	s5 =	simm.s32 $_tile_overlayer_lowered  }
0x9b: {  	s22 =	simm.s32 $0x1BFF;
	s21 =	sshll.u32 s5, $0x1;
	s2 =	sadd.s32 s19, s18  }
0x9c: {  	s6 =	simm.s32 $0x0;
	s20 =	sshll.u32 s4, $0x1;
	s4 =	sadd.s32 s21, s2  }
0x9d: {  	[timem:s6], [sflag:s22] =	dma.local [hbm:s4], s20  }
0x9e: {  	_ =	swait.ge [sflag:s22], s20  }
0x9f: {  	s3 =	ssub.s32 $0x0, s20;
	[sflag:s22] =	ssyncset.done $0x0  }
0xa0: {  	[sflag:s22] =	ssyncadd.s32 s3;
	_ =	sdelay $0x1  }
0xa1: {  	s23 =	simm.s32 $0x1B8B  }
0xa2: {  	_ =	swait.ge [sflag:s23], $0x1  }
0xa3: {  	[sflag:s23] =	ssyncset.done $0x0  }
0xa4: {  	s25 =	simm.s32 $0x1B8E;
	s24 =	sld [smem:$0x3FFE];
	[sflag:s23] =	ssyncadd.s32 $0xFFFFFFFF  }
0xa5: {  	s26 =	simm.s32 $execute0_lowered;
	[smem:$0x3FD2] =	sst s25  }
0xa6: {  	s4 =	sshll.u32 s26, $0x1;
	_ =	strace $0x8000004F;
	[dreg:$0x1] =	wrdreg $0xFFFFFFFF  }
0xa7: {  	s28 =	simm.s32 $_size_execute0_lowered;
	s2 =	sadd.s32 s2, s4;
	[dreg:$0x0] =	wrdreg $0x0  }
0xa8: {  	s4 =	sshll.u32 s28, $0x1;
	[dreg:$0x2] =	wrdreg s2  }
0xa9: {  	[dreg:$0x3] =	wrdreg s4  }
0xaa: {  	[dreg:$0x4] =	wrdreg $0xC0  }
0xab: {  	_ =	task [dreg:s6], $0x5FFFF  }
0xac: {  	[dreg:$0x1] =	wrdreg $0xFFFFFFFF  }
0xad: {  	[dreg:$0x0] =	wrdreg $0x60  }
0xae: {  	[dreg:$0x2] =	wrdreg s24  }
0xaf: {  	[dreg:$0x3] =	wrdreg $0x6C000  }
0xb0: {  	[dreg:$0x4] =	wrdreg $0x9  }
0xb1: {  	_ =	task.clear_ibuf [dreg:s6], $0x5FFFF;
	_ =	strace $0x9000004F  }
0xb2: {  	s29 =	simm.s32 $0x9;
	_ =	strace $0x80000051  }
0xb3: {  	_ =	swait.ge [sflag:s29], $0x1  }
0xb4: {  	[sflag:s29] =	ssyncadd.s32 $0xFFFFFFFF  }
0xb5: {  	_ =	strace $0x90000051  }
0xb6: {  	_ =	sfence  }
0xb7: {  	s30 =	sld [smem:$0x0];
	_ =	sdelay $0x2  }
0xb8: {  	s31 =	sshll.u32 s1, $0xD;
	s1 =	sshrl.u32 s1, $0x2  }
0xb9: {  	s3 =	sand.u32 $0x4000, s31;
	s1 =	sadd.s32 s1, s30  }
0xba: {  	s0 =	sor.u32 s3, s0;
	s1 =	sshll.u32 s1, $0x11  }
0xbb: {  	s0 =	sor.u32 s1, s0  }
0xbc: {  	s0 =	sadd.s32 $0x8F2B, s0  }
0xbd: {  	[sflag:s0] =	ssyncadd.remote.s32 $0x1  }
0xbe: {  	_ =	sfence.sel $0xFFFF  }
0xbf: {  	[dreg:$0x0] =	wrdreg $0xFFFFFFFF;
	(pc) =	sbr.abs _section_cstart, $3  }
0xc0: {  	[dreg:$0x1] =	wrdreg $0xFFFFFFFF  }
0xc1: {  	_ =	task.clear_ibuf [dreg:s6], $0x2FFFF;
	_ =	strace $0x9FFFFFFF  }
0xc2: {  	(tm) =	ssettm $0x7FFFFFFF  }
0xc3: {  	_ =	shalt  }
tec
execute0_lowered:
.L_overlay_start_1:
0x0: {  	(tag) =	ssettag $0x1  }
0x1: {  	s5 =	rddreg [dreg:$0x0]  }
0x2: {  	s2 =	rddreg [dreg:$0x1];
	s3 =	simm.s32 $0x0  }
0x3: {  	s1 =	stileid.u32;
	s4 =	srdreg.scid;
	s19 =	simm.s32 $0x800  }
0x4: {  	s20 =	simm.s32 $0x3;
	s21 =	simm.s32 $0xC00;
	s22 =	simm.s32 $0x1  }
0x5: {  	[smem:$0x7FF] =	sst s3;
	s6 =	smul.u32 $0x18800, s1;
	s7 =	sand.u32 $0x1, s4  }
0x6: {  	s4 =	sadd.s32 $0x12BC00, s5;
	s14 =	sadd.s32 $0x5C00, s5;
	s13 =	sadd.s32 $0xC9C00, s5  }
0x7: {  	s23 =	sshll.u32 s1, $0x6;
	s29 =	smul.u32 $0x3100, s1;
	_ =	strace $0x80000050  }
0x8: {  	s8 =	smul.u32 $0x188000, s7;
	s7 =	ssub.s32 $0x2, s7;
	s9 =	sshrl.u32 s6, $0x3  }
0x9: {  	s11 =	sshrl.u32 s7, $0x1;
	s18 =	sadd.s32 s6, s2;
	s24 =	sor.u32 $0x200, s6  }
0xa: {  	s12 =	sadd.s32 s6, s8;
	s15 =	sadd.s32 s9, s5;
	s17 =	ssub.s32 s7, s11  }
0xb: {  	s6 =	sor.u32 $0x1C04, s23;
	s25 =	sadd.s32 s8, s24;
	s8 =	sadd.s32 s13, s9  }
0xc: {  	s28 =	sshrl.u32 s24, $0x3;
	s23 =	simm.s32 $0x2;
	s24 =	simm.s32 $0x0  }
0xd: {  	s10 =	sshrl.u32 s12, $0x3;
	s26 =	sshrl.u32 s25, $0x3;
	s30 =	sor.u32 $0x400, s12  }
0xe: {  	s12 =	smax.u32 s17, $0x1;
	s17 =	simm.s32 $0x600;
	s16 =	sadd.s32 s10, s5  }
0xf: {  	s5 =	sadd.s32 $0xFAC00, s15;
	s7 =	sadd.s32 s14, s10;
	s9 =	sadd.s32 s14, s26  }
0x10: {  	s10 =	sadd.s32 s13, s28;
	s13 =	sadd.s32 s29, s13;
	s31 =	sshrl.u32 s30, $0x3  }
0x11: {  	s15 =	sshrl.u32 s18, $0x3;
	s18 =	simm.s32 $0x200;
	s11 =	sadd.s32 $0x1EFC00, s16  }
0x12: {  	s13 =	sadd.s32 $0x80, s13;
	s14 =	sadd.s32 s31, s14;
	s16 =	simm.s32 $0x4  }
.LBB2_1:
0x13: {  	[spmem:s15], [sflag:s6] =	dma.local [hbm:s5], $0x3100  }
0x14: {  	_ =	swait.ge [sflag:s16], $0x3100  }
0x15: {  	[sflag:s16] =	ssyncset.done $0x0  }
0x16: {  	[sflag:s16] =	ssyncadd.s32 $0xFFFFCF00  }
0x17: {  	[bflag:$0x0] =	sbarrier.arrive $0xFFFF  }
0x18: {  	[tilespmem:s3], [sflag:$0x3] =	stream.linear.gather [hbm4b:s7+s3], $0x200, $0x38;
	[tilespmem:$0x1F400] =	vst v63  }
0x19: {  	_ = 	snop  }
0x1a: {  	[tilespmem:s17], [sflag:$0x3] =	stream.linear.gather [hbm4b:s8+s3], $0x200, $0x38;
	[tilespmem:$0x1F400] =	vst v63  }
0x1b: {  	_ = 	snop  }
0x1c: {  	[tilespmem:s18], [sflag:$0x3] =	stream.linear.gather [hbm4b:s9+s3], $0x200, $0x38;
	[tilespmem:$0x1F400] =	vst v63  }
0x1d: {  	_ = 	snop  }
0x1e: {  	[tilespmem:s19], [sflag:$0x3] =	stream.linear.gather [hbm4b:s10+s3], $0x200, $0x38;
	[tilespmem:$0x1F400] =	vst v63  }
0x1f: {  	_ =	swait.ge [sflag:s20], $0x200  }
0x20: {  	[sflag:s20] =	ssyncset.done $0x0  }
0x21: {  	[sflag:s20] =	ssyncadd.s32 $0xFFFFFE00  }
0x22: {  	_ =	swait.ge [sflag:s20], $0x200  }
0x23: {  	s25 =	smov.u32 s14;
	[sflag:s20] =	ssyncset.done $0x0  }
0x24: {  	s26 =	smov.u32 s13;
	s29 =	simm.s32 $0x0;
	[sflag:s20] =	ssyncadd.s32 $0xFFFFFE00  }
0x25: {  	[tilespmem:s21], [sflag:$0x1] =	stream.indirect.gather [hbm4b:s4+s18], $0x10, s3, s18, $0xb8;
	[tilespmem:$0x1F400] =	vst v63  }
.LBB2_2:
0x26: {  	s28 =	sadd.s32 $0x1, s29;
	p0 =	seq.s32 s29, $0xC3  }
0x27: {  	s30 =	sand.u32 @!p0 $0xFF, s28  }
0x28: {  	s30 =	smul.u32 @!p0 $0xAB, s30;
	_ =	sdelay $0x1  }
0x29: {  	s31 =	simm.s32 @!p0 $0x3;
	s30 =	sshrl.u32 @!p0 s30, $0x9  }
0x2a: {  	_ =	swait.ge @!p0 [sflag:s31], $0x200;
	s30 =	smul.u32 @!p0 $0x3, s30  }
0x2b: {  	[sflag:s31] =	ssyncset.done @!p0 $0x0  }
0x2c: {  	[sflag:s31] =	ssyncadd.s32 @!p0 $0xFFFFFE00;
	s30 =	ssub.s32 @!p0 s28, s30  }
0x2d: {  	p1 =	seq.s32 @!p0 s29, $0x0;
	_ =	swait.ge @!p0 [sflag:s31], $0x200;
	s30 =	sand.u32 @!p0 $0xFF, s30  }
0x2e: {  	[sflag:s31] =	ssyncset.done @!p0 $0x0;
	s0 =	sshll.u32 @!p0 s30, $0x9;
	s30 =	sshll.u32 @!p0 s30, $0xD  }
0x2f: {  	[sflag:s31] =	ssyncadd.s32 @!p0 $0xFFFFFE00;
	s31 =	simm.s32 @!p0 $0x200;
	s30 =	sor.u32 @!p0 $0xC00, s30  }
0x30: {  	[tilespmem:s30], [sflag:$0x1] =	stream.indirect.gather @!p0 [hbm4b:s4+s31], $0x10, s0, s31, $0xb8;
	[tilespmem:$0x1F400] =	vst v63  }
0x31: {  	p0 =	por p0, !p1  }
0x32: {  	s0 =	simm.s32 @p0 $0x2  }
0x33: {  	p1 =	sgt.u32 @p0 s29, $0xC1;
	_ =	swait.ge @p0 [sflag:s0], $0x2000  }
0x34: {  	p1 =	por !p0, !p1;
	[sflag:s0] =	ssyncset.done @p0 $0x0  }
0x35: {  	[sflag:s0] =	ssyncadd.s32 @p0 $0xFFFFE000;
	s0 =	sadd.s32 @p1 $0x2, s29  }
0x36: {  	s30 =	sand.u32 @p1 $0xFF, s0  }
0x37: {  	s30 =	smul.u32 @p1 $0xAB, s30;
	_ =	sdelay $0x1  }
0x38: {  	s30 =	sshrl.u32 @p1 s30, $0x9  }
0x39: {  	s30 =	smul.u32 @p1 $0x3, s30;
	_ =	sdelay $0x1  }
0x3a: {  	s0 =	ssub.s32 @p1 s0, s30  }
0x3b: {  	s0 =	sand.u32 @p1 $0xFF, s0  }
0x3c: {  	s0 =	sshll.u32 @p1 s0, $0x9  }
0x3d: {  	[tilespmem:s0], [sflag:$0x3] =	stream.linear.gather @p1 [hbm4b:s25+s3], $0x200, $0x38;
	[tilespmem:$0x1F400] =	vst v63  }
0x3e: {  	s31 =	smul.u32 $0xAB, s29;
	s0 =	sadd.s32 @p1 $0x600, s0  }
0x3f: {  	[tilespmem:s0], [sflag:$0x3] =	stream.linear.gather @p1 [hbm4b:s26+s3], $0x200, $0x38;
	[tilespmem:$0x1F400] =	vst v63  }
0x40: {  	s0 =	sshrl.u32 s31, $0x9  }
0x41: {  	s0 =	sand.u32 $0x7F, s0  }
0x42: {  	s0 =	smul.u32 $0x3, s0;
	_ =	sdelay $0x1  }
0x43: {  	p0 =	sne.s32 s28, $0xC4;
	s0 =	ssub.s32 s29, s0  }
.Ltmp0:
0x44: {  	_ =	swait.ge [sflag:s22], $0x2000;
	s0 =	sand.u32 $0xFF, s0;
	(pc) =	sbr.rel @p0 .LBB2_2-.Ltmp0, $4  }
0x45: {  	[sflag:s22] =	ssyncset.done $0x0;
	s29 =	sshll.u32 s0, $0xD;
	s0 =	sshll.u32 s0, $0x9  }
0x46: {  	[sflag:s22] =	ssyncadd.s32 $0xFFFFE000;
	s29 =	sor.u32 $0xC00, s29;
	s0 =	sadd.s32 $0x600, s0  }
0x47: {  	[spmem:s2] =	stream.indirect.scatter.add.f32 [tilespmem:s29], [sflag:$0x2], $0x10, s0, s18, $0xb8;
	[tilespmem:$0x1F400] =	vst v63  }
0x48: {  	s25 =	sadd.s32 $0x40, s25;
	s26 =	sadd.s32 $0x40, s26;
	s29 =	smov.u32 s28  }
0x49: {  	_ =	swait.ge [sflag:s23], $0x2000  }
0x4a: {  	s24 =	sadd.s32 $0x1, s24;
	[sflag:s23] =	ssyncset.done $0x0  }
0x4b: {  	p0 =	sne.s32 s24, s12;
	[sflag:s23] =	ssyncadd.s32 $0xFFFFE000  }
.Ltmp1:
0x4c: {  	[bflag:$0x0] =	sbarrier.arrive $0xFFFF;
	(pc) =	sbr.rel @p0 .LBB2_1-.Ltmp1, $4  }
0x4d: {  	[hbm:s11], [sflag:s6] =	dma.local [spmem:s15], $0x3100  }
0x4e: {  	_ =	swait.ge [sflag:s16], $0x3100  }
0x4f: {  	[sflag:s16] =	ssyncset.done $0x0  }
0x50: {  	[sflag:s16] =	ssyncadd.s32 $0xFFFFCF00  }
0x51: {  	_ =	sfence.sel $0x180000  }
0x52: {  	[bflag:$0x0] =	sbarrier.arrive $0xFFFF  }
0x53: {  	_ =	strace $0x90000050  }
0x54: {  	[bflag:$0x2] =	sbarrier.arrive $0xFFFF  }
0x55: {  	p0 =	sne.s32 s1, $0x0;
	s0 =	rddreg [dreg:$0x2]  }
0x56: {  	s0 =	sadd.s32 @!p0 $0x100000, s0  }
0x57: {  	[sflag:s0] =	ssyncadd.tile.s32 @!p0 $0x1;
	_ =	shalt  }
.Lfunc_end2:
_tile_overlayer_lowered:
.L_overlay_start_2:
0x58: {  	(tag) =	ssettag $0x2  }
0x59: {  	s0 =	rddreg [dreg:$0x0];
	s2 =	stileid.u32  }
0x5a: {  	s1 =	rddreg [dreg:$0x1];
	p0 =	sne.s32 s2, $0x0  }
0x5b: {  	s3 =	rddreg [dreg:$0x2];
	[bflag:$0x3] =	sbarrier.arrive $0xFFFF;
	s2 =	simm.s32 @!p0 $0x1C04  }
0x5c: {  	[timem:s3], [sflag:s2] =	dma.local @!p0 [hbm:s0], s1  }
0x5d: {  	s0 =	simm.s32 @!p0 $0x4  }
0x5e: {  	_ =	swait.ge @!p0 [sflag:s0], s1  }
0x5f: {  	s1 =	ssub.s32 @!p0 $0x0, s1;
	[sflag:s0] =	ssyncset.done @!p0 $0x0  }
0x60: {  	[sflag:s0] =	ssyncadd.s32 @!p0 s1  }
0x61: {  	[bflag:$0x3] =	sbarrier.arrive $0xFFFF  }
0x62: {  	_ =	shalt  }

</sc_bundles>
